<compile_context>
chip_gen: v7x
topology: tpu7x:2x2x1
jax: 0.10.2.dev20260603
libtpu: 0.0.44.dev20260713+nightly
codegen_flags: <defaults>
</compile_context>

<pallas_src>
import jax
import jax.numpy as jnp
from jax import lax
from jax.experimental import pallas as pl
from jax.experimental.pallas import tpu as pltpu
from jax.experimental.pallas import tpu_sc as plsc

N_NODES = 10000
N_EDGES = 320000
D = 128

NC = 2
NS = 16
CHUNK = 80
EDGES_PER_TILE = N_EDGES // (NC * NS)
N_CHUNKS = EDGES_PER_TILE // CHUNK
TABLE_ROWS = 10240
ROWS_PER_TILE = TABLE_ROWS // NS
NB = 3


def _seg_sum_kernel(temp_hbm, edges_hbm, zeros_hbm, out_hbm,
                    rows0, rows1, rows2, sb0, sb1, sb2, db0, db1, db2,
                    table_sh, g0, g1, g2, s0, s1, s2, x0, x1, x2):
    c = lax.axis_index("c")
    s = lax.axis_index("s")
    wid = c * NS + s

    rows = (rows0, rows1, rows2)
    sidx = (sb0, sb1, sb2)
    dstb = (db0, db1, db2)
    gsem = (g0, g1, g2)
    ssem = (s0, s1, s2)
    xsem = (x0, x1, x2)

    def _off(i, base):
        return pl.multiple_of(base + wid * EDGES_PER_TILE + i * CHUNK, 8)

    def load_src(i, b):
        pltpu.async_copy(edges_hbm.at[pl.ds(_off(i, 0), CHUNK)],
                         sidx[b], xsem[b])

    def wait_src(b):
        pltpu.make_async_copy(edges_hbm.at[pl.ds(0, CHUNK)],
                              sidx[b], xsem[b]).wait()

    def load_dst(i, b):
        pltpu.async_copy(edges_hbm.at[pl.ds(_off(i, N_EDGES), CHUNK)],
                         dstb[b], gsem[b])

    def issue_gather(b):
        pltpu.async_copy(temp_hbm.at[sidx[b]], rows[b], gsem[b])

    def wait_gather(b):
        pltpu.make_async_copy(edges_hbm.at[pl.ds(0, CHUNK)],
                              dstb[b], gsem[b]).wait()
        pltpu.make_async_copy(temp_hbm.at[pl.ds(0, CHUNK)],
                              rows[b], gsem[b]).wait()

    def start_scatter(b):
        pltpu.async_copy(rows[b], table_sh.at[dstb[b]], ssem[b], add=True)

    def wait_scatter(b):
        pltpu.make_async_copy(rows[b], table_sh.at[dstb[b]], ssem[b]).wait()

    for b in range(NB):
        load_src(b, b)
    for b in range(2):
        load_dst(b, b)
        wait_src(b)
        issue_gather(b)

    pltpu.sync_copy(zeros_hbm, rows2)
    for k in range(ROWS_PER_TILE // CHUNK):
        pltpu.sync_copy(rows2,
                        table_sh.at[pl.ds(s * ROWS_PER_TILE + k * CHUNK,
                                          CHUNK)])
    plsc.subcore_barrier()

    def step(i, b, first, last):
        wait_gather(b)
        start_scatter(b)
        if not first:
            wait_scatter((b + 2) % NB)
        if last:
            return
        bn = (b + 2) % NB

        def load_src_ahead():
            load_src(i + NB, b)

        def issue_ahead():
            load_dst(i + 2, bn)
            wait_src(bn)
            issue_gather(bn)

        if isinstance(i, int):
            if i + NB < N_CHUNKS:
                load_src_ahead()
            if i + 2 < N_CHUNKS:
                issue_ahead()
        else:
            pl.when(i + NB < N_CHUNKS)(load_src_ahead)
            pl.when(i + 2 < N_CHUNKS)(issue_ahead)

    step(0, 0, True, False)

    def triple(k, carry):
        i = 3 * k
        step(i + 1, 1, False, False)
        step(i + 2, 2, False, False)
        step(i + 3, 0, False, False)
        return carry

    lax.fori_loop(0, (N_CHUNKS - 2) // 3, triple, 0)
    step(N_CHUNKS - 1, (N_CHUNKS - 1) % NB, False, True)
    wait_scatter((N_CHUNKS - 1) % NB)

    plsc.subcore_barrier()

    NW = ROWS_PER_TILE // CHUNK

    def _row0(k):
        return s * ROWS_PER_TILE + k * CHUNK

    def read_tbl(k, b):
        pltpu.async_copy(table_sh.at[pl.ds(_row0(k), CHUNK)],
                         rows[b], gsem[b])

    def wait_read(b):
        pltpu.make_async_copy(table_sh.at[pl.ds(0, CHUNK)],
                              rows[b], gsem[b]).wait()

    def write_out(k, b):
        pltpu.async_copy(rows[b], out_hbm.at[c, pl.ds(_row0(k), CHUNK)],
                         ssem[b])

    def wait_write(b):
        pltpu.make_async_copy(rows[b], out_hbm.at[c, pl.ds(0, CHUNK)],
                              ssem[b]).wait()

    read_tbl(0, 0)
    for k in range(NW):
        b = k % 2
        if k + 1 < NW:
            if k >= 1:
                wait_write(1 - b)
            read_tbl(k + 1, 1 - b)
        wait_read(b)
        write_out(k, b)
    wait_write(0)
    wait_write(1)


def _seg_sum(temp, edges_flat, zeros_stage):
    mesh = plsc.VectorSubcoreMesh(core_axis_name="c", subcore_axis_name="s",
                                  num_cores=NC, num_subcores=NS)
    kern = pl.kernel(
        _seg_sum_kernel,
        out_type=jax.ShapeDtypeStruct((NC, TABLE_ROWS, D), jnp.float32),
        mesh=mesh,
        scratch_types=(
            [pltpu.VMEM((CHUNK, D), jnp.float32) for _ in range(NB)]
            + [pltpu.VMEM((CHUNK,), jnp.int32) for _ in range(2 * NB)]
            + [pltpu.VMEM_SHARED((TABLE_ROWS, D), jnp.float32)]
            + [pltpu.SemaphoreType.DMA for _ in range(3 * NB)]
        ),
    )
    return kern(temp, edges_flat, zeros_stage)


ROW_BLK = 2000
D_X = 96
D_NZ = 16


def _prep_kernel(xt_ref, et_ref, ht_ref, o_ref):
    x = jnp.swapaxes(xt_ref[...], 0, 1)
    e = jnp.swapaxes(et_ref[...], 0, 1)
    h = jnp.swapaxes(ht_ref[...], 0, 1)
    o_ref[...] = jnp.concatenate([x, e, h], axis=1)


def _prep_temp(X, epsilon, h):
    return pl.pallas_call(
        _prep_kernel,
        out_shape=jax.ShapeDtypeStruct((N_NODES, D), jnp.float32),
    )(X.T, epsilon.T, h.T)


def _lin_body(t_ref, a0_ref, a1_ref, w_ref, b_ref, sc_ref):
    x = sc_ref[...] * t_ref[...] + a0_ref[0] + a1_ref[0]
    y = jnp.dot(x, w_ref[...], preferred_element_type=jnp.float32)
    return jnp.maximum(y + b_ref[...], 0.0)


def _lin_kernel(t_ref, a0_ref, a1_ref, w_ref, b_ref, sc_ref, o_ref):
    o_ref[...] = _lin_body(t_ref, a0_ref, a1_ref, w_ref, b_ref, sc_ref)


_LIN_IN_SPECS = [
    pl.BlockSpec((ROW_BLK, D), lambda i: (i, 0)),
    pl.BlockSpec((1, ROW_BLK, D), lambda i: (0, i, 0)),
    pl.BlockSpec((1, ROW_BLK, D), lambda i: (1, i, 0)),
    pl.BlockSpec((D, D), lambda i: (0, 0)),
    pl.BlockSpec((1, D), lambda i: (0, 0)),
    pl.BlockSpec((1, D), lambda i: (0, 0)),
]


def _lin_layer(temp, agg2, w, b_row, scale_row):
    return pl.pallas_call(
        _lin_kernel,
        grid=(N_NODES // ROW_BLK,),
        in_specs=_LIN_IN_SPECS,
        out_specs=pl.BlockSpec((ROW_BLK, D), lambda i: (i, 0)),
        out_shape=jax.ShapeDtypeStruct((N_NODES, D), jnp.float32),
    )(temp, agg2, agg2, w, b_row, scale_row)


def _lin2_kernel(t_ref, a0_ref, a1_ref, w_ref, b_ref, sc_ref, o_ref, acc_ref):
    i = pl.program_id(0)

    @pl.when(i == 0)
    def _():
        acc_ref[...] = jnp.zeros_like(acc_ref)

    y = _lin_body(t_ref, a0_ref, a1_ref, w_ref, b_ref, sc_ref)
    acc_ref[...] += jnp.sum(y, axis=0, keepdims=True)

    @pl.when(i == pl.num_programs(0) - 1)
    def _():
        o_ref[...] = jnp.maximum(acc_ref[...] * (1.0 / N_NODES), 0.0)


def _lin_layer2_readout(temp, agg2, w, b_row, scale_row):
    return pl.pallas_call(
        _lin2_kernel,
        grid=(N_NODES // ROW_BLK,),
        in_specs=_LIN_IN_SPECS,
        out_specs=pl.BlockSpec((1, D), lambda i: (0, 0)),
        out_shape=jax.ShapeDtypeStruct((1, D), jnp.float32),
        scratch_shapes=[pltpu.VMEM((1, D), jnp.float32)],
    )(temp, agg2, agg2, w, b_row, scale_row)


def kernel(X, h, epsilon, edge_index, W1, b1, W2, b2, eps0, eps1):
    temp = _prep_temp(X, epsilon, h)
    edges_flat = edge_index.reshape(2 * N_EDGES)
    zeros_stage = jnp.zeros((CHUNK, D), jnp.float32)
    b1r = b1.reshape(1, D)
    b2r = b2.reshape(1, D)
    sc0 = jnp.full((1, D), 1.0, jnp.float32) + eps0
    sc1 = jnp.full((1, D), 1.0, jnp.float32) + eps1

    agg2 = _seg_sum(temp, edges_flat, zeros_stage)
    y1 = _lin_layer(temp, agg2, W1, b1r, sc0)
    agg2 = _seg_sum(y1, edges_flat, zeros_stage)
    out = _lin_layer2_readout(y1, agg2, W2, b2r, sc1)
    return (out.reshape(D), epsilon)

# --- scband reference (transcript-rebuilt; emitter-appended) ---
"""Pipeline reference for scband-gin-32976758898936 (READ-ONLY COPY).

The authoritative reference and input builder live on the scoring server;
editing this copy changes nothing except your own understanding.
"""

import jax, jax.numpy as jnp
import numpy as np

N = 10000
E = 320000
D_X = 96
D_NOISE = 16
D_H = 16
D_IN = D_X + D_NOISE + D_H  # 128, matches input_dim + noise_dim = 112 + 16
D0 = 128
D1 = 128


def setup_inputs(seed: int = 0) -> dict:
    key = jax.random.key(seed)
    ks = jax.random.split(key, 10)
    X = jax.random.normal(ks[0], (N, D_X), dtype=jnp.float32)
    h = jax.random.normal(ks[1], (N, D_H), dtype=jnp.float32)
    # Bernoulli(0.5) noise, as in the torch module
    epsilon = (jax.random.uniform(ks[2], (N, D_NOISE)) < 0.5).astype(jnp.float32)
    edge_index = jax.random.randint(ks[3], (2, E), 0, N, dtype=jnp.int32)
    # GINConv apply_func Linear params for 2 layers
    W1 = jax.random.normal(ks[4], (D_IN, D0), dtype=jnp.float32) * (1.0 / np.sqrt(D_IN))
    b1 = jnp.zeros((D0,), dtype=jnp.float32)
    W2 = jax.random.normal(ks[5], (D0, D1), dtype=jnp.float32) * (1.0 / np.sqrt(D0))
    b2 = jnp.zeros((D1,), dtype=jnp.float32)
    # learnable eps per GIN layer, init_eps=0
    eps0 = jnp.zeros((), dtype=jnp.float32)
    eps1 = jnp.zeros((), dtype=jnp.float32)
    return {"X": X, "h": h, "epsilon": epsilon, "edge_index": edge_index,
            "W1": W1, "b1": b1, "W2": W2, "b2": b2, "eps0": eps0, "eps1": eps1}


def reference(X, h, epsilon, edge_index, W1, b1, W2, b2, eps0, eps1):
    # temp = cat(X, epsilon, h) along feature dim (noise_dim > 0 branch)
    temp = jnp.concatenate([X, epsilon, h], axis=1)
    src = edge_index[0]
    dst = edge_index[1]
    # GIN layer 1: sum aggregation, (1+eps)*x_dst + sum_{src->dst} x_src, then Linear + activation
    agg = jax.ops.segment_sum(jnp.take(temp, src, axis=0), dst, num_segments=N)
    temp = jax.nn.relu(((1.0 + eps0) * temp + agg) @ W1 + b1)
    # GIN layer 2
    agg = jax.ops.segment_sum(jnp.take(temp, src, axis=0), dst, num_segments=N)
    temp = jax.nn.relu(((1.0 + eps1) * temp + agg) @ W2 + b2)
    # graph readout: mean over nodes, then final activation
    out = jax.nn.relu(jnp.mean(temp, axis=0))
    return (out, epsilon)

if __name__ == "__main__":
    import jax
    _d = setup_inputs()
    print(jax.jit(kernel)(*tuple(_d.values())))

</pallas_src>

<mosaic_0001>
#map = affine_map<(d0, d1) -> (0, 0)>
#map1 = affine_map<(d0, d1) -> (0)>
#map2 = affine_map<(d0, d1) -> (0, 0, 0)>
module attributes {stable_mosaic.version = 14 : i64} {
  func.func @_seg_sum_kernel(%arg0: i32, %arg1: i32, %arg2: memref<10000x128xf32, #tpu.memory_space<hbm>>, %arg3: memref<640000xi32, #tpu.memory_space<hbm>>, %arg4: memref<80x128xf32, #tpu.memory_space<hbm>>, %arg5: memref<2x10240x128xf32, #tpu.memory_space<hbm>>, %arg6: memref<80x128xf32, #tpu.memory_space<vmem>>, %arg7: memref<80x128xf32, #tpu.memory_space<vmem>>, %arg8: memref<80x128xf32, #tpu.memory_space<vmem>>, %arg9: memref<80xi32, #tpu.memory_space<vmem>>, %arg10: memref<80xi32, #tpu.memory_space<vmem>>, %arg11: memref<80xi32, #tpu.memory_space<vmem>>, %arg12: memref<80xi32, #tpu.memory_space<vmem>>, %arg13: memref<80xi32, #tpu.memory_space<vmem>>, %arg14: memref<80xi32, #tpu.memory_space<vmem>>, %arg15: memref<10240x128xf32, #tpu.memory_space<vmem_shared>>, %arg16: memref<!tpu.dma_semaphore, #tpu.memory_space<semaphore_mem>>, %arg17: memref<!tpu.dma_semaphore, #tpu.memory_space<semaphore_mem>>, %arg18: memref<!tpu.dma_semaphore, #tpu.memory_space<semaphore_mem>>, %arg19: memref<!tpu.dma_semaphore, #tpu.memory_space<semaphore_mem>>, %arg20: memref<!tpu.dma_semaphore, #tpu.memory_space<semaphore_mem>>, %arg21: memref<!tpu.dma_semaphore, #tpu.memory_space<semaphore_mem>>, %arg22: memref<!tpu.dma_semaphore, #tpu.memory_space<semaphore_mem>>, %arg23: memref<!tpu.dma_semaphore, #tpu.memory_space<semaphore_mem>>, %arg24: memref<!tpu.dma_semaphore, #tpu.memory_space<semaphore_mem>>) attributes {dimension_semantics = [#tpu.dimension_semantics<core_parallel>, #tpu.dimension_semantics<subcore_parallel>], iteration_bounds = array<i64: 2, 16>, scalar_prefetch = 0 : i64, scratch_operands = 19 : i64, tpu.core_type = #tpu.core_type<sc_vector_subcore>, window_params = [{transform_indices = #map}, {transform_indices = #map1}, {transform_indices = #map}, {transform_indices = #map2}]} {
    %mul3A = arith.constant 16 : i32
    %mul3A_0 = arith.muli %arg0, %mul3A : i32
    %add3A = arith.addi %mul3A_0, %arg1 : i32
    %mul3A_1 = arith.constant 10000 : i32
    %mul3A_2 = arith.muli %add3A, %mul3A_1 : i32
    %add3A_3 = arith.constant 0 : i32
    %add3A_4 = arith.addi %add3A_3, %mul3A_2 : i32
    %add3A_5 = arith.constant 0 : i32
    %add3A_6 = arith.addi %add3A_4, %add3A_5 : i32
    %multiple_of3A = tpu.assume_multiple %add3A_6, 8 : i32
    %dma_start3A = tpu.memref_slice %arg3[%multiple_of3A] : memref<640000xi32, #tpu.memory_space<hbm>> -> memref<80xi32, #tpu.memory_space<hbm>>
    %dma_start3A_7 = tpu.memref_slice %arg3[%multiple_of3A] : memref<640000xi32, #tpu.memory_space<hbm>> -> memref<80xi32, #tpu.memory_space<hbm>>
    tpu.enqueue_dma source(%dma_start3A_7 : memref<80xi32, #tpu.memory_space<hbm>>) target(%arg9 : memref<80xi32, #tpu.memory_space<vmem>>) target_semaphore(%arg22 : memref<!tpu.dma_semaphore, #tpu.memory_space<semaphore_mem>>)
    %mul3A_8 = arith.constant 10000 : i32
    %mul3A_9 = arith.muli %add3A, %mul3A_8 : i32
    %add3A_10 = arith.constant 0 : i32
    %add3A_11 = arith.addi %add3A_10, %mul3A_9 : i32
    %add3A_12 = arith.constant 80 : i32
    %add3A_13 = arith.addi %add3A_11, %add3A_12 : i32
    %multiple_of3A_14 = tpu.assume_multiple %add3A_13, 8 : i32
    %dma_start3A_15 = tpu.memref_slice %arg3[%multiple_of3A_14] : memref<640000xi32, #tpu.memory_space<hbm>> -> memref<80xi32, #tpu.memory_space<hbm>>
    %dma_start3A_16 = tpu.memref_slice %arg3[%multiple_of3A_14] : memref<640000xi32, #tpu.memory_space<hbm>> -> memref<80xi32, #tpu.memory_space<hbm>>
    tpu.enqueue_dma source(%dma_start3A_16 : memref<80xi32, #tpu.memory_space<hbm>>) target(%arg10 : memref<80xi32, #tpu.memory_space<vmem>>) target_semaphore(%arg23 : memref<!tpu.dma_semaphore, #tpu.memory_space<semaphore_mem>>)
    %mul3A_17 = arith.constant 10000 : i32
    %mul3A_18 = arith.muli %add3A, %mul3A_17 : i32
    %add3A_19 = arith.constant 0 : i32
    %add3A_20 = arith.addi %add3A_19, %mul3A_18 : i32
    %add3A_21 = arith.constant 160 : i32
    %add3A_22 = arith.addi %add3A_20, %add3A_21 : i32
    %multiple_of3A_23 = tpu.assume_multiple %add3A_22, 8 : i32
    %dma_start3A_24 = tpu.memref_slice %arg3[%multiple_of3A_23] : memref<640000xi32, #tpu.memory_space<hbm>> -> memref<80xi32, #tpu.memory_space<hbm>>
    %dma_start3A_25 = tpu.memref_slice %arg3[%multiple_of3A_23] : memref<640000xi32, #tpu.memory_space<hbm>> -> memref<80xi32, #tpu.memory_space<hbm>>
    tpu.enqueue_dma source(%dma_start3A_25 : memref<80xi32, #tpu.memory_space<hbm>>) target(%arg11 : memref<80xi32, #tpu.memory_space<vmem>>) target_semaphore(%arg24 : memref<!tpu.dma_semaphore, #tpu.memory_space<semaphore_mem>>)
    %mul3A_26 = arith.constant 10000 : i32
    %mul3A_27 = arith.muli %add3A, %mul3A_26 : i32
    %add3A_28 = arith.constant 320000 : i32
    %add3A_29 = arith.addi %add3A_28, %mul3A_27 : i32
    %add3A_30 = arith.constant 0 : i32
    %add3A_31 = arith.addi %add3A_29, %add3A_30 : i32
    %multiple_of3A_32 = tpu.assume_multiple %add3A_31, 8 : i32
    %dma_start3A_33 = tpu.memref_slice %arg3[%multiple_of3A_32] : memref<640000xi32, #tpu.memory_space<hbm>> -> memref<80xi32, #tpu.memory_space<hbm>>
    %dma_start3A_34 = tpu.memref_slice %arg3[%multiple_of3A_32] : memref<640000xi32, #tpu.memory_space<hbm>> -> memref<80xi32, #tpu.memory_space<hbm>>
    tpu.enqueue_dma source(%dma_start3A_34 : memref<80xi32, #tpu.memory_space<hbm>>) target(%arg12 : memref<80xi32, #tpu.memory_space<vmem>>) target_semaphore(%arg16 : memref<!tpu.dma_semaphore, #tpu.memory_space<semaphore_mem>>)
    %dma_wait3A = arith.constant 0 : i32
    %dma_wait3A_35 = tpu.memref_slice %arg3[%dma_wait3A] : memref<640000xi32, #tpu.memory_space<hbm>> -> memref<80xi32, #tpu.memory_space<hbm>>
    %dma_wait3A_36 = arith.constant 0 : i32
    %dma_wait3A_37 = tpu.memref_slice %arg3[%dma_wait3A_36] : memref<640000xi32, #tpu.memory_space<hbm>> -> memref<80xi32, #tpu.memory_space<hbm>>
    tpu.wait_dma2 semaphore(%arg22 : memref<!tpu.dma_semaphore, #tpu.memory_space<semaphore_mem>>) src(%dma_wait3A_37 : memref<80xi32, #tpu.memory_space<hbm>>) dst(%arg9 : memref<80xi32, #tpu.memory_space<vmem>>)
    %dma_start3A_38 = arith.constant 0 : i32
    %dma_start3A_39 = arith.constant 0 : i32
    %dma_start3A_40 = tpu.memref_slice %arg2[%dma_start3A_38, %dma_start3A_39] : memref<10000x128xf32, #tpu.memory_space<hbm>> -> memref<10000x128xf32, #tpu.memory_space<hbm>>
    tpu.enqueue_indirect_dma source(%dma_start3A_40 : memref<10000x128xf32, #tpu.memory_space<hbm>>) target(%arg6 : memref<80x128xf32, #tpu.memory_space<vmem>>) offsets(%arg9 : memref<80xi32, #tpu.memory_space<vmem>>) semaphore(%arg16 : memref<!tpu.dma_semaphore, #tpu.memory_space<semaphore_mem>>)
    %mul3A_41 = arith.constant 10000 : i32
    %mul3A_42 = arith.muli %add3A, %mul3A_41 : i32
    %add3A_43 = arith.constant 320000 : i32
    %add3A_44 = arith.addi %add3A_43, %mul3A_42 : i32
    %add3A_45 = arith.constant 80 : i32
    %add3A_46 = arith.addi %add3A_44, %add3A_45 : i32
    %multiple_of3A_47 = tpu.assume_multiple %add3A_46, 8 : i32
    %dma_start3A_48 = tpu.memref_slice %arg3[%multiple_of3A_47] : memref<640000xi32, #tpu.memory_space<hbm>> -> memref<80xi32, #tpu.memory_space<hbm>>
    %dma_start3A_49 = tpu.memref_slice %arg3[%multiple_of3A_47] : memref<640000xi32, #tpu.memory_space<hbm>> -> memref<80xi32, #tpu.memory_space<hbm>>
    tpu.enqueue_dma source(%dma_start3A_49 : memref<80xi32, #tpu.memory_space<hbm>>) target(%arg13 : memref<80xi32, #tpu.memory_space<vmem>>) target_semaphore(%arg17 : memref<!tpu.dma_semaphore, #tpu.memory_space<semaphore_mem>>)
    %dma_wait3A_50 = arith.constant 0 : i32
    %dma_wait3A_51 = tpu.memref_slice %arg3[%dma_wait3A_50] : memref<640000xi32, #tpu.memory_space<hbm>> -> memref<80xi32, #tpu.memory_space<hbm>>
    %dma_wait3A_52 = arith.constant 0 : i32
    %dma_wait3A_53 = tpu.memref_slice %arg3[%dma_wait3A_52] : memref<640000xi32, #tpu.memory_space<hbm>> -> memref<80xi32, #tpu.memory_space<hbm>>
    tpu.wait_dma2 semaphore(%arg23 : memref<!tpu.dma_semaphore, #tpu.memory_space<semaphore_mem>>) src(%dma_wait3A_53 : memref<80xi32, #tpu.memory_space<hbm>>) dst(%arg10 : memref<80xi32, #tpu.memory_space<vmem>>)
    %dma_start3A_54 = arith.constant 0 : i32
    %dma_start3A_55 = arith.constant 0 : i32
    %dma_start3A_56 = tpu.memref_slice %arg2[%dma_start3A_54, %dma_start3A_55] : memref<10000x128xf32, #tpu.memory_space<hbm>> -> memref<10000x128xf32, #tpu.memory_space<hbm>>
    tpu.enqueue_indirect_dma source(%dma_start3A_56 : memref<10000x128xf32, #tpu.memory_space<hbm>>) target(%arg7 : memref<80x128xf32, #tpu.memory_space<vmem>>) offsets(%arg10 : memref<80xi32, #tpu.memory_space<vmem>>) semaphore(%arg17 : memref<!tpu.dma_semaphore, #tpu.memory_space<semaphore_mem>>)
    "tpu.region"() ({
      %run_scoped3A = tpu.sem_alloc : memref<!tpu.dma_semaphore, #tpu.memory_space<semaphore_mem>>
      tpu.enqueue_dma source(%arg4 : memref<80x128xf32, #tpu.memory_space<hbm>>) target(%arg8 : memref<80x128xf32, #tpu.memory_space<vmem>>) target_semaphore(%run_scoped3A : memref<!tpu.dma_semaphore, #tpu.memory_space<semaphore_mem>>)
      tpu.wait_dma2 semaphore(%run_scoped3A : memref<!tpu.dma_semaphore, #tpu.memory_space<semaphore_mem>>) src(%arg4 : memref<80x128xf32, #tpu.memory_space<hbm>>) dst(%arg8 : memref<80x128xf32, #tpu.memory_space<vmem>>)
      tpu.yield
    }) : () -> ()
    %mul3A_57 = arith.constant 640 : i32
    %mul3A_58 = arith.muli %arg1, %mul3A_57 : i32
    %add3A_59 = arith.constant 0 : i32
    %add3A_60 = arith.addi %mul3A_58, %add3A_59 : i32
    "tpu.region"() ({
      %run_scoped3A = tpu.sem_alloc : memref<!tpu.dma_semaphore, #tpu.memory_space<semaphore_mem>>
      %dma_start3A_408 = arith.constant 0 : i32
      %dma_start3A_409 = tpu.memref_slice %arg15[%add3A_60, %dma_start3A_408] : memref<10240x128xf32, #tpu.memory_space<vmem_shared>> -> memref<80x128xf32, #tpu.memory_space<vmem_shared>>
      %dma_start3A_410 = arith.constant 0 : i32
      %dma_start3A_411 = tpu.memref_slice %arg15[%add3A_60, %dma_start3A_410] : memref<10240x128xf32, #tpu.memory_space<vmem_shared>> -> memref<80x128xf32, #tpu.memory_space<vmem_shared>>
      tpu.enqueue_dma source(%arg8 : memref<80x128xf32, #tpu.memory_space<vmem>>) target(%dma_start3A_411 : memref<80x128xf32, #tpu.memory_space<vmem_shared>>) target_semaphore(%run_scoped3A : memref<!tpu.dma_semaphore, #tpu.memory_space<semaphore_mem>>)
      %dma_wait3A_412 = arith.constant 0 : i32
      %dma_wait3A_413 = tpu.memref_slice %arg15[%add3A_60, %dma_wait3A_412] : memref<10240x128xf32, #tpu.memory_space<vmem_shared>> -> memref<80x128xf32, #tpu.memory_space<vmem_shared>>
      %dma_wait3A_414 = arith.constant 0 : i32
      %dma_wait3A_415 = tpu.memref_slice %arg15[%add3A_60, %dma_wait3A_414] : memref<10240x128xf32, #tpu.memory_space<vmem_shared>> -> memref<80x128xf32, #tpu.memory_space<vmem_shared>>
      tpu.wait_dma2 semaphore(%run_scoped3A : memref<!tpu.dma_semaphore, #tpu.memory_space<semaphore_mem>>) src(%arg8 : memref<80x128xf32, #tpu.memory_space<vmem>>) dst(%dma_wait3A_415 : memref<80x128xf32, #tpu.memory_space<vmem_shared>>)
      tpu.yield
    }) : () -> ()
    %mul3A_61 = arith.constant 640 : i32
    %mul3A_62 = arith.muli %arg1, %mul3A_61 : i32
    %add3A_63 = arith.constant 80 : i32
    %add3A_64 = arith.addi %mul3A_62, %add3A_63 : i32
    "tpu.region"() ({
      %run_scoped3A = tpu.sem_alloc : memref<!tpu.dma_semaphore, #tpu.memory_space<semaphore_mem>>
      %dma_start3A_408 = arith.constant 0 : i32
      %dma_start3A_409 = tpu.memref_slice %arg15[%add3A_64, %dma_start3A_408] : memref<10240x128xf32, #tpu.memory_space<vmem_shared>> -> memref<80x128xf32, #tpu.memory_space<vmem_shared>>
      %dma_start3A_410 = arith.constant 0 : i32
      %dma_start3A_411 = tpu.memref_slice %arg15[%add3A_64, %dma_start3A_410] : memref<10240x128xf32, #tpu.memory_space<vmem_shared>> -> memref<80x128xf32, #tpu.memory_space<vmem_shared>>
      tpu.enqueue_dma source(%arg8 : memref<80x128xf32, #tpu.memory_space<vmem>>) target(%dma_start3A_411 : memref<80x128xf32, #tpu.memory_space<vmem_shared>>) target_semaphore(%run_scoped3A : memref<!tpu.dma_semaphore, #tpu.memory_space<semaphore_mem>>)
      %dma_wait3A_412 = arith.constant 0 : i32
      %dma_wait3A_413 = tpu.memref_slice %arg15[%add3A_64, %dma_wait3A_412] : memref<10240x128xf32, #tpu.memory_space<vmem_shared>> -> memref<80x128xf32, #tpu.memory_space<vmem_shared>>
      %dma_wait3A_414 = arith.constant 0 : i32
      %dma_wait3A_415 = tpu.memref_slice %arg15[%add3A_64, %dma_wait3A_414] : memref<10240x128xf32, #tpu.memory_space<vmem_shared>> -> memref<80x128xf32, #tpu.memory_space<vmem_shared>>
      tpu.wait_dma2 semaphore(%run_scoped3A : memref<!tpu.dma_semaphore, #tpu.memory_space<semaphore_mem>>) src(%arg8 : memref<80x128xf32, #tpu.memory_space<vmem>>) dst(%dma_wait3A_415 : memref<80x128xf32, #tpu.memory_space<vmem_shared>>)
      tpu.yield
    }) : () -> ()
    %mul3A_65 = arith.constant 640 : i32
    %mul3A_66 = arith.muli %arg1, %mul3A_65 : i32
    %add3A_67 = arith.constant 160 : i32
    %add3A_68 = arith.addi %mul3A_66, %add3A_67 : i32
    "tpu.region"() ({
      %run_scoped3A = tpu.sem_alloc : memref<!tpu.dma_semaphore, #tpu.memory_space<semaphore_mem>>
      %dma_start3A_408 = arith.constant 0 : i32
      %dma_start3A_409 = tpu.memref_slice %arg15[%add3A_68, %dma_start3A_408] : memref<10240x128xf32, #tpu.memory_space<vmem_shared>> -> memref<80x128xf32, #tpu.memory_space<vmem_shared>>
      %dma_start3A_410 = arith.constant 0 : i32
      %dma_start3A_411 = tpu.memref_slice %arg15[%add3A_68, %dma_start3A_410] : memref<10240x128xf32, #tpu.memory_space<vmem_shared>> -> memref<80x128xf32, #tpu.memory_space<vmem_shared>>
      tpu.enqueue_dma source(%arg8 : memref<80x128xf32, #tpu.memory_space<vmem>>) target(%dma_start3A_411 : memref<80x128xf32, #tpu.memory_space<vmem_shared>>) target_semaphore(%run_scoped3A : memref<!tpu.dma_semaphore, #tpu.memory_space<semaphore_mem>>)
      %dma_wait3A_412 = arith.constant 0 : i32
      %dma_wait3A_413 = tpu.memref_slice %arg15[%add3A_68, %dma_wait3A_412] : memref<10240x128xf32, #tpu.memory_space<vmem_shared>> -> memref<80x128xf32, #tpu.memory_space<vmem_shared>>
      %dma_wait3A_414 = arith.constant 0 : i32
      %dma_wait3A_415 = tpu.memref_slice %arg15[%add3A_68, %dma_wait3A_414] : memref<10240x128xf32, #tpu.memory_space<vmem_shared>> -> memref<80x128xf32, #tpu.memory_space<vmem_shared>>
      tpu.wait_dma2 semaphore(%run_scoped3A : memref<!tpu.dma_semaphore, #tpu.memory_space<semaphore_mem>>) src(%arg8 : memref<80x128xf32, #tpu.memory_space<vmem>>) dst(%dma_wait3A_415 : memref<80x128xf32, #tpu.memory_space<vmem_shared>>)
      tpu.yield
    }) : () -> ()
    %mul3A_69 = arith.constant 640 : i32
    %mul3A_70 = arith.muli %arg1, %mul3A_69 : i32
    %add3A_71 = arith.constant 240 : i32
    %add3A_72 = arith.addi %mul3A_70, %add3A_71 : i32
    "tpu.region"() ({
      %run_scoped3A = tpu.sem_alloc : memref<!tpu.dma_semaphore, #tpu.memory_space<semaphore_mem>>
      %dma_start3A_408 = arith.constant 0 : i32
      %dma_start3A_409 = tpu.memref_slice %arg15[%add3A_72, %dma_start3A_408] : memref<10240x128xf32, #tpu.memory_space<vmem_shared>> -> memref<80x128xf32, #tpu.memory_space<vmem_shared>>
      %dma_start3A_410 = arith.constant 0 : i32
      %dma_start3A_411 = tpu.memref_slice %arg15[%add3A_72, %dma_start3A_410] : memref<10240x128xf32, #tpu.memory_space<vmem_shared>> -> memref<80x128xf32, #tpu.memory_space<vmem_shared>>
      tpu.enqueue_dma source(%arg8 : memref<80x128xf32, #tpu.memory_space<vmem>>) target(%dma_start3A_411 : memref<80x128xf32, #tpu.memory_space<vmem_shared>>) target_semaphore(%run_scoped3A : memref<!tpu.dma_semaphore, #tpu.memory_space<semaphore_mem>>)
      %dma_wait3A_412 = arith.constant 0 : i32
      %dma_wait3A_413 = tpu.memref_slice %arg15[%add3A_72, %dma_wait3A_412] : memref<10240x128xf32, #tpu.memory_space<vmem_shared>> -> memref<80x128xf32, #tpu.memory_space<vmem_shared>>
      %dma_wait3A_414 = arith.constant 0 : i32
      %dma_wait3A_415 = tpu.memref_slice %arg15[%add3A_72, %dma_wait3A_414] : memref<10240x128xf32, #tpu.memory_space<vmem_shared>> -> memref<80x128xf32, #tpu.memory_space<vmem_shared>>
      tpu.wait_dma2 semaphore(%run_scoped3A : memref<!tpu.dma_semaphore, #tpu.memory_space<semaphore_mem>>) src(%arg8 : memref<80x128xf32, #tpu.memory_space<vmem>>) dst(%dma_wait3A_415 : memref<80x128xf32, #tpu.memory_space<vmem_shared>>)
      tpu.yield
    }) : () -> ()
    %mul3A_73 = arith.constant 640 : i32
    %mul3A_74 = arith.muli %arg1, %mul3A_73 : i32
    %add3A_75 = arith.constant 320 : i32
    %add3A_76 = arith.addi %mul3A_74, %add3A_75 : i32
    "tpu.region"() ({
      %run_scoped3A = tpu.sem_alloc : memref<!tpu.dma_semaphore, #tpu.memory_space<semaphore_mem>>
      %dma_start3A_408 = arith.constant 0 : i32
      %dma_start3A_409 = tpu.memref_slice %arg15[%add3A_76, %dma_start3A_408] : memref<10240x128xf32, #tpu.memory_space<vmem_shared>> -> memref<80x128xf32, #tpu.memory_space<vmem_shared>>
      %dma_start3A_410 = arith.constant 0 : i32
      %dma_start3A_411 = tpu.memref_slice %arg15[%add3A_76, %dma_start3A_410] : memref<10240x128xf32, #tpu.memory_space<vmem_shared>> -> memref<80x128xf32, #tpu.memory_space<vmem_shared>>
      tpu.enqueue_dma source(%arg8 : memref<80x128xf32, #tpu.memory_space<vmem>>) target(%dma_start3A_411 : memref<80x128xf32, #tpu.memory_space<vmem_shared>>) target_semaphore(%run_scoped3A : memref<!tpu.dma_semaphore, #tpu.memory_space<semaphore_mem>>)
      %dma_wait3A_412 = arith.constant 0 : i32
      %dma_wait3A_413 = tpu.memref_slice %arg15[%add3A_76, %dma_wait3A_412] : memref<10240x128xf32, #tpu.memory_space<vmem_shared>> -> memref<80x128xf32, #tpu.memory_space<vmem_shared>>
      %dma_wait3A_414 = arith.constant 0 : i32
      %dma_wait3A_415 = tpu.memref_slice %arg15[%add3A_76, %dma_wait3A_414] : memref<10240x128xf32, #tpu.memory_space<vmem_shared>> -> memref<80x128xf32, #tpu.memory_space<vmem_shared>>
      tpu.wait_dma2 semaphore(%run_scoped3A : memref<!tpu.dma_semaphore, #tpu.memory_space<semaphore_mem>>) src(%arg8 : memref<80x128xf32, #tpu.memory_space<vmem>>) dst(%dma_wait3A_415 : memref<80x128xf32, #tpu.memory_space<vmem_shared>>)
      tpu.yield
    }) : () -> ()
    %mul3A_77 = arith.constant 640 : i32
    %mul3A_78 = arith.muli %arg1, %mul3A_77 : i32
    %add3A_79 = arith.constant 400 : i32
    %add3A_80 = arith.addi %mul3A_78, %add3A_79 : i32
    "tpu.region"() ({
      %run_scoped3A = tpu.sem_alloc : memref<!tpu.dma_semaphore, #tpu.memory_space<semaphore_mem>>
      %dma_start3A_408 = arith.constant 0 : i32
      %dma_start3A_409 = tpu.memref_slice %arg15[%add3A_80, %dma_start3A_408] : memref<10240x128xf32, #tpu.memory_space<vmem_shared>> -> memref<80x128xf32, #tpu.memory_space<vmem_shared>>
      %dma_start3A_410 = arith.constant 0 : i32
      %dma_start3A_411 = tpu.memref_slice %arg15[%add3A_80, %dma_start3A_410] : memref<10240x128xf32, #tpu.memory_space<vmem_shared>> -> memref<80x128xf32, #tpu.memory_space<vmem_shared>>
      tpu.enqueue_dma source(%arg8 : memref<80x128xf32, #tpu.memory_space<vmem>>) target(%dma_start3A_411 : memref<80x128xf32, #tpu.memory_space<vmem_shared>>) target_semaphore(%run_scoped3A : memref<!tpu.dma_semaphore, #tpu.memory_space<semaphore_mem>>)
      %dma_wait3A_412 = arith.constant 0 : i32
      %dma_wait3A_413 = tpu.memref_slice %arg15[%add3A_80, %dma_wait3A_412] : memref<10240x128xf32, #tpu.memory_space<vmem_shared>> -> memref<80x128xf32, #tpu.memory_space<vmem_shared>>
      %dma_wait3A_414 = arith.constant 0 : i32
      %dma_wait3A_415 = tpu.memref_slice %arg15[%add3A_80, %dma_wait3A_414] : memref<10240x128xf32, #tpu.memory_space<vmem_shared>> -> memref<80x128xf32, #tpu.memory_space<vmem_shared>>
      tpu.wait_dma2 semaphore(%run_scoped3A : memref<!tpu.dma_semaphore, #tpu.memory_space<semaphore_mem>>) src(%arg8 : memref<80x128xf32, #tpu.memory_space<vmem>>) dst(%dma_wait3A_415 : memref<80x128xf32, #tpu.memory_space<vmem_shared>>)
      tpu.yield
    }) : () -> ()
    %mul3A_81 = arith.constant 640 : i32
    %mul3A_82 = arith.muli %arg1, %mul3A_81 : i32
    %add3A_83 = arith.constant 480 : i32
    %add3A_84 = arith.addi %mul3A_82, %add3A_83 : i32
    "tpu.region"() ({
      %run_scoped3A = tpu.sem_alloc : memref<!tpu.dma_semaphore, #tpu.memory_space<semaphore_mem>>
      %dma_start3A_408 = arith.constant 0 : i32
      %dma_start3A_409 = tpu.memref_slice %arg15[%add3A_84, %dma_start3A_408] : memref<10240x128xf32, #tpu.memory_space<vmem_shared>> -> memref<80x128xf32, #tpu.memory_space<vmem_shared>>
      %dma_start3A_410 = arith.constant 0 : i32
      %dma_start3A_411 = tpu.memref_slice %arg15[%add3A_84, %dma_start3A_410] : memref<10240x128xf32, #tpu.memory_space<vmem_shared>> -> memref<80x128xf32, #tpu.memory_space<vmem_shared>>
      tpu.enqueue_dma source(%arg8 : memref<80x128xf32, #tpu.memory_space<vmem>>) target(%dma_start3A_411 : memref<80x128xf32, #tpu.memory_space<vmem_shared>>) target_semaphore(%run_scoped3A : memref<!tpu.dma_semaphore, #tpu.memory_space<semaphore_mem>>)
      %dma_wait3A_412 = arith.constant 0 : i32
      %dma_wait3A_413 = tpu.memref_slice %arg15[%add3A_84, %dma_wait3A_412] : memref<10240x128xf32, #tpu.memory_space<vmem_shared>> -> memref<80x128xf32, #tpu.memory_space<vmem_shared>>
      %dma_wait3A_414 = arith.constant 0 : i32
      %dma_wait3A_415 = tpu.memref_slice %arg15[%add3A_84, %dma_wait3A_414] : memref<10240x128xf32, #tpu.memory_space<vmem_shared>> -> memref<80x128xf32, #tpu.memory_space<vmem_shared>>
      tpu.wait_dma2 semaphore(%run_scoped3A : memref<!tpu.dma_semaphore, #tpu.memory_space<semaphore_mem>>) src(%arg8 : memref<80x128xf32, #tpu.memory_space<vmem>>) dst(%dma_wait3A_415 : memref<80x128xf32, #tpu.memory_space<vmem_shared>>)
      tpu.yield
    }) : () -> ()
    %mul3A_85 = arith.constant 640 : i32
    %mul3A_86 = arith.muli %arg1, %mul3A_85 : i32
    %add3A_87 = arith.constant 560 : i32
    %add3A_88 = arith.addi %mul3A_86, %add3A_87 : i32
    "tpu.region"() ({
      %run_scoped3A = tpu.sem_alloc : memref<!tpu.dma_semaphore, #tpu.memory_space<semaphore_mem>>
      %dma_start3A_408 = arith.constant 0 : i32
      %dma_start3A_409 = tpu.memref_slice %arg15[%add3A_88, %dma_start3A_408] : memref<10240x128xf32, #tpu.memory_space<vmem_shared>> -> memref<80x128xf32, #tpu.memory_space<vmem_shared>>
      %dma_start3A_410 = arith.constant 0 : i32
      %dma_start3A_411 = tpu.memref_slice %arg15[%add3A_88, %dma_start3A_410] : memref<10240x128xf32, #tpu.memory_space<vmem_shared>> -> memref<80x128xf32, #tpu.memory_space<vmem_shared>>
      tpu.enqueue_dma source(%arg8 : memref<80x128xf32, #tpu.memory_space<vmem>>) target(%dma_start3A_411 : memref<80x128xf32, #tpu.memory_space<vmem_shared>>) target_semaphore(%run_scoped3A : memref<!tpu.dma_semaphore, #tpu.memory_space<semaphore_mem>>)
      %dma_wait3A_412 = arith.constant 0 : i32
      %dma_wait3A_413 = tpu.memref_slice %arg15[%add3A_88, %dma_wait3A_412] : memref<10240x128xf32, #tpu.memory_space<vmem_shared>> -> memref<80x128xf32, #tpu.memory_space<vmem_shared>>
      %dma_wait3A_414 = arith.constant 0 : i32
      %dma_wait3A_415 = tpu.memref_slice %arg15[%add3A_88, %dma_wait3A_414] : memref<10240x128xf32, #tpu.memory_space<vmem_shared>> -> memref<80x128xf32, #tpu.memory_space<vmem_shared>>
      tpu.wait_dma2 semaphore(%run_scoped3A : memref<!tpu.dma_semaphore, #tpu.memory_space<semaphore_mem>>) src(%arg8 : memref<80x128xf32, #tpu.memory_space<vmem>>) dst(%dma_wait3A_415 : memref<80x128xf32, #tpu.memory_space<vmem_shared>>)
      tpu.yield
    }) : () -> ()
    %barrier3A = arith.constant 0 : index
    tpu.barrier barrier_id(%barrier3A)
    %dma_wait3A_89 = arith.constant 0 : i32
    %dma_wait3A_90 = tpu.memref_slice %arg3[%dma_wait3A_89] : memref<640000xi32, #tpu.memory_space<hbm>> -> memref<80xi32, #tpu.memory_space<hbm>>
    %dma_wait3A_91 = arith.constant 0 : i32
    %dma_wait3A_92 = tpu.memref_slice %arg3[%dma_wait3A_91] : memref<640000xi32, #tpu.memory_space<hbm>> -> memref<80xi32, #tpu.memory_space<hbm>>
    tpu.wait_dma2 semaphore(%arg16 : memref<!tpu.dma_semaphore, #tpu.memory_space<semaphore_mem>>) src(%dma_wait3A_92 : memref<80xi32, #tpu.memory_space<hbm>>) dst(%arg12 : memref<80xi32, #tpu.memory_space<vmem>>)
    %dma_wait3A_93 = arith.constant 0 : i32
    %dma_wait3A_94 = arith.constant 0 : i32
    %dma_wait3A_95 = tpu.memref_slice %arg2[%dma_wait3A_93, %dma_wait3A_94] : memref<10000x128xf32, #tpu.memory_space<hbm>> -> memref<80x128xf32, #tpu.memory_space<hbm>>
    %dma_wait3A_96 = arith.constant 0 : i32
    %dma_wait3A_97 = arith.constant 0 : i32
    %dma_wait3A_98 = tpu.memref_slice %arg2[%dma_wait3A_96, %dma_wait3A_97] : memref<10000x128xf32, #tpu.memory_space<hbm>> -> memref<80x128xf32, #tpu.memory_space<hbm>>
    tpu.wait_dma2 semaphore(%arg16 : memref<!tpu.dma_semaphore, #tpu.memory_space<semaphore_mem>>) src(%dma_wait3A_98 : memref<80x128xf32, #tpu.memory_space<hbm>>) dst(%arg6 : memref<80x128xf32, #tpu.memory_space<vmem>>)
    %dma_start3A_99 = arith.constant 0 : i32
    %dma_start3A_100 = arith.constant 0 : i32
    %dma_start3A_101 = tpu.memref_slice %arg15[%dma_start3A_99, %dma_start3A_100] : memref<10240x128xf32, #tpu.memory_space<vmem_shared>> -> memref<10240x128xf32, #tpu.memory_space<vmem_shared>>
    tpu.enqueue_indirect_dma source(%arg6 : memref<80x128xf32, #tpu.memory_space<vmem>>) target(%dma_start3A_101 : memref<10240x128xf32, #tpu.memory_space<vmem_shared>>) offsets(%arg12 : memref<80xi32, #tpu.memory_space<vmem>>) semaphore(%arg19 : memref<!tpu.dma_semaphore, #tpu.memory_space<semaphore_mem>>) {add = true}
    %mul3A_102 = arith.constant 10000 : i32
    %mul3A_103 = arith.muli %add3A, %mul3A_102 : i32
    %add3A_104 = arith.constant 0 : i32
    %add3A_105 = arith.addi %add3A_104, %mul3A_103 : i32
    %add3A_106 = arith.constant 240 : i32
    %add3A_107 = arith.addi %add3A_105, %add3A_106 : i32
    %multiple_of3A_108 = tpu.assume_multiple %add3A_107, 8 : i32
    %dma_start3A_109 = tpu.memref_slice %arg3[%multiple_of3A_108] : memref<640000xi32, #tpu.memory_space<hbm>> -> memref<80xi32, #tpu.memory_space<hbm>>
    %dma_start3A_110 = tpu.memref_slice %arg3[%multiple_of3A_108] : memref<640000xi32, #tpu.memory_space<hbm>> -> memref<80xi32, #tpu.memory_space<hbm>>
    tpu.enqueue_dma source(%dma_start3A_110 : memref<80xi32, #tpu.memory_space<hbm>>) target(%arg9 : memref<80xi32, #tpu.memory_space<vmem>>) target_semaphore(%arg22 : memref<!tpu.dma_semaphore, #tpu.memory_space<semaphore_mem>>)
    %mul3A_111 = arith.constant 10000 : i32
    %mul3A_112 = arith.muli %add3A, %mul3A_111 : i32
    %add3A_113 = arith.constant 320000 : i32
    %add3A_114 = arith.addi %add3A_113, %mul3A_112 : i32
    %add3A_115 = arith.constant 160 : i32
    %add3A_116 = arith.addi %add3A_114, %add3A_115 : i32
    %multiple_of3A_117 = tpu.assume_multiple %add3A_116, 8 : i32
    %dma_start3A_118 = tpu.memref_slice %arg3[%multiple_of3A_117] : memref<640000xi32, #tpu.memory_space<hbm>> -> memref<80xi32, #tpu.memory_space<hbm>>
    %dma_start3A_119 = tpu.memref_slice %arg3[%multiple_of3A_117] : memref<640000xi32, #tpu.memory_space<hbm>> -> memref<80xi32, #tpu.memory_space<hbm>>
    tpu.enqueue_dma source(%dma_start3A_119 : memref<80xi32, #tpu.memory_space<hbm>>) target(%arg14 : memref<80xi32, #tpu.memory_space<vmem>>) target_semaphore(%arg18 : memref<!tpu.dma_semaphore, #tpu.memory_space<semaphore_mem>>)
    %dma_wait3A_120 = arith.constant 0 : i32
    %dma_wait3A_121 = tpu.memref_slice %arg3[%dma_wait3A_120] : memref<640000xi32, #tpu.memory_space<hbm>> -> memref<80xi32, #tpu.memory_space<hbm>>
    %dma_wait3A_122 = arith.constant 0 : i32
    %dma_wait3A_123 = tpu.memref_slice %arg3[%dma_wait3A_122] : memref<640000xi32, #tpu.memory_space<hbm>> -> memref<80xi32, #tpu.memory_space<hbm>>
    tpu.wait_dma2 semaphore(%arg24 : memref<!tpu.dma_semaphore, #tpu.memory_space<semaphore_mem>>) src(%dma_wait3A_123 : memref<80xi32, #tpu.memory_space<hbm>>) dst(%arg11 : memref<80xi32, #tpu.memory_space<vmem>>)
    %dma_start3A_124 = arith.constant 0 : i32
    %dma_start3A_125 = arith.constant 0 : i32
    %dma_start3A_126 = tpu.memref_slice %arg2[%dma_start3A_124, %dma_start3A_125] : memref<10000x128xf32, #tpu.memory_space<hbm>> -> memref<10000x128xf32, #tpu.memory_space<hbm>>
    tpu.enqueue_indirect_dma source(%dma_start3A_126 : memref<10000x128xf32, #tpu.memory_space<hbm>>) target(%arg8 : memref<80x128xf32, #tpu.memory_space<vmem>>) offsets(%arg11 : memref<80xi32, #tpu.memory_space<vmem>>) semaphore(%arg18 : memref<!tpu.dma_semaphore, #tpu.memory_space<semaphore_mem>>)
    %scan3A = arith.constant 0 : i32
    %scan3A_127 = arith.constant 0 : i32
    %scan3A_128 = arith.constant 41 : i32
    %scan3A_129 = arith.addi %scan3A_127, %scan3A_128 : i32
    %scan3A_130 = arith.constant 1 : i32
    scf.for %scan3A_408 = %scan3A_127 to %scan3A_129 step %scan3A_130  : i32 {
      %mul3A_409 = arith.constant 3 : i32
      %mul3A_410 = arith.muli %mul3A_409, %scan3A_408 : i32
      %add3A_411 = arith.constant 1 : i32
      %add3A_412 = arith.addi %mul3A_410, %add3A_411 : i32
      %dma_wait3A_413 = arith.constant 0 : i32
      %dma_wait3A_414 = tpu.memref_slice %arg3[%dma_wait3A_413] : memref<640000xi32, #tpu.memory_space<hbm>> -> memref<80xi32, #tpu.memory_space<hbm>>
      %dma_wait3A_415 = arith.constant 0 : i32
      %dma_wait3A_416 = tpu.memref_slice %arg3[%dma_wait3A_415] : memref<640000xi32, #tpu.memory_space<hbm>> -> memref<80xi32, #tpu.memory_space<hbm>>
      tpu.wait_dma2 semaphore(%arg17 : memref<!tpu.dma_semaphore, #tpu.memory_space<semaphore_mem>>) src(%dma_wait3A_416 : memref<80xi32, #tpu.memory_space<hbm>>) dst(%arg13 : memref<80xi32, #tpu.memory_space<vmem>>)
      %dma_wait3A_417 = arith.constant 0 : i32
      %dma_wait3A_418 = arith.constant 0 : i32
      %dma_wait3A_419 = tpu.memref_slice %arg2[%dma_wait3A_417, %dma_wait3A_418] : memref<10000x128xf32, #tpu.memory_space<hbm>> -> memref<80x128xf32, #tpu.memory_space<hbm>>
      %dma_wait3A_420 = arith.constant 0 : i32
      %dma_wait3A_421 = arith.constant 0 : i32
      %dma_wait3A_422 = tpu.memref_slice %arg2[%dma_wait3A_420, %dma_wait3A_421] : memref<10000x128xf32, #tpu.memory_space<hbm>> -> memref<80x128xf32, #tpu.memory_space<hbm>>
      tpu.wait_dma2 semaphore(%arg17 : memref<!tpu.dma_semaphore, #tpu.memory_space<semaphore_mem>>) src(%dma_wait3A_422 : memref<80x128xf32, #tpu.memory_space<hbm>>) dst(%arg7 : memref<80x128xf32, #tpu.memory_space<vmem>>)
      %dma_start3A_423 = arith.constant 0 : i32
      %dma_start3A_424 = arith.constant 0 : i32
      %dma_start3A_425 = tpu.memref_slice %arg15[%dma_start3A_423, %dma_start3A_424] : memref<10240x128xf32, #tpu.memory_space<vmem_shared>> -> memref<10240x128xf32, #tpu.memory_space<vmem_shared>>
      tpu.enqueue_indirect_dma source(%arg7 : memref<80x128xf32, #tpu.memory_space<vmem>>) target(%dma_start3A_425 : memref<10240x128xf32, #tpu.memory_space<vmem_shared>>) offsets(%arg13 : memref<80xi32, #tpu.memory_space<vmem>>) semaphore(%arg20 : memref<!tpu.dma_semaphore, #tpu.memory_space<semaphore_mem>>) {add = true}
      %dma_wait3A_426 = arith.constant 0 : i32
      %dma_wait3A_427 = arith.constant 0 : i32
      %dma_wait3A_428 = tpu.memref_slice %arg15[%dma_wait3A_426, %dma_wait3A_427] : memref<10240x128xf32, #tpu.memory_space<vmem_shared>> -> memref<10240x128xf32, #tpu.memory_space<vmem_shared>>
      tpu.wait_indirect_dma semaphore(%arg19 : memref<!tpu.dma_semaphore, #tpu.memory_space<semaphore_mem>>) src(%arg6 : memref<80x128xf32, #tpu.memory_space<vmem>>) dst(%dma_wait3A_428 : memref<10240x128xf32, #tpu.memory_space<vmem_shared>>)
      %add3A_429 = arith.constant 3 : i32
      %add3A_430 = arith.addi %add3A_412, %add3A_429 : i32
      %lt3A = arith.constant 125 : i32
      %lt3A_431 = arith.cmpi slt, %add3A_430, %lt3A : i32
      %convert_element_type3A = arith.extui %lt3A_431 : i1 to i32
      %cond3A = arith.constant 0 : i32
      %cond3A_432 = arith.cmpi ne, %convert_element_type3A, %cond3A : i32
      scf.if %cond3A_432 {
        %add3A_504 = arith.constant 3 : i32
        %add3A_505 = arith.addi %add3A_412, %add3A_504 : i32
        %mul3A_506 = arith.constant 10000 : i32
        %mul3A_507 = arith.muli %add3A, %mul3A_506 : i32
        %add3A_508 = arith.constant 0 : i32
        %add3A_509 = arith.addi %add3A_508, %mul3A_507 : i32
        %mul3A_510 = arith.constant 80 : i32
        %mul3A_511 = arith.muli %add3A_505, %mul3A_510 : i32
        %add3A_512 = arith.addi %add3A_509, %mul3A_511 : i32
        %multiple_of3A_513 = tpu.assume_multiple %add3A_512, 8 : i32
        %dma_start3A_514 = tpu.memref_slice %arg3[%multiple_of3A_513] : memref<640000xi32, #tpu.memory_space<hbm>> -> memref<80xi32, #tpu.memory_space<hbm>>
        %dma_start3A_515 = tpu.memref_slice %arg3[%multiple_of3A_513] : memref<640000xi32, #tpu.memory_space<hbm>> -> memref<80xi32, #tpu.memory_space<hbm>>
        tpu.enqueue_dma source(%dma_start3A_515 : memref<80xi32, #tpu.memory_space<hbm>>) target(%arg10 : memref<80xi32, #tpu.memory_space<vmem>>) target_semaphore(%arg23 : memref<!tpu.dma_semaphore, #tpu.memory_space<semaphore_mem>>)
      } else {
      }
      %add3A_433 = arith.constant 2 : i32
      %add3A_434 = arith.addi %add3A_412, %add3A_433 : i32
      %lt3A_435 = arith.constant 125 : i32
      %lt3A_436 = arith.cmpi slt, %add3A_434, %lt3A_435 : i32
      %convert_element_type3A_437 = arith.extui %lt3A_436 : i1 to i32
      %cond3A_438 = arith.constant 0 : i32
      %cond3A_439 = arith.cmpi ne, %convert_element_type3A_437, %cond3A_438 : i32
      scf.if %cond3A_439 {
        %add3A_504 = arith.constant 2 : i32
        %add3A_505 = arith.addi %add3A_412, %add3A_504 : i32
        %mul3A_506 = arith.constant 10000 : i32
        %mul3A_507 = arith.muli %add3A, %mul3A_506 : i32
        %add3A_508 = arith.constant 320000 : i32
        %add3A_509 = arith.addi %add3A_508, %mul3A_507 : i32
        %mul3A_510 = arith.constant 80 : i32
        %mul3A_511 = arith.muli %add3A_505, %mul3A_510 : i32
        %add3A_512 = arith.addi %add3A_509, %mul3A_511 : i32
        %multiple_of3A_513 = tpu.assume_multiple %add3A_512, 8 : i32
        %dma_start3A_514 = tpu.memref_slice %arg3[%multiple_of3A_513] : memref<640000xi32, #tpu.memory_space<hbm>> -> memref<80xi32, #tpu.memory_space<hbm>>
        %dma_start3A_515 = tpu.memref_slice %arg3[%multiple_of3A_513] : memref<640000xi32, #tpu.memory_space<hbm>> -> memref<80xi32, #tpu.memory_space<hbm>>
        tpu.enqueue_dma source(%dma_start3A_515 : memref<80xi32, #tpu.memory_space<hbm>>) target(%arg12 : memref<80xi32, #tpu.memory_space<vmem>>) target_semaphore(%arg16 : memref<!tpu.dma_semaphore, #tpu.memory_space<semaphore_mem>>)
        %dma_wait3A_516 = arith.constant 0 : i32
        %dma_wait3A_517 = tpu.memref_slice %arg3[%dma_wait3A_516] : memref<640000xi32, #tpu.memory_space<hbm>> -> memref<80xi32, #tpu.memory_space<hbm>>
        %dma_wait3A_518 = arith.constant 0 : i32
        %dma_wait3A_519 = tpu.memref_slice %arg3[%dma_wait3A_518] : memref<640000xi32, #tpu.memory_space<hbm>> -> memref<80xi32, #tpu.memory_space<hbm>>
        tpu.wait_dma2 semaphore(%arg22 : memref<!tpu.dma_semaphore, #tpu.memory_space<semaphore_mem>>) src(%dma_wait3A_519 : memref<80xi32, #tpu.memory_space<hbm>>) dst(%arg9 : memref<80xi32, #tpu.memory_space<vmem>>)
        %dma_start3A_520 = arith.constant 0 : i32
        %dma_start3A_521 = arith.constant 0 : i32
        %dma_start3A_522 = tpu.memref_slice %arg2[%dma_start3A_520, %dma_start3A_521] : memref<10000x128xf32, #tpu.memory_space<hbm>> -> memref<10000x128xf32, #tpu.memory_space<hbm>>
        tpu.enqueue_indirect_dma source(%dma_start3A_522 : memref<10000x128xf32, #tpu.memory_space<hbm>>) target(%arg6 : memref<80x128xf32, #tpu.memory_space<vmem>>) offsets(%arg9 : memref<80xi32, #tpu.memory_space<vmem>>) semaphore(%arg16 : memref<!tpu.dma_semaphore, #tpu.memory_space<semaphore_mem>>)
      } else {
      }
      %add3A_440 = arith.constant 2 : i32
      %add3A_441 = arith.addi %mul3A_410, %add3A_440 : i32
      %dma_wait3A_442 = arith.constant 0 : i32
      %dma_wait3A_443 = tpu.memref_slice %arg3[%dma_wait3A_442] : memref<640000xi32, #tpu.memory_space<hbm>> -> memref<80xi32, #tpu.memory_space<hbm>>
      %dma_wait3A_444 = arith.constant 0 : i32
      %dma_wait3A_445 = tpu.memref_slice %arg3[%dma_wait3A_444] : memref<640000xi32, #tpu.memory_space<hbm>> -> memref<80xi32, #tpu.memory_space<hbm>>
      tpu.wait_dma2 semaphore(%arg18 : memref<!tpu.dma_semaphore, #tpu.memory_space<semaphore_mem>>) src(%dma_wait3A_445 : memref<80xi32, #tpu.memory_space<hbm>>) dst(%arg14 : memref<80xi32, #tpu.memory_space<vmem>>)
      %dma_wait3A_446 = arith.constant 0 : i32
      %dma_wait3A_447 = arith.constant 0 : i32
      %dma_wait3A_448 = tpu.memref_slice %arg2[%dma_wait3A_446, %dma_wait3A_447] : memref<10000x128xf32, #tpu.memory_space<hbm>> -> memref<80x128xf32, #tpu.memory_space<hbm>>
      %dma_wait3A_449 = arith.constant 0 : i32
      %dma_wait3A_450 = arith.constant 0 : i32
      %dma_wait3A_451 = tpu.memref_slice %arg2[%dma_wait3A_449, %dma_wait3A_450] : memref<10000x128xf32, #tpu.memory_space<hbm>> -> memref<80x128xf32, #tpu.memory_space<hbm>>
      tpu.wait_dma2 semaphore(%arg18 : memref<!tpu.dma_semaphore, #tpu.memory_space<semaphore_mem>>) src(%dma_wait3A_451 : memref<80x128xf32, #tpu.memory_space<hbm>>) dst(%arg8 : memref<80x128xf32, #tpu.memory_space<vmem>>)
      %dma_start3A_452 = arith.constant 0 : i32
      %dma_start3A_453 = arith.constant 0 : i32
      %dma_start3A_454 = tpu.memref_slice %arg15[%dma_start3A_452, %dma_start3A_453] : memref<10240x128xf32, #tpu.memory_space<vmem_shared>> -> memref<10240x128xf32, #tpu.memory_space<vmem_shared>>
      tpu.enqueue_indirect_dma source(%arg8 : memref<80x128xf32, #tpu.memory_space<vmem>>) target(%dma_start3A_454 : memref<10240x128xf32, #tpu.memory_space<vmem_shared>>) offsets(%arg14 : memref<80xi32, #tpu.memory_space<vmem>>) semaphore(%arg21 : memref<!tpu.dma_semaphore, #tpu.memory_space<semaphore_mem>>) {add = true}
      %dma_wait3A_455 = arith.constant 0 : i32
      %dma_wait3A_456 = arith.constant 0 : i32
      %dma_wait3A_457 = tpu.memref_slice %arg15[%dma_wait3A_455, %dma_wait3A_456] : memref<10240x128xf32, #tpu.memory_space<vmem_shared>> -> memref<10240x128xf32, #tpu.memory_space<vmem_shared>>
      tpu.wait_indirect_dma semaphore(%arg20 : memref<!tpu.dma_semaphore, #tpu.memory_space<semaphore_mem>>) src(%arg7 : memref<80x128xf32, #tpu.memory_space<vmem>>) dst(%dma_wait3A_457 : memref<10240x128xf32, #tpu.memory_space<vmem_shared>>)
      %add3A_458 = arith.constant 3 : i32
      %add3A_459 = arith.addi %add3A_441, %add3A_458 : i32
      %lt3A_460 = arith.constant 125 : i32
      %lt3A_461 = arith.cmpi slt, %add3A_459, %lt3A_460 : i32
      %convert_element_type3A_462 = arith.extui %lt3A_461 : i1 to i32
      %cond3A_463 = arith.constant 0 : i32
      %cond3A_464 = arith.cmpi ne, %convert_element_type3A_462, %cond3A_463 : i32
      scf.if %cond3A_464 {
        %add3A_504 = arith.constant 3 : i32
        %add3A_505 = arith.addi %add3A_441, %add3A_504 : i32
        %mul3A_506 = arith.constant 10000 : i32
        %mul3A_507 = arith.muli %add3A, %mul3A_506 : i32
        %add3A_508 = arith.constant 0 : i32
        %add3A_509 = arith.addi %add3A_508, %mul3A_507 : i32
        %mul3A_510 = arith.constant 80 : i32
        %mul3A_511 = arith.muli %add3A_505, %mul3A_510 : i32
        %add3A_512 = arith.addi %add3A_509, %mul3A_511 : i32
        %multiple_of3A_513 = tpu.assume_multiple %add3A_512, 8 : i32
        %dma_start3A_514 = tpu.memref_slice %arg3[%multiple_of3A_513] : memref<640000xi32, #tpu.memory_space<hbm>> -> memref<80xi32, #tpu.memory_space<hbm>>
        %dma_start3A_515 = tpu.memref_slice %arg3[%multiple_of3A_513] : memref<640000xi32, #tpu.memory_space<hbm>> -> memref<80xi32, #tpu.memory_space<hbm>>
        tpu.enqueue_dma source(%dma_start3A_515 : memref<80xi32, #tpu.memory_space<hbm>>) target(%arg11 : memref<80xi32, #tpu.memory_space<vmem>>) target_semaphore(%arg24 : memref<!tpu.dma_semaphore, #tpu.memory_space<semaphore_mem>>)
      } else {
      }
      %add3A_465 = arith.constant 2 : i32
      %add3A_466 = arith.addi %add3A_441, %add3A_465 : i32
      %lt3A_467 = arith.constant 125 : i32
      %lt3A_468 = arith.cmpi slt, %add3A_466, %lt3A_467 : i32
      %convert_element_type3A_469 = arith.extui %lt3A_468 : i1 to i32
      %cond3A_470 = arith.constant 0 : i32
      %cond3A_471 = arith.cmpi ne, %convert_element_type3A_469, %cond3A_470 : i32
      scf.if %cond3A_471 {
        %add3A_504 = arith.constant 2 : i32
        %add3A_505 = arith.addi %add3A_441, %add3A_504 : i32
        %mul3A_506 = arith.constant 10000 : i32
        %mul3A_507 = arith.muli %add3A, %mul3A_506 : i32
        %add3A_508 = arith.constant 320000 : i32
        %add3A_509 = arith.addi %add3A_508, %mul3A_507 : i32
        %mul3A_510 = arith.constant 80 : i32
        %mul3A_511 = arith.muli %add3A_505, %mul3A_510 : i32
        %add3A_512 = arith.addi %add3A_509, %mul3A_511 : i32
        %multiple_of3A_513 = tpu.assume_multiple %add3A_512, 8 : i32
        %dma_start3A_514 = tpu.memref_slice %arg3[%multiple_of3A_513] : memref<640000xi32, #tpu.memory_space<hbm>> -> memref<80xi32, #tpu.memory_space<hbm>>
        %dma_start3A_515 = tpu.memref_slice %arg3[%multiple_of3A_513] : memref<640000xi32, #tpu.memory_space<hbm>> -> memref<80xi32, #tpu.memory_space<hbm>>
        tpu.enqueue_dma source(%dma_start3A_515 : memref<80xi32, #tpu.memory_space<hbm>>) target(%arg13 : memref<80xi32, #tpu.memory_space<vmem>>) target_semaphore(%arg17 : memref<!tpu.dma_semaphore, #tpu.memory_space<semaphore_mem>>)
        %dma_wait3A_516 = arith.constant 0 : i32
        %dma_wait3A_517 = tpu.memref_slice %arg3[%dma_wait3A_516] : memref<640000xi32, #tpu.memory_space<hbm>> -> memref<80xi32, #tpu.memory_space<hbm>>
        %dma_wait3A_518 = arith.constant 0 : i32
        %dma_wait3A_519 = tpu.memref_slice %arg3[%dma_wait3A_518] : memref<640000xi32, #tpu.memory_space<hbm>> -> memref<80xi32, #tpu.memory_space<hbm>>
        tpu.wait_dma2 semaphore(%arg23 : memref<!tpu.dma_semaphore, #tpu.memory_space<semaphore_mem>>) src(%dma_wait3A_519 : memref<80xi32, #tpu.memory_space<hbm>>) dst(%arg10 : memref<80xi32, #tpu.memory_space<vmem>>)
        %dma_start3A_520 = arith.constant 0 : i32
        %dma_start3A_521 = arith.constant 0 : i32
        %dma_start3A_522 = tpu.memref_slice %arg2[%dma_start3A_520, %dma_start3A_521] : memref<10000x128xf32, #tpu.memory_space<hbm>> -> memref<10000x128xf32, #tpu.memory_space<hbm>>
        tpu.enqueue_indirect_dma source(%dma_start3A_522 : memref<10000x128xf32, #tpu.memory_space<hbm>>) target(%arg7 : memref<80x128xf32, #tpu.memory_space<vmem>>) offsets(%arg10 : memref<80xi32, #tpu.memory_space<vmem>>) semaphore(%arg17 : memref<!tpu.dma_semaphore, #tpu.memory_space<semaphore_mem>>)
      } else {
      }
      %add3A_472 = arith.constant 3 : i32
      %add3A_473 = arith.addi %mul3A_410, %add3A_472 : i32
      %dma_wait3A_474 = arith.constant 0 : i32
      %dma_wait3A_475 = tpu.memref_slice %arg3[%dma_wait3A_474] : memref<640000xi32, #tpu.memory_space<hbm>> -> memref<80xi32, #tpu.memory_space<hbm>>
      %dma_wait3A_476 = arith.constant 0 : i32
      %dma_wait3A_477 = tpu.memref_slice %arg3[%dma_wait3A_476] : memref<640000xi32, #tpu.memory_space<hbm>> -> memref<80xi32, #tpu.memory_space<hbm>>
      tpu.wait_dma2 semaphore(%arg16 : memref<!tpu.dma_semaphore, #tpu.memory_space<semaphore_mem>>) src(%dma_wait3A_477 : memref<80xi32, #tpu.memory_space<hbm>>) dst(%arg12 : memref<80xi32, #tpu.memory_space<vmem>>)
      %dma_wait3A_478 = arith.constant 0 : i32
      %dma_wait3A_479 = arith.constant 0 : i32
      %dma_wait3A_480 = tpu.memref_slice %arg2[%dma_wait3A_478, %dma_wait3A_479] : memref<10000x128xf32, #tpu.memory_space<hbm>> -> memref<80x128xf32, #tpu.memory_space<hbm>>
      %dma_wait3A_481 = arith.constant 0 : i32
      %dma_wait3A_482 = arith.constant 0 : i32
      %dma_wait3A_483 = tpu.memref_slice %arg2[%dma_wait3A_481, %dma_wait3A_482] : memref<10000x128xf32, #tpu.memory_space<hbm>> -> memref<80x128xf32, #tpu.memory_space<hbm>>
      tpu.wait_dma2 semaphore(%arg16 : memref<!tpu.dma_semaphore, #tpu.memory_space<semaphore_mem>>) src(%dma_wait3A_483 : memref<80x128xf32, #tpu.memory_space<hbm>>) dst(%arg6 : memref<80x128xf32, #tpu.memory_space<vmem>>)
      %dma_start3A_484 = arith.constant 0 : i32
      %dma_start3A_485 = arith.constant 0 : i32
      %dma_start3A_486 = tpu.memref_slice %arg15[%dma_start3A_484, %dma_start3A_485] : memref<10240x128xf32, #tpu.memory_space<vmem_shared>> -> memref<10240x128xf32, #tpu.memory_space<vmem_shared>>
      tpu.enqueue_indirect_dma source(%arg6 : memref<80x128xf32, #tpu.memory_space<vmem>>) target(%dma_start3A_486 : memref<10240x128xf32, #tpu.memory_space<vmem_shared>>) offsets(%arg12 : memref<80xi32, #tpu.memory_space<vmem>>) semaphore(%arg19 : memref<!tpu.dma_semaphore, #tpu.memory_space<semaphore_mem>>) {add = true}
      %dma_wait3A_487 = arith.constant 0 : i32
      %dma_wait3A_488 = arith.constant 0 : i32
      %dma_wait3A_489 = tpu.memref_slice %arg15[%dma_wait3A_487, %dma_wait3A_488] : memref<10240x128xf32, #tpu.memory_space<vmem_shared>> -> memref<10240x128xf32, #tpu.memory_space<vmem_shared>>
      tpu.wait_indirect_dma semaphore(%arg21 : memref<!tpu.dma_semaphore, #tpu.memory_space<semaphore_mem>>) src(%arg8 : memref<80x128xf32, #tpu.memory_space<vmem>>) dst(%dma_wait3A_489 : memref<10240x128xf32, #tpu.memory_space<vmem_shared>>)
      %add3A_490 = arith.constant 3 : i32
      %add3A_491 = arith.addi %add3A_473, %add3A_490 : i32
      %lt3A_492 = arith.constant 125 : i32
      %lt3A_493 = arith.cmpi slt, %add3A_491, %lt3A_492 : i32
      %convert_element_type3A_494 = arith.extui %lt3A_493 : i1 to i32
      %cond3A_495 = arith.constant 0 : i32
      %cond3A_496 = arith.cmpi ne, %convert_element_type3A_494, %cond3A_495 : i32
      scf.if %cond3A_496 {
        %add3A_504 = arith.constant 3 : i32
        %add3A_505 = arith.addi %add3A_473, %add3A_504 : i32
        %mul3A_506 = arith.constant 10000 : i32
        %mul3A_507 = arith.muli %add3A, %mul3A_506 : i32
        %add3A_508 = arith.constant 0 : i32
        %add3A_509 = arith.addi %add3A_508, %mul3A_507 : i32
        %mul3A_510 = arith.constant 80 : i32
        %mul3A_511 = arith.muli %add3A_505, %mul3A_510 : i32
        %add3A_512 = arith.addi %add3A_509, %mul3A_511 : i32
        %multiple_of3A_513 = tpu.assume_multiple %add3A_512, 8 : i32
        %dma_start3A_514 = tpu.memref_slice %arg3[%multiple_of3A_513] : memref<640000xi32, #tpu.memory_space<hbm>> -> memref<80xi32, #tpu.memory_space<hbm>>
        %dma_start3A_515 = tpu.memref_slice %arg3[%multiple_of3A_513] : memref<640000xi32, #tpu.memory_space<hbm>> -> memref<80xi32, #tpu.memory_space<hbm>>
        tpu.enqueue_dma source(%dma_start3A_515 : memref<80xi32, #tpu.memory_space<hbm>>) target(%arg9 : memref<80xi32, #tpu.memory_space<vmem>>) target_semaphore(%arg22 : memref<!tpu.dma_semaphore, #tpu.memory_space<semaphore_mem>>)
      } else {
      }
      %add3A_497 = arith.constant 2 : i32
      %add3A_498 = arith.addi %add3A_473, %add3A_497 : i32
      %lt3A_499 = arith.constant 125 : i32
      %lt3A_500 = arith.cmpi slt, %add3A_498, %lt3A_499 : i32
      %convert_element_type3A_501 = arith.extui %lt3A_500 : i1 to i32
      %cond3A_502 = arith.constant 0 : i32
      %cond3A_503 = arith.cmpi ne, %convert_element_type3A_501, %cond3A_502 : i32
      scf.if %cond3A_503 {
        %add3A_504 = arith.constant 2 : i32
        %add3A_505 = arith.addi %add3A_473, %add3A_504 : i32
        %mul3A_506 = arith.constant 10000 : i32
        %mul3A_507 = arith.muli %add3A, %mul3A_506 : i32
        %add3A_508 = arith.constant 320000 : i32
        %add3A_509 = arith.addi %add3A_508, %mul3A_507 : i32
        %mul3A_510 = arith.constant 80 : i32
        %mul3A_511 = arith.muli %add3A_505, %mul3A_510 : i32
        %add3A_512 = arith.addi %add3A_509, %mul3A_511 : i32
        %multiple_of3A_513 = tpu.assume_multiple %add3A_512, 8 : i32
        %dma_start3A_514 = tpu.memref_slice %arg3[%multiple_of3A_513] : memref<640000xi32, #tpu.memory_space<hbm>> -> memref<80xi32, #tpu.memory_space<hbm>>
        %dma_start3A_515 = tpu.memref_slice %arg3[%multiple_of3A_513] : memref<640000xi32, #tpu.memory_space<hbm>> -> memref<80xi32, #tpu.memory_space<hbm>>
        tpu.enqueue_dma source(%dma_start3A_515 : memref<80xi32, #tpu.memory_space<hbm>>) target(%arg14 : memref<80xi32, #tpu.memory_space<vmem>>) target_semaphore(%arg18 : memref<!tpu.dma_semaphore, #tpu.memory_space<semaphore_mem>>)
        %dma_wait3A_516 = arith.constant 0 : i32
        %dma_wait3A_517 = tpu.memref_slice %arg3[%dma_wait3A_516] : memref<640000xi32, #tpu.memory_space<hbm>> -> memref<80xi32, #tpu.memory_space<hbm>>
        %dma_wait3A_518 = arith.constant 0 : i32
        %dma_wait3A_519 = tpu.memref_slice %arg3[%dma_wait3A_518] : memref<640000xi32, #tpu.memory_space<hbm>> -> memref<80xi32, #tpu.memory_space<hbm>>
        tpu.wait_dma2 semaphore(%arg24 : memref<!tpu.dma_semaphore, #tpu.memory_space<semaphore_mem>>) src(%dma_wait3A_519 : memref<80xi32, #tpu.memory_space<hbm>>) dst(%arg11 : memref<80xi32, #tpu.memory_space<vmem>>)
        %dma_start3A_520 = arith.constant 0 : i32
        %dma_start3A_521 = arith.constant 0 : i32
        %dma_start3A_522 = tpu.memref_slice %arg2[%dma_start3A_520, %dma_start3A_521] : memref<10000x128xf32, #tpu.memory_space<hbm>> -> memref<10000x128xf32, #tpu.memory_space<hbm>>
        tpu.enqueue_indirect_dma source(%dma_start3A_522 : memref<10000x128xf32, #tpu.memory_space<hbm>>) target(%arg8 : memref<80x128xf32, #tpu.memory_space<vmem>>) offsets(%arg11 : memref<80xi32, #tpu.memory_space<vmem>>) semaphore(%arg18 : memref<!tpu.dma_semaphore, #tpu.memory_space<semaphore_mem>>)
      } else {
      }
    }
    %scan3A_131 = arith.constant 41 : i32
    %dma_wait3A_132 = arith.constant 0 : i32
    %dma_wait3A_133 = tpu.memref_slice %arg3[%dma_wait3A_132] : memref<640000xi32, #tpu.memory_space<hbm>> -> memref<80xi32, #tpu.memory_space<hbm>>
    %dma_wait3A_134 = arith.constant 0 : i32
    %dma_wait3A_135 = tpu.memref_slice %arg3[%dma_wait3A_134] : memref<640000xi32, #tpu.memory_space<hbm>> -> memref<80xi32, #tpu.memory_space<hbm>>
    tpu.wait_dma2 semaphore(%arg17 : memref<!tpu.dma_semaphore, #tpu.memory_space<semaphore_mem>>) src(%dma_wait3A_135 : memref<80xi32, #tpu.memory_space<hbm>>) dst(%arg13 : memref<80xi32, #tpu.memory_space<vmem>>)
    %dma_wait3A_136 = arith.constant 0 : i32
    %dma_wait3A_137 = arith.constant 0 : i32
    %dma_wait3A_138 = tpu.memref_slice %arg2[%dma_wait3A_136, %dma_wait3A_137] : memref<10000x128xf32, #tpu.memory_space<hbm>> -> memref<80x128xf32, #tpu.memory_space<hbm>>
    %dma_wait3A_139 = arith.constant 0 : i32
    %dma_wait3A_140 = arith.constant 0 : i32
    %dma_wait3A_141 = tpu.memref_slice %arg2[%dma_wait3A_139, %dma_wait3A_140] : memref<10000x128xf32, #tpu.memory_space<hbm>> -> memref<80x128xf32, #tpu.memory_space<hbm>>
    tpu.wait_dma2 semaphore(%arg17 : memref<!tpu.dma_semaphore, #tpu.memory_space<semaphore_mem>>) src(%dma_wait3A_141 : memref<80x128xf32, #tpu.memory_space<hbm>>) dst(%arg7 : memref<80x128xf32, #tpu.memory_space<vmem>>)
    %dma_start3A_142 = arith.constant 0 : i32
    %dma_start3A_143 = arith.constant 0 : i32
    %dma_start3A_144 = tpu.memref_slice %arg15[%dma_start3A_142, %dma_start3A_143] : memref<10240x128xf32, #tpu.memory_space<vmem_shared>> -> memref<10240x128xf32, #tpu.memory_space<vmem_shared>>
    tpu.enqueue_indirect_dma source(%arg7 : memref<80x128xf32, #tpu.memory_space<vmem>>) target(%dma_start3A_144 : memref<10240x128xf32, #tpu.memory_space<vmem_shared>>) offsets(%arg13 : memref<80xi32, #tpu.memory_space<vmem>>) semaphore(%arg20 : memref<!tpu.dma_semaphore, #tpu.memory_space<semaphore_mem>>) {add = true}
    %dma_wait3A_145 = arith.constant 0 : i32
    %dma_wait3A_146 = arith.constant 0 : i32
    %dma_wait3A_147 = tpu.memref_slice %arg15[%dma_wait3A_145, %dma_wait3A_146] : memref<10240x128xf32, #tpu.memory_space<vmem_shared>> -> memref<10240x128xf32, #tpu.memory_space<vmem_shared>>
    tpu.wait_indirect_dma semaphore(%arg19 : memref<!tpu.dma_semaphore, #tpu.memory_space<semaphore_mem>>) src(%arg6 : memref<80x128xf32, #tpu.memory_space<vmem>>) dst(%dma_wait3A_147 : memref<10240x128xf32, #tpu.memory_space<vmem_shared>>)
    %dma_wait3A_148 = arith.constant 0 : i32
    %dma_wait3A_149 = arith.constant 0 : i32
    %dma_wait3A_150 = tpu.memref_slice %arg15[%dma_wait3A_148, %dma_wait3A_149] : memref<10240x128xf32, #tpu.memory_space<vmem_shared>> -> memref<10240x128xf32, #tpu.memory_space<vmem_shared>>
    tpu.wait_indirect_dma semaphore(%arg20 : memref<!tpu.dma_semaphore, #tpu.memory_space<semaphore_mem>>) src(%arg7 : memref<80x128xf32, #tpu.memory_space<vmem>>) dst(%dma_wait3A_150 : memref<10240x128xf32, #tpu.memory_space<vmem_shared>>)
    %barrier3A_151 = arith.constant 0 : index
    tpu.barrier barrier_id(%barrier3A_151)
    %mul3A_152 = arith.constant 640 : i32
    %mul3A_153 = arith.muli %arg1, %mul3A_152 : i32
    %add3A_154 = arith.constant 0 : i32
    %add3A_155 = arith.addi %mul3A_153, %add3A_154 : i32
    %dma_start3A_156 = arith.constant 0 : i32
    %dma_start3A_157 = tpu.memref_slice %arg15[%add3A_155, %dma_start3A_156] : memref<10240x128xf32, #tpu.memory_space<vmem_shared>> -> memref<80x128xf32, #tpu.memory_space<vmem_shared>>
    %dma_start3A_158 = arith.constant 0 : i32
    %dma_start3A_159 = tpu.memref_slice %arg15[%add3A_155, %dma_start3A_158] : memref<10240x128xf32, #tpu.memory_space<vmem_shared>> -> memref<80x128xf32, #tpu.memory_space<vmem_shared>>
    tpu.enqueue_dma source(%dma_start3A_159 : memref<80x128xf32, #tpu.memory_space<vmem_shared>>) target(%arg6 : memref<80x128xf32, #tpu.memory_space<vmem>>) target_semaphore(%arg16 : memref<!tpu.dma_semaphore, #tpu.memory_space<semaphore_mem>>)
    %mul3A_160 = arith.constant 640 : i32
    %mul3A_161 = arith.muli %arg1, %mul3A_160 : i32
    %add3A_162 = arith.constant 80 : i32
    %add3A_163 = arith.addi %mul3A_161, %add3A_162 : i32
    %dma_start3A_164 = arith.constant 0 : i32
    %dma_start3A_165 = tpu.memref_slice %arg15[%add3A_163, %dma_start3A_164] : memref<10240x128xf32, #tpu.memory_space<vmem_shared>> -> memref<80x128xf32, #tpu.memory_space<vmem_shared>>
    %dma_start3A_166 = arith.constant 0 : i32
    %dma_start3A_167 = tpu.memref_slice %arg15[%add3A_163, %dma_start3A_166] : memref<10240x128xf32, #tpu.memory_space<vmem_shared>> -> memref<80x128xf32, #tpu.memory_space<vmem_shared>>
    tpu.enqueue_dma source(%dma_start3A_167 : memref<80x128xf32, #tpu.memory_space<vmem_shared>>) target(%arg7 : memref<80x128xf32, #tpu.memory_space<vmem>>) target_semaphore(%arg17 : memref<!tpu.dma_semaphore, #tpu.memory_space<semaphore_mem>>)
    %dma_wait3A_168 = arith.constant 0 : i32
    %dma_wait3A_169 = arith.constant 0 : i32
    %dma_wait3A_170 = tpu.memref_slice %arg15[%dma_wait3A_168, %dma_wait3A_169] : memref<10240x128xf32, #tpu.memory_space<vmem_shared>> -> memref<80x128xf32, #tpu.memory_space<vmem_shared>>
    %dma_wait3A_171 = arith.constant 0 : i32
    %dma_wait3A_172 = arith.constant 0 : i32
    %dma_wait3A_173 = tpu.memref_slice %arg15[%dma_wait3A_171, %dma_wait3A_172] : memref<10240x128xf32, #tpu.memory_space<vmem_shared>> -> memref<80x128xf32, #tpu.memory_space<vmem_shared>>
    tpu.wait_dma2 semaphore(%arg16 : memref<!tpu.dma_semaphore, #tpu.memory_space<semaphore_mem>>) src(%dma_wait3A_173 : memref<80x128xf32, #tpu.memory_space<vmem_shared>>) dst(%arg6 : memref<80x128xf32, #tpu.memory_space<vmem>>)
    %mul3A_174 = arith.constant 640 : i32
    %mul3A_175 = arith.muli %arg1, %mul3A_174 : i32
    %add3A_176 = arith.constant 0 : i32
    %add3A_177 = arith.addi %mul3A_175, %add3A_176 : i32
    %dma_start3A_178 = arith.constant 0 : i32
    %dma_start3A_179 = tpu.memref_slice %arg5[%arg0, %add3A_177, %dma_start3A_178] : memref<2x10240x128xf32, #tpu.memory_space<hbm>> -> memref<1x80x128xf32, #tpu.memory_space<hbm>>
    %dma_start3A_180 = tpu.memref_squeeze %dma_start3A_179 : memref<1x80x128xf32, #tpu.memory_space<hbm>> -> memref<80x128xf32, #tpu.memory_space<hbm>>
    %dma_start3A_181 = arith.constant 0 : i32
    %dma_start3A_182 = tpu.memref_slice %arg5[%arg0, %add3A_177, %dma_start3A_181] : memref<2x10240x128xf32, #tpu.memory_space<hbm>> -> memref<1x80x128xf32, #tpu.memory_space<hbm>>
    %dma_start3A_183 = tpu.memref_squeeze %dma_start3A_182 : memref<1x80x128xf32, #tpu.memory_space<hbm>> -> memref<80x128xf32, #tpu.memory_space<hbm>>
    tpu.enqueue_dma source(%arg6 : memref<80x128xf32, #tpu.memory_space<vmem>>) target(%dma_start3A_183 : memref<80x128xf32, #tpu.memory_space<hbm>>) target_semaphore(%arg19 : memref<!tpu.dma_semaphore, #tpu.memory_space<semaphore_mem>>)
    %dma_wait3A_184 = arith.constant 0 : i32
    %dma_wait3A_185 = arith.constant 0 : i32
    %dma_wait3A_186 = tpu.memref_slice %arg5[%arg0, %dma_wait3A_184, %dma_wait3A_185] : memref<2x10240x128xf32, #tpu.memory_space<hbm>> -> memref<1x80x128xf32, #tpu.memory_space<hbm>>
    %dma_wait3A_187 = tpu.memref_squeeze %dma_wait3A_186 : memref<1x80x128xf32, #tpu.memory_space<hbm>> -> memref<80x128xf32, #tpu.memory_space<hbm>>
    %dma_wait3A_188 = arith.constant 0 : i32
    %dma_wait3A_189 = arith.constant 0 : i32
    %dma_wait3A_190 = tpu.memref_slice %arg5[%arg0, %dma_wait3A_188, %dma_wait3A_189] : memref<2x10240x128xf32, #tpu.memory_space<hbm>> -> memref<1x80x128xf32, #tpu.memory_space<hbm>>
    %dma_wait3A_191 = tpu.memref_squeeze %dma_wait3A_190 : memref<1x80x128xf32, #tpu.memory_space<hbm>> -> memref<80x128xf32, #tpu.memory_space<hbm>>
    tpu.wait_dma2 semaphore(%arg19 : memref<!tpu.dma_semaphore, #tpu.memory_space<semaphore_mem>>) src(%arg6 : memref<80x128xf32, #tpu.memory_space<vmem>>) dst(%dma_wait3A_191 : memref<80x128xf32, #tpu.memory_space<hbm>>)
    %mul3A_192 = arith.constant 640 : i32
    %mul3A_193 = arith.muli %arg1, %mul3A_192 : i32
    %add3A_194 = arith.constant 160 : i32
    %add3A_195 = arith.addi %mul3A_193, %add3A_194 : i32
    %dma_start3A_196 = arith.constant 0 : i32
    %dma_start3A_197 = tpu.memref_slice %arg15[%add3A_195, %dma_start3A_196] : memref<10240x128xf32, #tpu.memory_space<vmem_shared>> -> memref<80x128xf32, #tpu.memory_space<vmem_shared>>
    %dma_start3A_198 = arith.constant 0 : i32
    %dma_start3A_199 = tpu.memref_slice %arg15[%add3A_195, %dma_start3A_198] : memref<10240x128xf32, #tpu.memory_space<vmem_shared>> -> memref<80x128xf32, #tpu.memory_space<vmem_shared>>
    tpu.enqueue_dma source(%dma_start3A_199 : memref<80x128xf32, #tpu.memory_space<vmem_shared>>) target(%arg6 : memref<80x128xf32, #tpu.memory_space<vmem>>) target_semaphore(%arg16 : memref<!tpu.dma_semaphore, #tpu.memory_space<semaphore_mem>>)
    %dma_wait3A_200 = arith.constant 0 : i32
    %dma_wait3A_201 = arith.constant 0 : i32
    %dma_wait3A_202 = tpu.memref_slice %arg15[%dma_wait3A_200, %dma_wait3A_201] : memref<10240x128xf32, #tpu.memory_space<vmem_shared>> -> memref<80x128xf32, #tpu.memory_space<vmem_shared>>
    %dma_wait3A_203 = arith.constant 0 : i32
    %dma_wait3A_204 = arith.constant 0 : i32
    %dma_wait3A_205 = tpu.memref_slice %arg15[%dma_wait3A_203, %dma_wait3A_204] : memref<10240x128xf32, #tpu.memory_space<vmem_shared>> -> memref<80x128xf32, #tpu.memory_space<vmem_shared>>
    tpu.wait_dma2 semaphore(%arg17 : memref<!tpu.dma_semaphore, #tpu.memory_space<semaphore_mem>>) src(%dma_wait3A_205 : memref<80x128xf32, #tpu.memory_space<vmem_shared>>) dst(%arg7 : memref<80x128xf32, #tpu.memory_space<vmem>>)
    %mul3A_206 = arith.constant 640 : i32
    %mul3A_207 = arith.muli %arg1, %mul3A_206 : i32
    %add3A_208 = arith.constant 80 : i32
    %add3A_209 = arith.addi %mul3A_207, %add3A_208 : i32
    %dma_start3A_210 = arith.constant 0 : i32
    %dma_start3A_211 = tpu.memref_slice %arg5[%arg0, %add3A_209, %dma_start3A_210] : memref<2x10240x128xf32, #tpu.memory_space<hbm>> -> memref<1x80x128xf32, #tpu.memory_space<hbm>>
    %dma_start3A_212 = tpu.memref_squeeze %dma_start3A_211 : memref<1x80x128xf32, #tpu.memory_space<hbm>> -> memref<80x128xf32, #tpu.memory_space<hbm>>
    %dma_start3A_213 = arith.constant 0 : i32
    %dma_start3A_214 = tpu.memref_slice %arg5[%arg0, %add3A_209, %dma_start3A_213] : memref<2x10240x128xf32, #tpu.memory_space<hbm>> -> memref<1x80x128xf32, #tpu.memory_space<hbm>>
    %dma_start3A_215 = tpu.memref_squeeze %dma_start3A_214 : memref<1x80x128xf32, #tpu.memory_space<hbm>> -> memref<80x128xf32, #tpu.memory_space<hbm>>
    tpu.enqueue_dma source(%arg7 : memref<80x128xf32, #tpu.memory_space<vmem>>) target(%dma_start3A_215 : memref<80x128xf32, #tpu.memory_space<hbm>>) target_semaphore(%arg20 : memref<!tpu.dma_semaphore, #tpu.memory_space<semaphore_mem>>)
    %dma_wait3A_216 = arith.constant 0 : i32
    %dma_wait3A_217 = arith.constant 0 : i32
    %dma_wait3A_218 = tpu.memref_slice %arg5[%arg0, %dma_wait3A_216, %dma_wait3A_217] : memref<2x10240x128xf32, #tpu.memory_space<hbm>> -> memref<1x80x128xf32, #tpu.memory_space<hbm>>
    %dma_wait3A_219 = tpu.memref_squeeze %dma_wait3A_218 : memref<1x80x128xf32, #tpu.memory_space<hbm>> -> memref<80x128xf32, #tpu.memory_space<hbm>>
    %dma_wait3A_220 = arith.constant 0 : i32
    %dma_wait3A_221 = arith.constant 0 : i32
    %dma_wait3A_222 = tpu.memref_slice %arg5[%arg0, %dma_wait3A_220, %dma_wait3A_221] : memref<2x10240x128xf32, #tpu.memory_space<hbm>> -> memref<1x80x128xf32, #tpu.memory_space<hbm>>
    %dma_wait3A_223 = tpu.memref_squeeze %dma_wait3A_222 : memref<1x80x128xf32, #tpu.memory_space<hbm>> -> memref<80x128xf32, #tpu.memory_space<hbm>>
    tpu.wait_dma2 semaphore(%arg20 : memref<!tpu.dma_semaphore, #tpu.memory_space<semaphore_mem>>) src(%arg7 : memref<80x128xf32, #tpu.memory_space<vmem>>) dst(%dma_wait3A_223 : memref<80x128xf32, #tpu.memory_space<hbm>>)
    %mul3A_224 = arith.constant 640 : i32
    %mul3A_225 = arith.muli %arg1, %mul3A_224 : i32
    %add3A_226 = arith.constant 240 : i32
    %add3A_227 = arith.addi %mul3A_225, %add3A_226 : i32
    %dma_start3A_228 = arith.constant 0 : i32
    %dma_start3A_229 = tpu.memref_slice %arg15[%add3A_227, %dma_start3A_228] : memref<10240x128xf32, #tpu.memory_space<vmem_shared>> -> memref<80x128xf32, #tpu.memory_space<vmem_shared>>
    %dma_start3A_230 = arith.constant 0 : i32
    %dma_start3A_231 = tpu.memref_slice %arg15[%add3A_227, %dma_start3A_230] : memref<10240x128xf32, #tpu.memory_space<vmem_shared>> -> memref<80x128xf32, #tpu.memory_space<vmem_shared>>
    tpu.enqueue_dma source(%dma_start3A_231 : memref<80x128xf32, #tpu.memory_space<vmem_shared>>) target(%arg7 : memref<80x128xf32, #tpu.memory_space<vmem>>) target_semaphore(%arg17 : memref<!tpu.dma_semaphore, #tpu.memory_space<semaphore_mem>>)
    %dma_wait3A_232 = arith.constant 0 : i32
    %dma_wait3A_233 = arith.constant 0 : i32
    %dma_wait3A_234 = tpu.memref_slice %arg15[%dma_wait3A_232, %dma_wait3A_233] : memref<10240x128xf32, #tpu.memory_space<vmem_shared>> -> memref<80x128xf32, #tpu.memory_space<vmem_shared>>
    %dma_wait3A_235 = arith.constant 0 : i32
    %dma_wait3A_236 = arith.constant 0 : i32
    %dma_wait3A_237 = tpu.memref_slice %arg15[%dma_wait3A_235, %dma_wait3A_236] : memref<10240x128xf32, #tpu.memory_space<vmem_shared>> -> memref<80x128xf32, #tpu.memory_space<vmem_shared>>
    tpu.wait_dma2 semaphore(%arg16 : memref<!tpu.dma_semaphore, #tpu.memory_space<semaphore_mem>>) src(%dma_wait3A_237 : memref<80x128xf32, #tpu.memory_space<vmem_shared>>) dst(%arg6 : memref<80x128xf32, #tpu.memory_space<vmem>>)
    %mul3A_238 = arith.constant 640 : i32
    %mul3A_239 = arith.muli %arg1, %mul3A_238 : i32
    %add3A_240 = arith.constant 160 : i32
    %add3A_241 = arith.addi %mul3A_239, %add3A_240 : i32
    %dma_start3A_242 = arith.constant 0 : i32
    %dma_start3A_243 = tpu.memref_slice %arg5[%arg0, %add3A_241, %dma_start3A_242] : memref<2x10240x128xf32, #tpu.memory_space<hbm>> -> memref<1x80x128xf32, #tpu.memory_space<hbm>>
    %dma_start3A_244 = tpu.memref_squeeze %dma_start3A_243 : memref<1x80x128xf32, #tpu.memory_space<hbm>> -> memref<80x128xf32, #tpu.memory_space<hbm>>
    %dma_start3A_245 = arith.constant 0 : i32
    %dma_start3A_246 = tpu.memref_slice %arg5[%arg0, %add3A_241, %dma_start3A_245] : memref<2x10240x128xf32, #tpu.memory_space<hbm>> -> memref<1x80x128xf32, #tpu.memory_space<hbm>>
    %dma_start3A_247 = tpu.memref_squeeze %dma_start3A_246 : memref<1x80x128xf32, #tpu.memory_space<hbm>> -> memref<80x128xf32, #tpu.memory_space<hbm>>
    tpu.enqueue_dma source(%arg6 : memref<80x128xf32, #tpu.memory_space<vmem>>) target(%dma_start3A_247 : memref<80x128xf32, #tpu.memory_space<hbm>>) target_semaphore(%arg19 : memref<!tpu.dma_semaphore, #tpu.memory_space<semaphore_mem>>)
    %dma_wait3A_248 = arith.constant 0 : i32
    %dma_wait3A_249 = arith.constant 0 : i32
    %dma_wait3A_250 = tpu.memref_slice %arg5[%arg0, %dma_wait3A_248, %dma_wait3A_249] : memref<2x10240x128xf32, #tpu.memory_space<hbm>> -> memref<1x80x128xf32, #tpu.memory_space<hbm>>
    %dma_wait3A_251 = tpu.memref_squeeze %dma_wait3A_250 : memref<1x80x128xf32, #tpu.memory_space<hbm>> -> memref<80x128xf32, #tpu.memory_space<hbm>>
    %dma_wait3A_252 = arith.constant 0 : i32
    %dma_wait3A_253 = arith.constant 0 : i32
    %dma_wait3A_254 = tpu.memref_slice %arg5[%arg0, %dma_wait3A_252, %dma_wait3A_253] : memref<2x10240x128xf32, #tpu.memory_space<hbm>> -> memref<1x80x128xf32, #tpu.memory_space<hbm>>
    %dma_wait3A_255 = tpu.memref_squeeze %dma_wait3A_254 : memref<1x80x128xf32, #tpu.memory_space<hbm>> -> memref<80x128xf32, #tpu.memory_space<hbm>>
    tpu.wait_dma2 semaphore(%arg19 : memref<!tpu.dma_semaphore, #tpu.memory_space<semaphore_mem>>) src(%arg6 : memref<80x128xf32, #tpu.memory_space<vmem>>) dst(%dma_wait3A_255 : memref<80x128xf32, #tpu.memory_space<hbm>>)
    %mul3A_256 = arith.constant 640 : i32
    %mul3A_257 = arith.muli %arg1, %mul3A_256 : i32
    %add3A_258 = arith.constant 320 : i32
    %add3A_259 = arith.addi %mul3A_257, %add3A_258 : i32
    %dma_start3A_260 = arith.constant 0 : i32
    %dma_start3A_261 = tpu.memref_slice %arg15[%add3A_259, %dma_start3A_260] : memref<10240x128xf32, #tpu.memory_space<vmem_shared>> -> memref<80x128xf32, #tpu.memory_space<vmem_shared>>
    %dma_start3A_262 = arith.constant 0 : i32
    %dma_start3A_263 = tpu.memref_slice %arg15[%add3A_259, %dma_start3A_262] : memref<10240x128xf32, #tpu.memory_space<vmem_shared>> -> memref<80x128xf32, #tpu.memory_space<vmem_shared>>
    tpu.enqueue_dma source(%dma_start3A_263 : memref<80x128xf32, #tpu.memory_space<vmem_shared>>) target(%arg6 : memref<80x128xf32, #tpu.memory_space<vmem>>) target_semaphore(%arg16 : memref<!tpu.dma_semaphore, #tpu.memory_space<semaphore_mem>>)
    %dma_wait3A_264 = arith.constant 0 : i32
    %dma_wait3A_265 = arith.constant 0 : i32
    %dma_wait3A_266 = tpu.memref_slice %arg15[%dma_wait3A_264, %dma_wait3A_265] : memref<10240x128xf32, #tpu.memory_space<vmem_shared>> -> memref<80x128xf32, #tpu.memory_space<vmem_shared>>
    %dma_wait3A_267 = arith.constant 0 : i32
    %dma_wait3A_268 = arith.constant 0 : i32
    %dma_wait3A_269 = tpu.memref_slice %arg15[%dma_wait3A_267, %dma_wait3A_268] : memref<10240x128xf32, #tpu.memory_space<vmem_shared>> -> memref<80x128xf32, #tpu.memory_space<vmem_shared>>
    tpu.wait_dma2 semaphore(%arg17 : memref<!tpu.dma_semaphore, #tpu.memory_space<semaphore_mem>>) src(%dma_wait3A_269 : memref<80x128xf32, #tpu.memory_space<vmem_shared>>) dst(%arg7 : memref<80x128xf32, #tpu.memory_space<vmem>>)
    %mul3A_270 = arith.constant 640 : i32
    %mul3A_271 = arith.muli %arg1, %mul3A_270 : i32
    %add3A_272 = arith.constant 240 : i32
    %add3A_273 = arith.addi %mul3A_271, %add3A_272 : i32
    %dma_start3A_274 = arith.constant 0 : i32
    %dma_start3A_275 = tpu.memref_slice %arg5[%arg0, %add3A_273, %dma_start3A_274] : memref<2x10240x128xf32, #tpu.memory_space<hbm>> -> memref<1x80x128xf32, #tpu.memory_space<hbm>>
    %dma_start3A_276 = tpu.memref_squeeze %dma_start3A_275 : memref<1x80x128xf32, #tpu.memory_space<hbm>> -> memref<80x128xf32, #tpu.memory_space<hbm>>
    %dma_start3A_277 = arith.constant 0 : i32
    %dma_start3A_278 = tpu.memref_slice %arg5[%arg0, %add3A_273, %dma_start3A_277] : memref<2x10240x128xf32, #tpu.memory_space<hbm>> -> memref<1x80x128xf32, #tpu.memory_space<hbm>>
    %dma_start3A_279 = tpu.memref_squeeze %dma_start3A_278 : memref<1x80x128xf32, #tpu.memory_space<hbm>> -> memref<80x128xf32, #tpu.memory_space<hbm>>
    tpu.enqueue_dma source(%arg7 : memref<80x128xf32, #tpu.memory_space<vmem>>) target(%dma_start3A_279 : memref<80x128xf32, #tpu.memory_space<hbm>>) target_semaphore(%arg20 : memref<!tpu.dma_semaphore, #tpu.memory_space<semaphore_mem>>)
    %dma_wait3A_280 = arith.constant 0 : i32
    %dma_wait3A_281 = arith.constant 0 : i32
    %dma_wait3A_282 = tpu.memref_slice %arg5[%arg0, %dma_wait3A_280, %dma_wait3A_281] : memref<2x10240x128xf32, #tpu.memory_space<hbm>> -> memref<1x80x128xf32, #tpu.memory_space<hbm>>
    %dma_wait3A_283 = tpu.memref_squeeze %dma_wait3A_282 : memref<1x80x128xf32, #tpu.memory_space<hbm>> -> memref<80x128xf32, #tpu.memory_space<hbm>>
    %dma_wait3A_284 = arith.constant 0 : i32
    %dma_wait3A_285 = arith.constant 0 : i32
    %dma_wait3A_286 = tpu.memref_slice %arg5[%arg0, %dma_wait3A_284, %dma_wait3A_285] : memref<2x10240x128xf32, #tpu.memory_space<hbm>> -> memref<1x80x128xf32, #tpu.memory_space<hbm>>
    %dma_wait3A_287 = tpu.memref_squeeze %dma_wait3A_286 : memref<1x80x128xf32, #tpu.memory_space<hbm>> -> memref<80x128xf32, #tpu.memory_space<hbm>>
    tpu.wait_dma2 semaphore(%arg20 : memref<!tpu.dma_semaphore, #tpu.memory_space<semaphore_mem>>) src(%arg7 : memref<80x128xf32, #tpu.memory_space<vmem>>) dst(%dma_wait3A_287 : memref<80x128xf32, #tpu.memory_space<hbm>>)
    %mul3A_288 = arith.constant 640 : i32
    %mul3A_289 = arith.muli %arg1, %mul3A_288 : i32
    %add3A_290 = arith.constant 400 : i32
    %add3A_291 = arith.addi %mul3A_289, %add3A_290 : i32
    %dma_start3A_292 = arith.constant 0 : i32
    %dma_start3A_293 = tpu.memref_slice %arg15[%add3A_291, %dma_start3A_292] : memref<10240x128xf32, #tpu.memory_space<vmem_shared>> -> memref<80x128xf32, #tpu.memory_space<vmem_shared>>
    %dma_start3A_294 = arith.constant 0 : i32
    %dma_start3A_295 = tpu.memref_slice %arg15[%add3A_291, %dma_start3A_294] : memref<10240x128xf32, #tpu.memory_space<vmem_shared>> -> memref<80x128xf32, #tpu.memory_space<vmem_shared>>
    tpu.enqueue_dma source(%dma_start3A_295 : memref<80x128xf32, #tpu.memory_space<vmem_shared>>) target(%arg7 : memref<80x128xf32, #tpu.memory_space<vmem>>) target_semaphore(%arg17 : memref<!tpu.dma_semaphore, #tpu.memory_space<semaphore_mem>>)
    %dma_wait3A_296 = arith.constant 0 : i32
    %dma_wait3A_297 = arith.constant 0 : i32
    %dma_wait3A_298 = tpu.memref_slice %arg15[%dma_wait3A_296, %dma_wait3A_297] : memref<10240x128xf32, #tpu.memory_space<vmem_shared>> -> memref<80x128xf32, #tpu.memory_space<vmem_shared>>
    %dma_wait3A_299 = arith.constant 0 : i32
    %dma_wait3A_300 = arith.constant 0 : i32
    %dma_wait3A_301 = tpu.memref_slice %arg15[%dma_wait3A_299, %dma_wait3A_300] : memref<10240x128xf32, #tpu.memory_space<vmem_shared>> -> memref<80x128xf32, #tpu.memory_space<vmem_shared>>
    tpu.wait_dma2 semaphore(%arg16 : memref<!tpu.dma_semaphore, #tpu.memory_space<semaphore_mem>>) src(%dma_wait3A_301 : memref<80x128xf32, #tpu.memory_space<vmem_shared>>) dst(%arg6 : memref<80x128xf32, #tpu.memory_space<vmem>>)
    %mul3A_302 = arith.constant 640 : i32
    %mul3A_303 = arith.muli %arg1, %mul3A_302 : i32
    %add3A_304 = arith.constant 320 : i32
    %add3A_305 = arith.addi %mul3A_303, %add3A_304 : i32
    %dma_start3A_306 = arith.constant 0 : i32
    %dma_start3A_307 = tpu.memref_slice %arg5[%arg0, %add3A_305, %dma_start3A_306] : memref<2x10240x128xf32, #tpu.memory_space<hbm>> -> memref<1x80x128xf32, #tpu.memory_space<hbm>>
    %dma_start3A_308 = tpu.memref_squeeze %dma_start3A_307 : memref<1x80x128xf32, #tpu.memory_space<hbm>> -> memref<80x128xf32, #tpu.memory_space<hbm>>
    %dma_start3A_309 = arith.constant 0 : i32
    %dma_start3A_310 = tpu.memref_slice %arg5[%arg0, %add3A_305, %dma_start3A_309] : memref<2x10240x128xf32, #tpu.memory_space<hbm>> -> memref<1x80x128xf32, #tpu.memory_space<hbm>>
    %dma_start3A_311 = tpu.memref_squeeze %dma_start3A_310 : memref<1x80x128xf32, #tpu.memory_space<hbm>> -> memref<80x128xf32, #tpu.memory_space<hbm>>
    tpu.enqueue_dma source(%arg6 : memref<80x128xf32, #tpu.memory_space<vmem>>) target(%dma_start3A_311 : memref<80x128xf32, #tpu.memory_space<hbm>>) target_semaphore(%arg19 : memref<!tpu.dma_semaphore, #tpu.memory_space<semaphore_mem>>)
    %dma_wait3A_312 = arith.constant 0 : i32
    %dma_wait3A_313 = arith.constant 0 : i32
    %dma_wait3A_314 = tpu.memref_slice %arg5[%arg0, %dma_wait3A_312, %dma_wait3A_313] : memref<2x10240x128xf32, #tpu.memory_space<hbm>> -> memref<1x80x128xf32, #tpu.memory_space<hbm>>
    %dma_wait3A_315 = tpu.memref_squeeze %dma_wait3A_314 : memref<1x80x128xf32, #tpu.memory_space<hbm>> -> memref<80x128xf32, #tpu.memory_space<hbm>>
    %dma_wait3A_316 = arith.constant 0 : i32
    %dma_wait3A_317 = arith.constant 0 : i32
    %dma_wait3A_318 = tpu.memref_slice %arg5[%arg0, %dma_wait3A_316, %dma_wait3A_317] : memref<2x10240x128xf32, #tpu.memory_space<hbm>> -> memref<1x80x128xf32, #tpu.memory_space<hbm>>
    %dma_wait3A_319 = tpu.memref_squeeze %dma_wait3A_318 : memref<1x80x128xf32, #tpu.memory_space<hbm>> -> memref<80x128xf32, #tpu.memory_space<hbm>>
    tpu.wait_dma2 semaphore(%arg19 : memref<!tpu.dma_semaphore, #tpu.memory_space<semaphore_mem>>) src(%arg6 : memref<80x128xf32, #tpu.memory_space<vmem>>) dst(%dma_wait3A_319 : memref<80x128xf32, #tpu.memory_space<hbm>>)
    %mul3A_320 = arith.constant 640 : i32
    %mul3A_321 = arith.muli %arg1, %mul3A_320 : i32
    %add3A_322 = arith.constant 480 : i32
    %add3A_323 = arith.addi %mul3A_321, %add3A_322 : i32
    %dma_start3A_324 = arith.constant 0 : i32
    %dma_start3A_325 = tpu.memref_slice %arg15[%add3A_323, %dma_start3A_324] : memref<10240x128xf32, #tpu.memory_space<vmem_shared>> -> memref<80x128xf32, #tpu.memory_space<vmem_shared>>
    %dma_start3A_326 = arith.constant 0 : i32
    %dma_start3A_327 = tpu.memref_slice %arg15[%add3A_323, %dma_start3A_326] : memref<10240x128xf32, #tpu.memory_space<vmem_shared>> -> memref<80x128xf32, #tpu.memory_space<vmem_shared>>
    tpu.enqueue_dma source(%dma_start3A_327 : memref<80x128xf32, #tpu.memory_space<vmem_shared>>) target(%arg6 : memref<80x128xf32, #tpu.memory_space<vmem>>) target_semaphore(%arg16 : memref<!tpu.dma_semaphore, #tpu.memory_space<semaphore_mem>>)
    %dma_wait3A_328 = arith.constant 0 : i32
    %dma_wait3A_329 = arith.constant 0 : i32
    %dma_wait3A_330 = tpu.memref_slice %arg15[%dma_wait3A_328, %dma_wait3A_329] : memref<10240x128xf32, #tpu.memory_space<vmem_shared>> -> memref<80x128xf32, #tpu.memory_space<vmem_shared>>
    %dma_wait3A_331 = arith.constant 0 : i32
    %dma_wait3A_332 = arith.constant 0 : i32
    %dma_wait3A_333 = tpu.memref_slice %arg15[%dma_wait3A_331, %dma_wait3A_332] : memref<10240x128xf32, #tpu.memory_space<vmem_shared>> -> memref<80x128xf32, #tpu.memory_space<vmem_shared>>
    tpu.wait_dma2 semaphore(%arg17 : memref<!tpu.dma_semaphore, #tpu.memory_space<semaphore_mem>>) src(%dma_wait3A_333 : memref<80x128xf32, #tpu.memory_space<vmem_shared>>) dst(%arg7 : memref<80x128xf32, #tpu.memory_space<vmem>>)
    %mul3A_334 = arith.constant 640 : i32
    %mul3A_335 = arith.muli %arg1, %mul3A_334 : i32
    %add3A_336 = arith.constant 400 : i32
    %add3A_337 = arith.addi %mul3A_335, %add3A_336 : i32
    %dma_start3A_338 = arith.constant 0 : i32
    %dma_start3A_339 = tpu.memref_slice %arg5[%arg0, %add3A_337, %dma_start3A_338] : memref<2x10240x128xf32, #tpu.memory_space<hbm>> -> memref<1x80x128xf32, #tpu.memory_space<hbm>>
    %dma_start3A_340 = tpu.memref_squeeze %dma_start3A_339 : memref<1x80x128xf32, #tpu.memory_space<hbm>> -> memref<80x128xf32, #tpu.memory_space<hbm>>
    %dma_start3A_341 = arith.constant 0 : i32
    %dma_start3A_342 = tpu.memref_slice %arg5[%arg0, %add3A_337, %dma_start3A_341] : memref<2x10240x128xf32, #tpu.memory_space<hbm>> -> memref<1x80x128xf32, #tpu.memory_space<hbm>>
    %dma_start3A_343 = tpu.memref_squeeze %dma_start3A_342 : memref<1x80x128xf32, #tpu.memory_space<hbm>> -> memref<80x128xf32, #tpu.memory_space<hbm>>
    tpu.enqueue_dma source(%arg7 : memref<80x128xf32, #tpu.memory_space<vmem>>) target(%dma_start3A_343 : memref<80x128xf32, #tpu.memory_space<hbm>>) target_semaphore(%arg20 : memref<!tpu.dma_semaphore, #tpu.memory_space<semaphore_mem>>)
    %dma_wait3A_344 = arith.constant 0 : i32
    %dma_wait3A_345 = arith.constant 0 : i32
    %dma_wait3A_346 = tpu.memref_slice %arg5[%arg0, %dma_wait3A_344, %dma_wait3A_345] : memref<2x10240x128xf32, #tpu.memory_space<hbm>> -> memref<1x80x128xf32, #tpu.memory_space<hbm>>
    %dma_wait3A_347 = tpu.memref_squeeze %dma_wait3A_346 : memref<1x80x128xf32, #tpu.memory_space<hbm>> -> memref<80x128xf32, #tpu.memory_space<hbm>>
    %dma_wait3A_348 = arith.constant 0 : i32
    %dma_wait3A_349 = arith.constant 0 : i32
    %dma_wait3A_350 = tpu.memref_slice %arg5[%arg0, %dma_wait3A_348, %dma_wait3A_349] : memref<2x10240x128xf32, #tpu.memory_space<hbm>> -> memref<1x80x128xf32, #tpu.memory_space<hbm>>
    %dma_wait3A_351 = tpu.memref_squeeze %dma_wait3A_350 : memref<1x80x128xf32, #tpu.memory_space<hbm>> -> memref<80x128xf32, #tpu.memory_space<hbm>>
    tpu.wait_dma2 semaphore(%arg20 : memref<!tpu.dma_semaphore, #tpu.memory_space<semaphore_mem>>) src(%arg7 : memref<80x128xf32, #tpu.memory_space<vmem>>) dst(%dma_wait3A_351 : memref<80x128xf32, #tpu.memory_space<hbm>>)
    %mul3A_352 = arith.constant 640 : i32
    %mul3A_353 = arith.muli %arg1, %mul3A_352 : i32
    %add3A_354 = arith.constant 560 : i32
    %add3A_355 = arith.addi %mul3A_353, %add3A_354 : i32
    %dma_start3A_356 = arith.constant 0 : i32
    %dma_start3A_357 = tpu.memref_slice %arg15[%add3A_355, %dma_start3A_356] : memref<10240x128xf32, #tpu.memory_space<vmem_shared>> -> memref<80x128xf32, #tpu.memory_space<vmem_shared>>
    %dma_start3A_358 = arith.constant 0 : i32
    %dma_start3A_359 = tpu.memref_slice %arg15[%add3A_355, %dma_start3A_358] : memref<10240x128xf32, #tpu.memory_space<vmem_shared>> -> memref<80x128xf32, #tpu.memory_space<vmem_shared>>
    tpu.enqueue_dma source(%dma_start3A_359 : memref<80x128xf32, #tpu.memory_space<vmem_shared>>) target(%arg7 : memref<80x128xf32, #tpu.memory_space<vmem>>) target_semaphore(%arg17 : memref<!tpu.dma_semaphore, #tpu.memory_space<semaphore_mem>>)
    %dma_wait3A_360 = arith.constant 0 : i32
    %dma_wait3A_361 = arith.constant 0 : i32
    %dma_wait3A_362 = tpu.memref_slice %arg15[%dma_wait3A_360, %dma_wait3A_361] : memref<10240x128xf32, #tpu.memory_space<vmem_shared>> -> memref<80x128xf32, #tpu.memory_space<vmem_shared>>
    %dma_wait3A_363 = arith.constant 0 : i32
    %dma_wait3A_364 = arith.constant 0 : i32
    %dma_wait3A_365 = tpu.memref_slice %arg15[%dma_wait3A_363, %dma_wait3A_364] : memref<10240x128xf32, #tpu.memory_space<vmem_shared>> -> memref<80x128xf32, #tpu.memory_space<vmem_shared>>
    tpu.wait_dma2 semaphore(%arg16 : memref<!tpu.dma_semaphore, #tpu.memory_space<semaphore_mem>>) src(%dma_wait3A_365 : memref<80x128xf32, #tpu.memory_space<vmem_shared>>) dst(%arg6 : memref<80x128xf32, #tpu.memory_space<vmem>>)
    %mul3A_366 = arith.constant 640 : i32
    %mul3A_367 = arith.muli %arg1, %mul3A_366 : i32
    %add3A_368 = arith.constant 480 : i32
    %add3A_369 = arith.addi %mul3A_367, %add3A_368 : i32
    %dma_start3A_370 = arith.constant 0 : i32
    %dma_start3A_371 = tpu.memref_slice %arg5[%arg0, %add3A_369, %dma_start3A_370] : memref<2x10240x128xf32, #tpu.memory_space<hbm>> -> memref<1x80x128xf32, #tpu.memory_space<hbm>>
    %dma_start3A_372 = tpu.memref_squeeze %dma_start3A_371 : memref<1x80x128xf32, #tpu.memory_space<hbm>> -> memref<80x128xf32, #tpu.memory_space<hbm>>
    %dma_start3A_373 = arith.constant 0 : i32
    %dma_start3A_374 = tpu.memref_slice %arg5[%arg0, %add3A_369, %dma_start3A_373] : memref<2x10240x128xf32, #tpu.memory_space<hbm>> -> memref<1x80x128xf32, #tpu.memory_space<hbm>>
    %dma_start3A_375 = tpu.memref_squeeze %dma_start3A_374 : memref<1x80x128xf32, #tpu.memory_space<hbm>> -> memref<80x128xf32, #tpu.memory_space<hbm>>
    tpu.enqueue_dma source(%arg6 : memref<80x128xf32, #tpu.memory_space<vmem>>) target(%dma_start3A_375 : memref<80x128xf32, #tpu.memory_space<hbm>>) target_semaphore(%arg19 : memref<!tpu.dma_semaphore, #tpu.memory_space<semaphore_mem>>)
    %dma_wait3A_376 = arith.constant 0 : i32
    %dma_wait3A_377 = arith.constant 0 : i32
    %dma_wait3A_378 = tpu.memref_slice %arg15[%dma_wait3A_376, %dma_wait3A_377] : memref<10240x128xf32, #tpu.memory_space<vmem_shared>> -> memref<80x128xf32, #tpu.memory_space<vmem_shared>>
    %dma_wait3A_379 = arith.constant 0 : i32
    %dma_wait3A_380 = arith.constant 0 : i32
    %dma_wait3A_381 = tpu.memref_slice %arg15[%dma_wait3A_379, %dma_wait3A_380] : memref<10240x128xf32, #tpu.memory_space<vmem_shared>> -> memref<80x128xf32, #tpu.memory_space<vmem_shared>>
    tpu.wait_dma2 semaphore(%arg17 : memref<!tpu.dma_semaphore, #tpu.memory_space<semaphore_mem>>) src(%dma_wait3A_381 : memref<80x128xf32, #tpu.memory_space<vmem_shared>>) dst(%arg7 : memref<80x128xf32, #tpu.memory_space<vmem>>)
    %mul3A_382 = arith.constant 640 : i32
    %mul3A_383 = arith.muli %arg1, %mul3A_382 : i32
    %add3A_384 = arith.constant 560 : i32
    %add3A_385 = arith.addi %mul3A_383, %add3A_384 : i32
    %dma_start3A_386 = arith.constant 0 : i32
    %dma_start3A_387 = tpu.memref_slice %arg5[%arg0, %add3A_385, %dma_start3A_386] : memref<2x10240x128xf32, #tpu.memory_space<hbm>> -> memref<1x80x128xf32, #tpu.memory_space<hbm>>
    %dma_start3A_388 = tpu.memref_squeeze %dma_start3A_387 : memref<1x80x128xf32, #tpu.memory_space<hbm>> -> memref<80x128xf32, #tpu.memory_space<hbm>>
    %dma_start3A_389 = arith.constant 0 : i32
    %dma_start3A_390 = tpu.memref_slice %arg5[%arg0, %add3A_385, %dma_start3A_389] : memref<2x10240x128xf32, #tpu.memory_space<hbm>> -> memref<1x80x128xf32, #tpu.memory_space<hbm>>
    %dma_start3A_391 = tpu.memref_squeeze %dma_start3A_390 : memref<1x80x128xf32, #tpu.memory_space<hbm>> -> memref<80x128xf32, #tpu.memory_space<hbm>>
    tpu.enqueue_dma source(%arg7 : memref<80x128xf32, #tpu.memory_space<vmem>>) target(%dma_start3A_391 : memref<80x128xf32, #tpu.memory_space<hbm>>) target_semaphore(%arg20 : memref<!tpu.dma_semaphore, #tpu.memory_space<semaphore_mem>>)
    %dma_wait3A_392 = arith.constant 0 : i32
    %dma_wait3A_393 = arith.constant 0 : i32
    %dma_wait3A_394 = tpu.memref_slice %arg5[%arg0, %dma_wait3A_392, %dma_wait3A_393] : memref<2x10240x128xf32, #tpu.memory_space<hbm>> -> memref<1x80x128xf32, #tpu.memory_space<hbm>>
    %dma_wait3A_395 = tpu.memref_squeeze %dma_wait3A_394 : memref<1x80x128xf32, #tpu.memory_space<hbm>> -> memref<80x128xf32, #tpu.memory_space<hbm>>
    %dma_wait3A_396 = arith.constant 0 : i32
    %dma_wait3A_397 = arith.constant 0 : i32
    %dma_wait3A_398 = tpu.memref_slice %arg5[%arg0, %dma_wait3A_396, %dma_wait3A_397] : memref<2x10240x128xf32, #tpu.memory_space<hbm>> -> memref<1x80x128xf32, #tpu.memory_space<hbm>>
    %dma_wait3A_399 = tpu.memref_squeeze %dma_wait3A_398 : memref<1x80x128xf32, #tpu.memory_space<hbm>> -> memref<80x128xf32, #tpu.memory_space<hbm>>
    tpu.wait_dma2 semaphore(%arg19 : memref<!tpu.dma_semaphore, #tpu.memory_space<semaphore_mem>>) src(%arg6 : memref<80x128xf32, #tpu.memory_space<vmem>>) dst(%dma_wait3A_399 : memref<80x128xf32, #tpu.memory_space<hbm>>)
    %dma_wait3A_400 = arith.constant 0 : i32
    %dma_wait3A_401 = arith.constant 0 : i32
    %dma_wait3A_402 = tpu.memref_slice %arg5[%arg0, %dma_wait3A_400, %dma_wait3A_401] : memref<2x10240x128xf32, #tpu.memory_space<hbm>> -> memref<1x80x128xf32, #tpu.memory_space<hbm>>
    %dma_wait3A_403 = tpu.memref_squeeze %dma_wait3A_402 : memref<1x80x128xf32, #tpu.memory_space<hbm>> -> memref<80x128xf32, #tpu.memory_space<hbm>>
    %dma_wait3A_404 = arith.constant 0 : i32
    %dma_wait3A_405 = arith.constant 0 : i32
    %dma_wait3A_406 = tpu.memref_slice %arg5[%arg0, %dma_wait3A_404, %dma_wait3A_405] : memref<2x10240x128xf32, #tpu.memory_space<hbm>> -> memref<1x80x128xf32, #tpu.memory_space<hbm>>
    %dma_wait3A_407 = tpu.memref_squeeze %dma_wait3A_406 : memref<1x80x128xf32, #tpu.memory_space<hbm>> -> memref<80x128xf32, #tpu.memory_space<hbm>>
    tpu.wait_dma2 semaphore(%arg20 : memref<!tpu.dma_semaphore, #tpu.memory_space<semaphore_mem>>) src(%arg7 : memref<80x128xf32, #tpu.memory_space<vmem>>) dst(%dma_wait3A_407 : memref<80x128xf32, #tpu.memory_space<hbm>>)
    return
  }
}

#map = affine_map<(d0, d1) -> (0, 0)>
#map1 = affine_map<(d0, d1) -> (0)>
#map2 = affine_map<(d0, d1) -> (0, 0, 0)>
module attributes {stable_mosaic.version = 14 : i64} {
  func.func @_seg_sum_kernel(%arg0: i32, %arg1: i32, %arg2: memref<10000x128xf32, #tpu.memory_space<hbm>>, %arg3: memref<640000xi32, #tpu.memory_space<hbm>>, %arg4: memref<80x128xf32, #tpu.memory_space<hbm>>, %arg5: memref<2x10240x128xf32, #tpu.memory_space<hbm>>, %arg6: memref<80x128xf32, #tpu.memory_space<vmem>>, %arg7: memref<80x128xf32, #tpu.memory_space<vmem>>, %arg8: memref<80x128xf32, #tpu.memory_space<vmem>>, %arg9: memref<80xi32, #tpu.memory_space<vmem>>, %arg10: memref<80xi32, #tpu.memory_space<vmem>>, %arg11: memref<80xi32, #tpu.memory_space<vmem>>, %arg12: memref<80xi32, #tpu.memory_space<vmem>>, %arg13: memref<80xi32, #tpu.memory_space<vmem>>, %arg14: memref<80xi32, #tpu.memory_space<vmem>>, %arg15: memref<10240x128xf32, #tpu.memory_space<vmem_shared>>, %arg16: memref<!tpu.dma_semaphore, #tpu.memory_space<semaphore_mem>>, %arg17: memref<!tpu.dma_semaphore, #tpu.memory_space<semaphore_mem>>, %arg18: memref<!tpu.dma_semaphore, #tpu.memory_space<semaphore_mem>>, %arg19: memref<!tpu.dma_semaphore, #tpu.memory_space<semaphore_mem>>, %arg20: memref<!tpu.dma_semaphore, #tpu.memory_space<semaphore_mem>>, %arg21: memref<!tpu.dma_semaphore, #tpu.memory_space<semaphore_mem>>, %arg22: memref<!tpu.dma_semaphore, #tpu.memory_space<semaphore_mem>>, %arg23: memref<!tpu.dma_semaphore, #tpu.memory_space<semaphore_mem>>, %arg24: memref<!tpu.dma_semaphore, #tpu.memory_space<semaphore_mem>>) attributes {dimension_semantics = [#tpu.dimension_semantics<core_parallel>, #tpu.dimension_semantics<subcore_parallel>], iteration_bounds = array<i64: 2, 16>, scalar_prefetch = 0 : i64, scratch_operands = 19 : i64, tpu.core_type = #tpu.core_type<sc_vector_subcore>, window_params = [{transform_indices = #map}, {transform_indices = #map1}, {transform_indices = #map}, {transform_indices = #map2}]} {
    %mul3A = arith.constant 16 : i32
    %mul3A_0 = arith.muli %arg0, %mul3A : i32
    %add3A = arith.addi %mul3A_0, %arg1 : i32
    %mul3A_1 = arith.constant 10000 : i32
    %mul3A_2 = arith.muli %add3A, %mul3A_1 : i32
    %add3A_3 = arith.constant 0 : i32
    %add3A_4 = arith.addi %add3A_3, %mul3A_2 : i32
    %add3A_5 = arith.constant 0 : i32
    %add3A_6 = arith.addi %add3A_4, %add3A_5 : i32
    %multiple_of3A = tpu.assume_multiple %add3A_6, 8 : i32
    %dma_start3A = tpu.memref_slice %arg3[%multiple_of3A] : memref<640000xi32, #tpu.memory_space<hbm>> -> memref<80xi32, #tpu.memory_space<hbm>>
    %dma_start3A_7 = tpu.memref_slice %arg3[%multiple_of3A] : memref<640000xi32, #tpu.memory_space<hbm>> -> memref<80xi32, #tpu.memory_space<hbm>>
    tpu.enqueue_dma source(%dma_start3A_7 : memref<80xi32, #tpu.memory_space<hbm>>) target(%arg9 : memref<80xi32, #tpu.memory_space<vmem>>) target_semaphore(%arg22 : memref<!tpu.dma_semaphore, #tpu.memory_space<semaphore_mem>>)
    %mul3A_8 = arith.constant 10000 : i32
    %mul3A_9 = arith.muli %add3A, %mul3A_8 : i32
    %add3A_10 = arith.constant 0 : i32
    %add3A_11 = arith.addi %add3A_10, %mul3A_9 : i32
    %add3A_12 = arith.constant 80 : i32
    %add3A_13 = arith.addi %add3A_11, %add3A_12 : i32
    %multiple_of3A_14 = tpu.assume_multiple %add3A_13, 8 : i32
    %dma_start3A_15 = tpu.memref_slice %arg3[%multiple_of3A_14] : memref<640000xi32, #tpu.memory_space<hbm>> -> memref<80xi32, #tpu.memory_space<hbm>>
    %dma_start3A_16 = tpu.memref_slice %arg3[%multiple_of3A_14] : memref<640000xi32, #tpu.memory_space<hbm>> -> memref<80xi32, #tpu.memory_space<hbm>>
    tpu.enqueue_dma source(%dma_start3A_16 : memref<80xi32, #tpu.memory_space<hbm>>) target(%arg10 : memref<80xi32, #tpu.memory_space<vmem>>) target_semaphore(%arg23 : memref<!tpu.dma_semaphore, #tpu.memory_space<semaphore_mem>>)
    %mul3A_17 = arith.constant 10000 : i32
    %mul3A_18 = arith.muli %add3A, %mul3A_17 : i32
    %add3A_19 = arith.constant 0 : i32
    %add3A_20 = arith.addi %add3A_19, %mul3A_18 : i32
    %add3A_21 = arith.constant 160 : i32
    %add3A_22 = arith.addi %add3A_20, %add3A_21 : i32
    %multiple_of3A_23 = tpu.assume_multiple %add3A_22, 8 : i32
    %dma_start3A_24 = tpu.memref_slice %arg3[%multiple_of3A_23] : memref<640000xi32, #tpu.memory_space<hbm>> -> memref<80xi32, #tpu.memory_space<hbm>>
    %dma_start3A_25 = tpu.memref_slice %arg3[%multiple_of3A_23] : memref<640000xi32, #tpu.memory_space<hbm>> -> memref<80xi32, #tpu.memory_space<hbm>>
    tpu.enqueue_dma source(%dma_start3A_25 : memref<80xi32, #tpu.memory_space<hbm>>) target(%arg11 : memref<80xi32, #tpu.memory_space<vmem>>) target_semaphore(%arg24 : memref<!tpu.dma_semaphore, #tpu.memory_space<semaphore_mem>>)
    %mul3A_26 = arith.constant 10000 : i32
    %mul3A_27 = arith.muli %add3A, %mul3A_26 : i32
    %add3A_28 = arith.constant 320000 : i32
    %add3A_29 = arith.addi %add3A_28, %mul3A_27 : i32
    %add3A_30 = arith.constant 0 : i32
    %add3A_31 = arith.addi %add3A_29, %add3A_30 : i32
    %multiple_of3A_32 = tpu.assume_multiple %add3A_31, 8 : i32
    %dma_start3A_33 = tpu.memref_slice %arg3[%multiple_of3A_32] : memref<640000xi32, #tpu.memory_space<hbm>> -> memref<80xi32, #tpu.memory_space<hbm>>
    %dma_start3A_34 = tpu.memref_slice %arg3[%multiple_of3A_32] : memref<640000xi32, #tpu.memory_space<hbm>> -> memref<80xi32, #tpu.memory_space<hbm>>
    tpu.enqueue_dma source(%dma_start3A_34 : memref<80xi32, #tpu.memory_space<hbm>>) target(%arg12 : memref<80xi32, #tpu.memory_space<vmem>>) target_semaphore(%arg16 : memref<!tpu.dma_semaphore, #tpu.memory_space<semaphore_mem>>)
    %dma_wait3A = arith.constant 0 : i32
    %dma_wait3A_35 = tpu.memref_slice %arg3[%dma_wait3A] : memref<640000xi32, #tpu.memory_space<hbm>> -> memref<80xi32, #tpu.memory_space<hbm>>
    %dma_wait3A_36 = arith.constant 0 : i32
    %dma_wait3A_37 = tpu.memref_slice %arg3[%dma_wait3A_36] : memref<640000xi32, #tpu.memory_space<hbm>> -> memref<80xi32, #tpu.memory_space<hbm>>
    tpu.wait_dma2 semaphore(%arg22 : memref<!tpu.dma_semaphore, #tpu.memory_space<semaphore_mem>>) src(%dma_wait3A_37 : memref<80xi32, #tpu.memory_space<hbm>>) dst(%arg9 : memref<80xi32, #tpu.memory_space<vmem>>)
    %dma_start3A_38 = arith.constant 0 : i32
    %dma_start3A_39 = arith.constant 0 : i32
    %dma_start3A_40 = tpu.memref_slice %arg2[%dma_start3A_38, %dma_start3A_39] : memref<10000x128xf32, #tpu.memory_space<hbm>> -> memref<10000x128xf32, #tpu.memory_space<hbm>>
    tpu.enqueue_indirect_dma source(%dma_start3A_40 : memref<10000x128xf32, #tpu.memory_space<hbm>>) target(%arg6 : memref<80x128xf32, #tpu.memory_space<vmem>>) offsets(%arg9 : memref<80xi32, #tpu.memory_space<vmem>>) semaphore(%arg16 : memref<!tpu.dma_semaphore, #tpu.memory_space<semaphore_mem>>)
    %mul3A_41 = arith.constant 10000 : i32
    %mul3A_42 = arith.muli %add3A, %mul3A_41 : i32
    %add3A_43 = arith.constant 320000 : i32
    %add3A_44 = arith.addi %add3A_43, %mul3A_42 : i32
    %add3A_45 = arith.constant 80 : i32
    %add3A_46 = arith.addi %add3A_44, %add3A_45 : i32
    %multiple_of3A_47 = tpu.assume_multiple %add3A_46, 8 : i32
    %dma_start3A_48 = tpu.memref_slice %arg3[%multiple_of3A_47] : memref<640000xi32, #tpu.memory_space<hbm>> -> memref<80xi32, #tpu.memory_space<hbm>>
    %dma_start3A_49 = tpu.memref_slice %arg3[%multiple_of3A_47] : memref<640000xi32, #tpu.memory_space<hbm>> -> memref<80xi32, #tpu.memory_space<hbm>>
    tpu.enqueue_dma source(%dma_start3A_49 : memref<80xi32, #tpu.memory_space<hbm>>) target(%arg13 : memref<80xi32, #tpu.memory_space<vmem>>) target_semaphore(%arg17 : memref<!tpu.dma_semaphore, #tpu.memory_space<semaphore_mem>>)
    %dma_wait3A_50 = arith.constant 0 : i32
    %dma_wait3A_51 = tpu.memref_slice %arg3[%dma_wait3A_50] : memref<640000xi32, #tpu.memory_space<hbm>> -> memref<80xi32, #tpu.memory_space<hbm>>
    %dma_wait3A_52 = arith.constant 0 : i32
    %dma_wait3A_53 = tpu.memref_slice %arg3[%dma_wait3A_52] : memref<640000xi32, #tpu.memory_space<hbm>> -> memref<80xi32, #tpu.memory_space<hbm>>
    tpu.wait_dma2 semaphore(%arg23 : memref<!tpu.dma_semaphore, #tpu.memory_space<semaphore_mem>>) src(%dma_wait3A_53 : memref<80xi32, #tpu.memory_space<hbm>>) dst(%arg10 : memref<80xi32, #tpu.memory_space<vmem>>)
    %dma_start3A_54 = arith.constant 0 : i32
    %dma_start3A_55 = arith.constant 0 : i32
    %dma_start3A_56 = tpu.memref_slice %arg2[%dma_start3A_54, %dma_start3A_55] : memref<10000x128xf32, #tpu.memory_space<hbm>> -> memref<10000x128xf32, #tpu.memory_space<hbm>>
    tpu.enqueue_indirect_dma source(%dma_start3A_56 : memref<10000x128xf32, #tpu.memory_space<hbm>>) target(%arg7 : memref<80x128xf32, #tpu.memory_space<vmem>>) offsets(%arg10 : memref<80xi32, #tpu.memory_space<vmem>>) semaphore(%arg17 : memref<!tpu.dma_semaphore, #tpu.memory_space<semaphore_mem>>)
    "tpu.region"() ({
      %run_scoped3A = tpu.sem_alloc : memref<!tpu.dma_semaphore, #tpu.memory_space<semaphore_mem>>
      tpu.enqueue_dma source(%arg4 : memref<80x128xf32, #tpu.memory_space<hbm>>) target(%arg8 : memref<80x128xf32, #tpu.memory_space<vmem>>) target_semaphore(%run_scoped3A : memref<!tpu.dma_semaphore, #tpu.memory_space<semaphore_mem>>)
      tpu.wait_dma2 semaphore(%run_scoped3A : memref<!tpu.dma_semaphore, #tpu.memory_space<semaphore_mem>>) src(%arg4 : memref<80x128xf32, #tpu.memory_space<hbm>>) dst(%arg8 : memref<80x128xf32, #tpu.memory_space<vmem>>)
      tpu.yield
    }) : () -> ()
    %mul3A_57 = arith.constant 640 : i32
    %mul3A_58 = arith.muli %arg1, %mul3A_57 : i32
    %add3A_59 = arith.constant 0 : i32
    %add3A_60 = arith.addi %mul3A_58, %add3A_59 : i32
    "tpu.region"() ({
      %run_scoped3A = tpu.sem_alloc : memref<!tpu.dma_semaphore, #tpu.memory_space<semaphore_mem>>
      %dma_start3A_408 = arith.constant 0 : i32
      %dma_start3A_409 = tpu.memref_slice %arg15[%add3A_60, %dma_start3A_408] : memref<10240x128xf32, #tpu.memory_space<vmem_shared>> -> memref<80x128xf32, #tpu.memory_space<vmem_shared>>
      %dma_start3A_410 = arith.constant 0 : i32
      %dma_start3A_411 = tpu.memref_slice %arg15[%add3A_60, %dma_start3A_410] : memref<10240x128xf32, #tpu.memory_space<vmem_shared>> -> memref<80x128xf32, #tpu.memory_space<vmem_shared>>
      tpu.enqueue_dma source(%arg8 : memref<80x128xf32, #tpu.memory_space<vmem>>) target(%dma_start3A_411 : memref<80x128xf32, #tpu.memory_space<vmem_shared>>) target_semaphore(%run_scoped3A : memref<!tpu.dma_semaphore, #tpu.memory_space<semaphore_mem>>)
      %dma_wait3A_412 = arith.constant 0 : i32
      %dma_wait3A_413 = tpu.memref_slice %arg15[%add3A_60, %dma_wait3A_412] : memref<10240x128xf32, #tpu.memory_space<vmem_shared>> -> memref<80x128xf32, #tpu.memory_space<vmem_shared>>
      %dma_wait3A_414 = arith.constant 0 : i32
      %dma_wait3A_415 = tpu.memref_slice %arg15[%add3A_60, %dma_wait3A_414] : memref<10240x128xf32, #tpu.memory_space<vmem_shared>> -> memref<80x128xf32, #tpu.memory_space<vmem_shared>>
      tpu.wait_dma2 semaphore(%run_scoped3A : memref<!tpu.dma_semaphore, #tpu.memory_space<semaphore_mem>>) src(%arg8 : memref<80x128xf32, #tpu.memory_space<vmem>>) dst(%dma_wait3A_415 : memref<80x128xf32, #tpu.memory_space<vmem_shared>>)
      tpu.yield
    }) : () -> ()
    %mul3A_61 = arith.constant 640 : i32
    %mul3A_62 = arith.muli %arg1, %mul3A_61 : i32
    %add3A_63 = arith.constant 80 : i32
    %add3A_64 = arith.addi %mul3A_62, %add3A_63 : i32
    "tpu.region"() ({
      %run_scoped3A = tpu.sem_alloc : memref<!tpu.dma_semaphore, #tpu.memory_space<semaphore_mem>>
      %dma_start3A_408 = arith.constant 0 : i32
      %dma_start3A_409 = tpu.memref_slice %arg15[%add3A_64, %dma_start3A_408] : memref<10240x128xf32, #tpu.memory_space<vmem_shared>> -> memref<80x128xf32, #tpu.memory_space<vmem_shared>>
      %dma_start3A_410 = arith.constant 0 : i32
      %dma_start3A_411 = tpu.memref_slice %arg15[%add3A_64, %dma_start3A_410] : memref<10240x128xf32, #tpu.memory_space<vmem_shared>> -> memref<80x128xf32, #tpu.memory_space<vmem_shared>>
      tpu.enqueue_dma source(%arg8 : memref<80x128xf32, #tpu.memory_space<vmem>>) target(%dma_start3A_411 : memref<80x128xf32, #tpu.memory_space<vmem_shared>>) target_semaphore(%run_scoped3A : memref<!tpu.dma_semaphore, #tpu.memory_space<semaphore_mem>>)
      %dma_wait3A_412 = arith.constant 0 : i32
      %dma_wait3A_413 = tpu.memref_slice %arg15[%add3A_64, %dma_wait3A_412] : memref<10240x128xf32, #tpu.memory_space<vmem_shared>> -> memref<80x128xf32, #tpu.memory_space<vmem_shared>>
      %dma_wait3A_414 = arith.constant 0 : i32
      %dma_wait3A_415 = tpu.memref_slice %arg15[%add3A_64, %dma_wait3A_414] : memref<10240x128xf32, #tpu.memory_space<vmem_shared>> -> memref<80x128xf32, #tpu.memory_space<vmem_shared>>
      tpu.wait_dma2 semaphore(%run_scoped3A : memref<!tpu.dma_semaphore, #tpu.memory_space<semaphore_mem>>) src(%arg8 : memref<80x128xf32, #tpu.memory_space<vmem>>) dst(%dma_wait3A_415 : memref<80x128xf32, #tpu.memory_space<vmem_shared>>)
      tpu.yield
    }) : () -> ()
    %mul3A_65 = arith.constant 640 : i32
    %mul3A_66 = arith.muli %arg1, %mul3A_65 : i32
    %add3A_67 = arith.constant 160 : i32
    %add3A_68 = arith.addi %mul3A_66, %add3A_67 : i32
    "tpu.region"() ({
      %run_scoped3A = tpu.sem_alloc : memref<!tpu.dma_semaphore, #tpu.memory_space<semaphore_mem>>
      %dma_start3A_408 = arith.constant 0 : i32
      %dma_start3A_409 = tpu.memref_slice %arg15[%add3A_68, %dma_start3A_408] : memref<10240x128xf32, #tpu.memory_space<vmem_shared>> -> memref<80x128xf32, #tpu.memory_space<vmem_shared>>
      %dma_start3A_410 = arith.constant 0 : i32
      %dma_start3A_411 = tpu.memref_slice %arg15[%add3A_68, %dma_start3A_410] : memref<10240x128xf32, #tpu.memory_space<vmem_shared>> -> memref<80x128xf32, #tpu.memory_space<vmem_shared>>
      tpu.enqueue_dma source(%arg8 : memref<80x128xf32, #tpu.memory_space<vmem>>) target(%dma_start3A_411 : memref<80x128xf32, #tpu.memory_space<vmem_shared>>) target_semaphore(%run_scoped3A : memref<!tpu.dma_semaphore, #tpu.memory_space<semaphore_mem>>)
      %dma_wait3A_412 = arith.constant 0 : i32
      %dma_wait3A_413 = tpu.memref_slice %arg15[%add3A_68, %dma_wait3A_412] : memref<10240x128xf32, #tpu.memory_space<vmem_shared>> -> memref<80x128xf32, #tpu.memory_space<vmem_shared>>
      %dma_wait3A_414 = arith.constant 0 : i32
      %dma_wait3A_415 = tpu.memref_slice %arg15[%add3A_68, %dma_wait3A_414] : memref<10240x128xf32, #tpu.memory_space<vmem_shared>> -> memref<80x128xf32, #tpu.memory_space<vmem_shared>>
      tpu.wait_dma2 semaphore(%run_scoped3A : memref<!tpu.dma_semaphore, #tpu.memory_space<semaphore_mem>>) src(%arg8 : memref<80x128xf32, #tpu.memory_space<vmem>>) dst(%dma_wait3A_415 : memref<80x128xf32, #tpu.memory_space<vmem_shared>>)
      tpu.yield
    }) : () -> ()
    %mul3A_69 = arith.constant 640 : i32
    %mul3A_70 = arith.muli %arg1, %mul3A_69 : i32
    %add3A_71 = arith.constant 240 : i32
    %add3A_72 = arith.addi %mul3A_70, %add3A_71 : i32
    "tpu.region"() ({
      %run_scoped3A = tpu.sem_alloc : memref<!tpu.dma_semaphore, #tpu.memory_space<semaphore_mem>>
      %dma_start3A_408 = arith.constant 0 : i32
      %dma_start3A_409 = tpu.memref_slice %arg15[%add3A_72, %dma_start3A_408] : memref<10240x128xf32, #tpu.memory_space<vmem_shared>> -> memref<80x128xf32, #tpu.memory_space<vmem_shared>>
      %dma_start3A_410 = arith.constant 0 : i32
      %dma_start3A_411 = tpu.memref_slice %arg15[%add3A_72, %dma_start3A_410] : memref<10240x128xf32, #tpu.memory_space<vmem_shared>> -> memref<80x128xf32, #tpu.memory_space<vmem_shared>>
      tpu.enqueue_dma source(%arg8 : memref<80x128xf32, #tpu.memory_space<vmem>>) target(%dma_start3A_411 : memref<80x128xf32, #tpu.memory_space<vmem_shared>>) target_semaphore(%run_scoped3A : memref<!tpu.dma_semaphore, #tpu.memory_space<semaphore_mem>>)
      %dma_wait3A_412 = arith.constant 0 : i32
      %dma_wait3A_413 = tpu.memref_slice %arg15[%add3A_72, %dma_wait3A_412] : memref<10240x128xf32, #tpu.memory_space<vmem_shared>> -> memref<80x128xf32, #tpu.memory_space<vmem_shared>>
      %dma_wait3A_414 = arith.constant 0 : i32
      %dma_wait3A_415 = tpu.memref_slice %arg15[%add3A_72, %dma_wait3A_414] : memref<10240x128xf32, #tpu.memory_space<vmem_shared>> -> memref<80x128xf32, #tpu.memory_space<vmem_shared>>
      tpu.wait_dma2 semaphore(%run_scoped3A : memref<!tpu.dma_semaphore, #tpu.memory_space<semaphore_mem>>) src(%arg8 : memref<80x128xf32, #tpu.memory_space<vmem>>) dst(%dma_wait3A_415 : memref<80x128xf32, #tpu.memory_space<vmem_shared>>)
      tpu.yield
    }) : () -> ()
    %mul3A_73 = arith.constant 640 : i32
    %mul3A_74 = arith.muli %arg1, %mul3A_73 : i32
    %add3A_75 = arith.constant 320 : i32
    %add3A_76 = arith.addi %mul3A_74, %add3A_75 : i32
    "tpu.region"() ({
      %run_scoped3A = tpu.sem_alloc : memref<!tpu.dma_semaphore, #tpu.memory_space<semaphore_mem>>
      %dma_start3A_408 = arith.constant 0 : i32
      %dma_start3A_409 = tpu.memref_slice %arg15[%add3A_76, %dma_start3A_408] : memref<10240x128xf32, #tpu.memory_space<vmem_shared>> -> memref<80x128xf32, #tpu.memory_space<vmem_shared>>
      %dma_start3A_410 = arith.constant 0 : i32
      %dma_start3A_411 = tpu.memref_slice %arg15[%add3A_76, %dma_start3A_410] : memref<10240x128xf32, #tpu.memory_space<vmem_shared>> -> memref<80x128xf32, #tpu.memory_space<vmem_shared>>
      tpu.enqueue_dma source(%arg8 : memref<80x128xf32, #tpu.memory_space<vmem>>) target(%dma_start3A_411 : memref<80x128xf32, #tpu.memory_space<vmem_shared>>) target_semaphore(%run_scoped3A : memref<!tpu.dma_semaphore, #tpu.memory_space<semaphore_mem>>)
      %dma_wait3A_412 = arith.constant 0 : i32
      %dma_wait3A_413 = tpu.memref_slice %arg15[%add3A_76, %dma_wait3A_412] : memref<10240x128xf32, #tpu.memory_space<vmem_shared>> -> memref<80x128xf32, #tpu.memory_space<vmem_shared>>
      %dma_wait3A_414 = arith.constant 0 : i32
      %dma_wait3A_415 = tpu.memref_slice %arg15[%add3A_76, %dma_wait3A_414] : memref<10240x128xf32, #tpu.memory_space<vmem_shared>> -> memref<80x128xf32, #tpu.memory_space<vmem_shared>>
      tpu.wait_dma2 semaphore(%run_scoped3A : memref<!tpu.dma_semaphore, #tpu.memory_space<semaphore_mem>>) src(%arg8 : memref<80x128xf32, #tpu.memory_space<vmem>>) dst(%dma_wait3A_415 : memref<80x128xf32, #tpu.memory_space<vmem_shared>>)
      tpu.yield
    }) : () -> ()
    %mul3A_77 = arith.constant 640 : i32
    %mul3A_78 = arith.muli %arg1, %mul3A_77 : i32
    %add3A_79 = arith.constant 400 : i32
    %add3A_80 = arith.addi %mul3A_78, %add3A_79 : i32
    "tpu.region"() ({
      %run_scoped3A = tpu.sem_alloc : memref<!tpu.dma_semaphore, #tpu.memory_space<semaphore_mem>>
      %dma_start3A_408 = arith.constant 0 : i32
      %dma_start3A_409 = tpu.memref_slice %arg15[%add3A_80, %dma_start3A_408] : memref<10240x128xf32, #tpu.memory_space<vmem_shared>> -> memref<80x128xf32, #tpu.memory_space<vmem_shared>>
      %dma_start3A_410 = arith.constant 0 : i32
      %dma_start3A_411 = tpu.memref_slice %arg15[%add3A_80, %dma_start3A_410] : memref<10240x128xf32, #tpu.memory_space<vmem_shared>> -> memref<80x128xf32, #tpu.memory_space<vmem_shared>>
      tpu.enqueue_dma source(%arg8 : memref<80x128xf32, #tpu.memory_space<vmem>>) target(%dma_start3A_411 : memref<80x128xf32, #tpu.memory_space<vmem_shared>>) target_semaphore(%run_scoped3A : memref<!tpu.dma_semaphore, #tpu.memory_space<semaphore_mem>>)
      %dma_wait3A_412 = arith.constant 0 : i32
      %dma_wait3A_413 = tpu.memref_slice %arg15[%add3A_80, %dma_wait3A_412] : memref<10240x128xf32, #tpu.memory_space<vmem_shared>> -> memref<80x128xf32, #tpu.memory_space<vmem_shared>>
      %dma_wait3A_414 = arith.constant 0 : i32
      %dma_wait3A_415 = tpu.memref_slice %arg15[%add3A_80, %dma_wait3A_414] : memref<10240x128xf32, #tpu.memory_space<vmem_shared>> -> memref<80x128xf32, #tpu.memory_space<vmem_shared>>
      tpu.wait_dma2 semaphore(%run_scoped3A : memref<!tpu.dma_semaphore, #tpu.memory_space<semaphore_mem>>) src(%arg8 : memref<80x128xf32, #tpu.memory_space<vmem>>) dst(%dma_wait3A_415 : memref<80x128xf32, #tpu.memory_space<vmem_shared>>)
      tpu.yield
    }) : () -> ()
    %mul3A_81 = arith.constant 640 : i32
    %mul3A_82 = arith.muli %arg1, %mul3A_81 : i32
    %add3A_83 = arith.constant 480 : i32
    %add3A_84 = arith.addi %mul3A_82, %add3A_83 : i32
    "tpu.region"() ({
      %run_scoped3A = tpu.sem_alloc : memref<!tpu.dma_semaphore, #tpu.memory_space<semaphore_mem>>
      %dma_start3A_408 = arith.constant 0 : i32
      %dma_start3A_409 = tpu.memref_slice %arg15[%add3A_84, %dma_start3A_408] : memref<10240x128xf32, #tpu.memory_space<vmem_shared>> -> memref<80x128xf32, #tpu.memory_space<vmem_shared>>
      %dma_start3A_410 = arith.constant 0 : i32
      %dma_start3A_411 = tpu.memref_slice %arg15[%add3A_84, %dma_start3A_410] : memref<10240x128xf32, #tpu.memory_space<vmem_shared>> -> memref<80x128xf32, #tpu.memory_space<vmem_shared>>
      tpu.enqueue_dma source(%arg8 : memref<80x128xf32, #tpu.memory_space<vmem>>) target(%dma_start3A_411 : memref<80x128xf32, #tpu.memory_space<vmem_shared>>) target_semaphore(%run_scoped3A : memref<!tpu.dma_semaphore, #tpu.memory_space<semaphore_mem>>)
      %dma_wait3A_412 = arith.constant 0 : i32
      %dma_wait3A_413 = tpu.memref_slice %arg15[%add3A_84, %dma_wait3A_412] : memref<10240x128xf32, #tpu.memory_space<vmem_shared>> -> memref<80x128xf32, #tpu.memory_space<vmem_shared>>
      %dma_wait3A_414 = arith.constant 0 : i32
      %dma_wait3A_415 = tpu.memref_slice %arg15[%add3A_84, %dma_wait3A_414] : memref<10240x128xf32, #tpu.memory_space<vmem_shared>> -> memref<80x128xf32, #tpu.memory_space<vmem_shared>>
      tpu.wait_dma2 semaphore(%run_scoped3A : memref<!tpu.dma_semaphore, #tpu.memory_space<semaphore_mem>>) src(%arg8 : memref<80x128xf32, #tpu.memory_space<vmem>>) dst(%dma_wait3A_415 : memref<80x128xf32, #tpu.memory_space<vmem_shared>>)
      tpu.yield
    }) : () -> ()
    %mul3A_85 = arith.constant 640 : i32
    %mul3A_86 = arith.muli %arg1, %mul3A_85 : i32
    %add3A_87 = arith.constant 560 : i32
    %add3A_88 = arith.addi %mul3A_86, %add3A_87 : i32
    "tpu.region"() ({
      %run_scoped3A = tpu.sem_alloc : memref<!tpu.dma_semaphore, #tpu.memory_space<semaphore_mem>>
      %dma_start3A_408 = arith.constant 0 : i32
      %dma_start3A_409 = tpu.memref_slice %arg15[%add3A_88, %dma_start3A_408] : memref<10240x128xf32, #tpu.memory_space<vmem_shared>> -> memref<80x128xf32, #tpu.memory_space<vmem_shared>>
      %dma_start3A_410 = arith.constant 0 : i32
      %dma_start3A_411 = tpu.memref_slice %arg15[%add3A_88, %dma_start3A_410] : memref<10240x128xf32, #tpu.memory_space<vmem_shared>> -> memref<80x128xf32, #tpu.memory_space<vmem_shared>>
      tpu.enqueue_dma source(%arg8 : memref<80x128xf32, #tpu.memory_space<vmem>>) target(%dma_start3A_411 : memref<80x128xf32, #tpu.memory_space<vmem_shared>>) target_semaphore(%run_scoped3A : memref<!tpu.dma_semaphore, #tpu.memory_space<semaphore_mem>>)
      %dma_wait3A_412 = arith.constant 0 : i32
      %dma_wait3A_413 = tpu.memref_slice %arg15[%add3A_88, %dma_wait3A_412] : memref<10240x128xf32, #tpu.memory_space<vmem_shared>> -> memref<80x128xf32, #tpu.memory_space<vmem_shared>>
      %dma_wait3A_414 = arith.constant 0 : i32
      %dma_wait3A_415 = tpu.memref_slice %arg15[%add3A_88, %dma_wait3A_414] : memref<10240x128xf32, #tpu.memory_space<vmem_shared>> -> memref<80x128xf32, #tpu.memory_space<vmem_shared>>
      tpu.wait_dma2 semaphore(%run_scoped3A : memref<!tpu.dma_semaphore, #tpu.memory_space<semaphore_mem>>) src(%arg8 : memref<80x128xf32, #tpu.memory_space<vmem>>) dst(%dma_wait3A_415 : memref<80x128xf32, #tpu.memory_space<vmem_shared>>)
      tpu.yield
    }) : () -> ()
    %barrier3A = arith.constant 0 : index
    tpu.barrier barrier_id(%barrier3A)
    %dma_wait3A_89 = arith.constant 0 : i32
    %dma_wait3A_90 = tpu.memref_slice %arg3[%dma_wait3A_89] : memref<640000xi32, #tpu.memory_space<hbm>> -> memref<80xi32, #tpu.memory_space<hbm>>
    %dma_wait3A_91 = arith.constant 0 : i32
    %dma_wait3A_92 = tpu.memref_slice %arg3[%dma_wait3A_91] : memref<640000xi32, #tpu.memory_space<hbm>> -> memref<80xi32, #tpu.memory_space<hbm>>
    tpu.wait_dma2 semaphore(%arg16 : memref<!tpu.dma_semaphore, #tpu.memory_space<semaphore_mem>>) src(%dma_wait3A_92 : memref<80xi32, #tpu.memory_space<hbm>>) dst(%arg12 : memref<80xi32, #tpu.memory_space<vmem>>)
    %dma_wait3A_93 = arith.constant 0 : i32
    %dma_wait3A_94 = arith.constant 0 : i32
    %dma_wait3A_95 = tpu.memref_slice %arg2[%dma_wait3A_93, %dma_wait3A_94] : memref<10000x128xf32, #tpu.memory_space<hbm>> -> memref<80x128xf32, #tpu.memory_space<hbm>>
    %dma_wait3A_96 = arith.constant 0 : i32
    %dma_wait3A_97 = arith.constant 0 : i32
    %dma_wait3A_98 = tpu.memref_slice %arg2[%dma_wait3A_96, %dma_wait3A_97] : memref<10000x128xf32, #tpu.memory_space<hbm>> -> memref<80x128xf32, #tpu.memory_space<hbm>>
    tpu.wait_dma2 semaphore(%arg16 : memref<!tpu.dma_semaphore, #tpu.memory_space<semaphore_mem>>) src(%dma_wait3A_98 : memref<80x128xf32, #tpu.memory_space<hbm>>) dst(%arg6 : memref<80x128xf32, #tpu.memory_space<vmem>>)
    %dma_start3A_99 = arith.constant 0 : i32
    %dma_start3A_100 = arith.constant 0 : i32
    %dma_start3A_101 = tpu.memref_slice %arg15[%dma_start3A_99, %dma_start3A_100] : memref<10240x128xf32, #tpu.memory_space<vmem_shared>> -> memref<10240x128xf32, #tpu.memory_space<vmem_shared>>
    tpu.enqueue_indirect_dma source(%arg6 : memref<80x128xf32, #tpu.memory_space<vmem>>) target(%dma_start3A_101 : memref<10240x128xf32, #tpu.memory_space<vmem_shared>>) offsets(%arg12 : memref<80xi32, #tpu.memory_space<vmem>>) semaphore(%arg19 : memref<!tpu.dma_semaphore, #tpu.memory_space<semaphore_mem>>) {add = true}
    %mul3A_102 = arith.constant 10000 : i32
    %mul3A_103 = arith.muli %add3A, %mul3A_102 : i32
    %add3A_104 = arith.constant 0 : i32
    %add3A_105 = arith.addi %add3A_104, %mul3A_103 : i32
    %add3A_106 = arith.constant 240 : i32
    %add3A_107 = arith.addi %add3A_105, %add3A_106 : i32
    %multiple_of3A_108 = tpu.assume_multiple %add3A_107, 8 : i32
    %dma_start3A_109 = tpu.memref_slice %arg3[%multiple_of3A_108] : memref<640000xi32, #tpu.memory_space<hbm>> -> memref<80xi32, #tpu.memory_space<hbm>>
    %dma_start3A_110 = tpu.memref_slice %arg3[%multiple_of3A_108] : memref<640000xi32, #tpu.memory_space<hbm>> -> memref<80xi32, #tpu.memory_space<hbm>>
    tpu.enqueue_dma source(%dma_start3A_110 : memref<80xi32, #tpu.memory_space<hbm>>) target(%arg9 : memref<80xi32, #tpu.memory_space<vmem>>) target_semaphore(%arg22 : memref<!tpu.dma_semaphore, #tpu.memory_space<semaphore_mem>>)
    %mul3A_111 = arith.constant 10000 : i32
    %mul3A_112 = arith.muli %add3A, %mul3A_111 : i32
    %add3A_113 = arith.constant 320000 : i32
    %add3A_114 = arith.addi %add3A_113, %mul3A_112 : i32
    %add3A_115 = arith.constant 160 : i32
    %add3A_116 = arith.addi %add3A_114, %add3A_115 : i32
    %multiple_of3A_117 = tpu.assume_multiple %add3A_116, 8 : i32
    %dma_start3A_118 = tpu.memref_slice %arg3[%multiple_of3A_117] : memref<640000xi32, #tpu.memory_space<hbm>> -> memref<80xi32, #tpu.memory_space<hbm>>
    %dma_start3A_119 = tpu.memref_slice %arg3[%multiple_of3A_117] : memref<640000xi32, #tpu.memory_space<hbm>> -> memref<80xi32, #tpu.memory_space<hbm>>
    tpu.enqueue_dma source(%dma_start3A_119 : memref<80xi32, #tpu.memory_space<hbm>>) target(%arg14 : memref<80xi32, #tpu.memory_space<vmem>>) target_semaphore(%arg18 : memref<!tpu.dma_semaphore, #tpu.memory_space<semaphore_mem>>)
    %dma_wait3A_120 = arith.constant 0 : i32
    %dma_wait3A_121 = tpu.memref_slice %arg3[%dma_wait3A_120] : memref<640000xi32, #tpu.memory_space<hbm>> -> memref<80xi32, #tpu.memory_space<hbm>>
    %dma_wait3A_122 = arith.constant 0 : i32
    %dma_wait3A_123 = tpu.memref_slice %arg3[%dma_wait3A_122] : memref<640000xi32, #tpu.memory_space<hbm>> -> memref<80xi32, #tpu.memory_space<hbm>>
    tpu.wait_dma2 semaphore(%arg24 : memref<!tpu.dma_semaphore, #tpu.memory_space<semaphore_mem>>) src(%dma_wait3A_123 : memref<80xi32, #tpu.memory_space<hbm>>) dst(%arg11 : memref<80xi32, #tpu.memory_space<vmem>>)
    %dma_start3A_124 = arith.constant 0 : i32
    %dma_start3A_125 = arith.constant 0 : i32
    %dma_start3A_126 = tpu.memref_slice %arg2[%dma_start3A_124, %dma_start3A_125] : memref<10000x128xf32, #tpu.memory_space<hbm>> -> memref<10000x128xf32, #tpu.memory_space<hbm>>
    tpu.enqueue_indirect_dma source(%dma_start3A_126 : memref<10000x128xf32, #tpu.memory_space<hbm>>) target(%arg8 : memref<80x128xf32, #tpu.memory_space<vmem>>) offsets(%arg11 : memref<80xi32, #tpu.memory_space<vmem>>) semaphore(%arg18 : memref<!tpu.dma_semaphore, #tpu.memory_space<semaphore_mem>>)
    %scan3A = arith.constant 0 : i32
    %scan3A_127 = arith.constant 0 : i32
    %scan3A_128 = arith.constant 41 : i32
    %scan3A_129 = arith.addi %scan3A_127, %scan3A_128 : i32
    %scan3A_130 = arith.constant 1 : i32
    scf.for %scan3A_408 = %scan3A_127 to %scan3A_129 step %scan3A_130  : i32 {
      %mul3A_409 = arith.constant 3 : i32
      %mul3A_410 = arith.muli %mul3A_409, %scan3A_408 : i32
      %add3A_411 = arith.constant 1 : i32
      %add3A_412 = arith.addi %mul3A_410, %add3A_411 : i32
      %dma_wait3A_413 = arith.constant 0 : i32
      %dma_wait3A_414 = tpu.memref_slice %arg3[%dma_wait3A_413] : memref<640000xi32, #tpu.memory_space<hbm>> -> memref<80xi32, #tpu.memory_space<hbm>>
      %dma_wait3A_415 = arith.constant 0 : i32
      %dma_wait3A_416 = tpu.memref_slice %arg3[%dma_wait3A_415] : memref<640000xi32, #tpu.memory_space<hbm>> -> memref<80xi32, #tpu.memory_space<hbm>>
      tpu.wait_dma2 semaphore(%arg17 : memref<!tpu.dma_semaphore, #tpu.memory_space<semaphore_mem>>) src(%dma_wait3A_416 : memref<80xi32, #tpu.memory_space<hbm>>) dst(%arg13 : memref<80xi32, #tpu.memory_space<vmem>>)
      %dma_wait3A_417 = arith.constant 0 : i32
      %dma_wait3A_418 = arith.constant 0 : i32
      %dma_wait3A_419 = tpu.memref_slice %arg2[%dma_wait3A_417, %dma_wait3A_418] : memref<10000x128xf32, #tpu.memory_space<hbm>> -> memref<80x128xf32, #tpu.memory_space<hbm>>
      %dma_wait3A_420 = arith.constant 0 : i32
      %dma_wait3A_421 = arith.constant 0 : i32
      %dma_wait3A_422 = tpu.memref_slice %arg2[%dma_wait3A_420, %dma_wait3A_421] : memref<10000x128xf32, #tpu.memory_space<hbm>> -> memref<80x128xf32, #tpu.memory_space<hbm>>
      tpu.wait_dma2 semaphore(%arg17 : memref<!tpu.dma_semaphore, #tpu.memory_space<semaphore_mem>>) src(%dma_wait3A_422 : memref<80x128xf32, #tpu.memory_space<hbm>>) dst(%arg7 : memref<80x128xf32, #tpu.memory_space<vmem>>)
      %dma_start3A_423 = arith.constant 0 : i32
      %dma_start3A_424 = arith.constant 0 : i32
      %dma_start3A_425 = tpu.memref_slice %arg15[%dma_start3A_423, %dma_start3A_424] : memref<10240x128xf32, #tpu.memory_space<vmem_shared>> -> memref<10240x128xf32, #tpu.memory_space<vmem_shared>>
      tpu.enqueue_indirect_dma source(%arg7 : memref<80x128xf32, #tpu.memory_space<vmem>>) target(%dma_start3A_425 : memref<10240x128xf32, #tpu.memory_space<vmem_shared>>) offsets(%arg13 : memref<80xi32, #tpu.memory_space<vmem>>) semaphore(%arg20 : memref<!tpu.dma_semaphore, #tpu.memory_space<semaphore_mem>>) {add = true}
      %dma_wait3A_426 = arith.constant 0 : i32
      %dma_wait3A_427 = arith.constant 0 : i32
      %dma_wait3A_428 = tpu.memref_slice %arg15[%dma_wait3A_426, %dma_wait3A_427] : memref<10240x128xf32, #tpu.memory_space<vmem_shared>> -> memref<10240x128xf32, #tpu.memory_space<vmem_shared>>
      tpu.wait_indirect_dma semaphore(%arg19 : memref<!tpu.dma_semaphore, #tpu.memory_space<semaphore_mem>>) src(%arg6 : memref<80x128xf32, #tpu.memory_space<vmem>>) dst(%dma_wait3A_428 : memref<10240x128xf32, #tpu.memory_space<vmem_shared>>)
      %add3A_429 = arith.constant 3 : i32
      %add3A_430 = arith.addi %add3A_412, %add3A_429 : i32
      %lt3A = arith.constant 125 : i32
      %lt3A_431 = arith.cmpi slt, %add3A_430, %lt3A : i32
      %convert_element_type3A = arith.extui %lt3A_431 : i1 to i32
      %cond3A = arith.constant 0 : i32
      %cond3A_432 = arith.cmpi ne, %convert_element_type3A, %cond3A : i32
      scf.if %cond3A_432 {
        %add3A_504 = arith.constant 3 : i32
        %add3A_505 = arith.addi %add3A_412, %add3A_504 : i32
        %mul3A_506 = arith.constant 10000 : i32
        %mul3A_507 = arith.muli %add3A, %mul3A_506 : i32
        %add3A_508 = arith.constant 0 : i32
        %add3A_509 = arith.addi %add3A_508, %mul3A_507 : i32
        %mul3A_510 = arith.constant 80 : i32
        %mul3A_511 = arith.muli %add3A_505, %mul3A_510 : i32
        %add3A_512 = arith.addi %add3A_509, %mul3A_511 : i32
        %multiple_of3A_513 = tpu.assume_multiple %add3A_512, 8 : i32
        %dma_start3A_514 = tpu.memref_slice %arg3[%multiple_of3A_513] : memref<640000xi32, #tpu.memory_space<hbm>> -> memref<80xi32, #tpu.memory_space<hbm>>
        %dma_start3A_515 = tpu.memref_slice %arg3[%multiple_of3A_513] : memref<640000xi32, #tpu.memory_space<hbm>> -> memref<80xi32, #tpu.memory_space<hbm>>
        tpu.enqueue_dma source(%dma_start3A_515 : memref<80xi32, #tpu.memory_space<hbm>>) target(%arg10 : memref<80xi32, #tpu.memory_space<vmem>>) target_semaphore(%arg23 : memref<!tpu.dma_semaphore, #tpu.memory_space<semaphore_mem>>)
      } else {
      }
      %add3A_433 = arith.constant 2 : i32
      %add3A_434 = arith.addi %add3A_412, %add3A_433 : i32
      %lt3A_435 = arith.constant 125 : i32
      %lt3A_436 = arith.cmpi slt, %add3A_434, %lt3A_435 : i32
      %convert_element_type3A_437 = arith.extui %lt3A_436 : i1 to i32
      %cond3A_438 = arith.constant 0 : i32
      %cond3A_439 = arith.cmpi ne, %convert_element_type3A_437, %cond3A_438 : i32
      scf.if %cond3A_439 {
        %add3A_504 = arith.constant 2 : i32
        %add3A_505 = arith.addi %add3A_412, %add3A_504 : i32
        %mul3A_506 = arith.constant 10000 : i32
        %mul3A_507 = arith.muli %add3A, %mul3A_506 : i32
        %add3A_508 = arith.constant 320000 : i32
        %add3A_509 = arith.addi %add3A_508, %mul3A_507 : i32
        %mul3A_510 = arith.constant 80 : i32
        %mul3A_511 = arith.muli %add3A_505, %mul3A_510 : i32
        %add3A_512 = arith.addi %add3A_509, %mul3A_511 : i32
        %multiple_of3A_513 = tpu.assume_multiple %add3A_512, 8 : i32
        %dma_start3A_514 = tpu.memref_slice %arg3[%multiple_of3A_513] : memref<640000xi32, #tpu.memory_space<hbm>> -> memref<80xi32, #tpu.memory_space<hbm>>
        %dma_start3A_515 = tpu.memref_slice %arg3[%multiple_of3A_513] : memref<640000xi32, #tpu.memory_space<hbm>> -> memref<80xi32, #tpu.memory_space<hbm>>
        tpu.enqueue_dma source(%dma_start3A_515 : memref<80xi32, #tpu.memory_space<hbm>>) target(%arg12 : memref<80xi32, #tpu.memory_space<vmem>>) target_semaphore(%arg16 : memref<!tpu.dma_semaphore, #tpu.memory_space<semaphore_mem>>)
        %dma_wait3A_516 = arith.constant 0 : i32
        %dma_wait3A_517 = tpu.memref_slice %arg3[%dma_wait3A_516] : memref<640000xi32, #tpu.memory_space<hbm>> -> memref<80xi32, #tpu.memory_space<hbm>>
        %dma_wait3A_518 = arith.constant 0 : i32
        %dma_wait3A_519 = tpu.memref_slice %arg3[%dma_wait3A_518] : memref<640000xi32, #tpu.memory_space<hbm>> -> memref<80xi32, #tpu.memory_space<hbm>>
        tpu.wait_dma2 semaphore(%arg22 : memref<!tpu.dma_semaphore, #tpu.memory_space<semaphore_mem>>) src(%dma_wait3A_519 : memref<80xi32, #tpu.memory_space<hbm>>) dst(%arg9 : memref<80xi32, #tpu.memory_space<vmem>>)
        %dma_start3A_520 = arith.constant 0 : i32
        %dma_start3A_521 = arith.constant 0 : i32
        %dma_start3A_522 = tpu.memref_slice %arg2[%dma_start3A_520, %dma_start3A_521] : memref<10000x128xf32, #tpu.memory_space<hbm>> -> memref<10000x128xf32, #tpu.memory_space<hbm>>
        tpu.enqueue_indirect_dma source(%dma_start3A_522 : memref<10000x128xf32, #tpu.memory_space<hbm>>) target(%arg6 : memref<80x128xf32, #tpu.memory_space<vmem>>) offsets(%arg9 : memref<80xi32, #tpu.memory_space<vmem>>) semaphore(%arg16 : memref<!tpu.dma_semaphore, #tpu.memory_space<semaphore_mem>>)
      } else {
      }
      %add3A_440 = arith.constant 2 : i32
      %add3A_441 = arith.addi %mul3A_410, %add3A_440 : i32
      %dma_wait3A_442 = arith.constant 0 : i32
      %dma_wait3A_443 = tpu.memref_slice %arg3[%dma_wait3A_442] : memref<640000xi32, #tpu.memory_space<hbm>> -> memref<80xi32, #tpu.memory_space<hbm>>
      %dma_wait3A_444 = arith.constant 0 : i32
      %dma_wait3A_445 = tpu.memref_slice %arg3[%dma_wait3A_444] : memref<640000xi32, #tpu.memory_space<hbm>> -> memref<80xi32, #tpu.memory_space<hbm>>
      tpu.wait_dma2 semaphore(%arg18 : memref<!tpu.dma_semaphore, #tpu.memory_space<semaphore_mem>>) src(%dma_wait3A_445 : memref<80xi32, #tpu.memory_space<hbm>>) dst(%arg14 : memref<80xi32, #tpu.memory_space<vmem>>)
      %dma_wait3A_446 = arith.constant 0 : i32
      %dma_wait3A_447 = arith.constant 0 : i32
      %dma_wait3A_448 = tpu.memref_slice %arg2[%dma_wait3A_446, %dma_wait3A_447] : memref<10000x128xf32, #tpu.memory_space<hbm>> -> memref<80x128xf32, #tpu.memory_space<hbm>>
      %dma_wait3A_449 = arith.constant 0 : i32
      %dma_wait3A_450 = arith.constant 0 : i32
      %dma_wait3A_451 = tpu.memref_slice %arg2[%dma_wait3A_449, %dma_wait3A_450] : memref<10000x128xf32, #tpu.memory_space<hbm>> -> memref<80x128xf32, #tpu.memory_space<hbm>>
      tpu.wait_dma2 semaphore(%arg18 : memref<!tpu.dma_semaphore, #tpu.memory_space<semaphore_mem>>) src(%dma_wait3A_451 : memref<80x128xf32, #tpu.memory_space<hbm>>) dst(%arg8 : memref<80x128xf32, #tpu.memory_space<vmem>>)
      %dma_start3A_452 = arith.constant 0 : i32
      %dma_start3A_453 = arith.constant 0 : i32
      %dma_start3A_454 = tpu.memref_slice %arg15[%dma_start3A_452, %dma_start3A_453] : memref<10240x128xf32, #tpu.memory_space<vmem_shared>> -> memref<10240x128xf32, #tpu.memory_space<vmem_shared>>
      tpu.enqueue_indirect_dma source(%arg8 : memref<80x128xf32, #tpu.memory_space<vmem>>) target(%dma_start3A_454 : memref<10240x128xf32, #tpu.memory_space<vmem_shared>>) offsets(%arg14 : memref<80xi32, #tpu.memory_space<vmem>>) semaphore(%arg21 : memref<!tpu.dma_semaphore, #tpu.memory_space<semaphore_mem>>) {add = true}
      %dma_wait3A_455 = arith.constant 0 : i32
      %dma_wait3A_456 = arith.constant 0 : i32
      %dma_wait3A_457 = tpu.memref_slice %arg15[%dma_wait3A_455, %dma_wait3A_456] : memref<10240x128xf32, #tpu.memory_space<vmem_shared>> -> memref<10240x128xf32, #tpu.memory_space<vmem_shared>>
      tpu.wait_indirect_dma semaphore(%arg20 : memref<!tpu.dma_semaphore, #tpu.memory_space<semaphore_mem>>) src(%arg7 : memref<80x128xf32, #tpu.memory_space<vmem>>) dst(%dma_wait3A_457 : memref<10240x128xf32, #tpu.memory_space<vmem_shared>>)
      %add3A_458 = arith.constant 3 : i32
      %add3A_459 = arith.addi %add3A_441, %add3A_458 : i32
      %lt3A_460 = arith.constant 125 : i32
      %lt3A_461 = arith.cmpi slt, %add3A_459, %lt3A_460 : i32
      %convert_element_type3A_462 = arith.extui %lt3A_461 : i1 to i32
      %cond3A_463 = arith.constant 0 : i32
      %cond3A_464 = arith.cmpi ne, %convert_element_type3A_462, %cond3A_463 : i32
      scf.if %cond3A_464 {
        %add3A_504 = arith.constant 3 : i32
        %add3A_505 = arith.addi %add3A_441, %add3A_504 : i32
        %mul3A_506 = arith.constant 10000 : i32
        %mul3A_507 = arith.muli %add3A, %mul3A_506 : i32
        %add3A_508 = arith.constant 0 : i32
        %add3A_509 = arith.addi %add3A_508, %mul3A_507 : i32
        %mul3A_510 = arith.constant 80 : i32
        %mul3A_511 = arith.muli %add3A_505, %mul3A_510 : i32
        %add3A_512 = arith.addi %add3A_509, %mul3A_511 : i32
        %multiple_of3A_513 = tpu.assume_multiple %add3A_512, 8 : i32
        %dma_start3A_514 = tpu.memref_slice %arg3[%multiple_of3A_513] : memref<640000xi32, #tpu.memory_space<hbm>> -> memref<80xi32, #tpu.memory_space<hbm>>
        %dma_start3A_515 = tpu.memref_slice %arg3[%multiple_of3A_513] : memref<640000xi32, #tpu.memory_space<hbm>> -> memref<80xi32, #tpu.memory_space<hbm>>
        tpu.enqueue_dma source(%dma_start3A_515 : memref<80xi32, #tpu.memory_space<hbm>>) target(%arg11 : memref<80xi32, #tpu.memory_space<vmem>>) target_semaphore(%arg24 : memref<!tpu.dma_semaphore, #tpu.memory_space<semaphore_mem>>)
      } else {
      }
      %add3A_465 = arith.constant 2 : i32
      %add3A_466 = arith.addi %add3A_441, %add3A_465 : i32
      %lt3A_467 = arith.constant 125 : i32
      %lt3A_468 = arith.cmpi slt, %add3A_466, %lt3A_467 : i32
      %convert_element_type3A_469 = arith.extui %lt3A_468 : i1 to i32
      %cond3A_470 = arith.constant 0 : i32
      %cond3A_471 = arith.cmpi ne, %convert_element_type3A_469, %cond3A_470 : i32
      scf.if %cond3A_471 {
        %add3A_504 = arith.constant 2 : i32
        %add3A_505 = arith.addi %add3A_441, %add3A_504 : i32
        %mul3A_506 = arith.constant 10000 : i32
        %mul3A_507 = arith.muli %add3A, %mul3A_506 : i32
        %add3A_508 = arith.constant 320000 : i32
        %add3A_509 = arith.addi %add3A_508, %mul3A_507 : i32
        %mul3A_510 = arith.constant 80 : i32
        %mul3A_511 = arith.muli %add3A_505, %mul3A_510 : i32
        %add3A_512 = arith.addi %add3A_509, %mul3A_511 : i32
        %multiple_of3A_513 = tpu.assume_multiple %add3A_512, 8 : i32
        %dma_start3A_514 = tpu.memref_slice %arg3[%multiple_of3A_513] : memref<640000xi32, #tpu.memory_space<hbm>> -> memref<80xi32, #tpu.memory_space<hbm>>
        %dma_start3A_515 = tpu.memref_slice %arg3[%multiple_of3A_513] : memref<640000xi32, #tpu.memory_space<hbm>> -> memref<80xi32, #tpu.memory_space<hbm>>
        tpu.enqueue_dma source(%dma_start3A_515 : memref<80xi32, #tpu.memory_space<hbm>>) target(%arg13 : memref<80xi32, #tpu.memory_space<vmem>>) target_semaphore(%arg17 : memref<!tpu.dma_semaphore, #tpu.memory_space<semaphore_mem>>)
        %dma_wait3A_516 = arith.constant 0 : i32
        %dma_wait3A_517 = tpu.memref_slice %arg3[%dma_wait3A_516] : memref<640000xi32, #tpu.memory_space<hbm>> -> memref<80xi32, #tpu.memory_space<hbm>>
        %dma_wait3A_518 = arith.constant 0 : i32
        %dma_wait3A_519 = tpu.memref_slice %arg3[%dma_wait3A_518] : memref<640000xi32, #tpu.memory_space<hbm>> -> memref<80xi32, #tpu.memory_space<hbm>>
        tpu.wait_dma2 semaphore(%arg23 : memref<!tpu.dma_semaphore, #tpu.memory_space<semaphore_mem>>) src(%dma_wait3A_519 : memref<80xi32, #tpu.memory_space<hbm>>) dst(%arg10 : memref<80xi32, #tpu.memory_space<vmem>>)
        %dma_start3A_520 = arith.constant 0 : i32
        %dma_start3A_521 = arith.constant 0 : i32
        %dma_start3A_522 = tpu.memref_slice %arg2[%dma_start3A_520, %dma_start3A_521] : memref<10000x128xf32, #tpu.memory_space<hbm>> -> memref<10000x128xf32, #tpu.memory_space<hbm>>
        tpu.enqueue_indirect_dma source(%dma_start3A_522 : memref<10000x128xf32, #tpu.memory_space<hbm>>) target(%arg7 : memref<80x128xf32, #tpu.memory_space<vmem>>) offsets(%arg10 : memref<80xi32, #tpu.memory_space<vmem>>) semaphore(%arg17 : memref<!tpu.dma_semaphore, #tpu.memory_space<semaphore_mem>>)
      } else {
      }
      %add3A_472 = arith.constant 3 : i32
      %add3A_473 = arith.addi %mul3A_410, %add3A_472 : i32
      %dma_wait3A_474 = arith.constant 0 : i32
      %dma_wait3A_475 = tpu.memref_slice %arg3[%dma_wait3A_474] : memref<640000xi32, #tpu.memory_space<hbm>> -> memref<80xi32, #tpu.memory_space<hbm>>
      %dma_wait3A_476 = arith.constant 0 : i32
      %dma_wait3A_477 = tpu.memref_slice %arg3[%dma_wait3A_476] : memref<640000xi32, #tpu.memory_space<hbm>> -> memref<80xi32, #tpu.memory_space<hbm>>
      tpu.wait_dma2 semaphore(%arg16 : memref<!tpu.dma_semaphore, #tpu.memory_space<semaphore_mem>>) src(%dma_wait3A_477 : memref<80xi32, #tpu.memory_space<hbm>>) dst(%arg12 : memref<80xi32, #tpu.memory_space<vmem>>)
      %dma_wait3A_478 = arith.constant 0 : i32
      %dma_wait3A_479 = arith.constant 0 : i32
      %dma_wait3A_480 = tpu.memref_slice %arg2[%dma_wait3A_478, %dma_wait3A_479] : memref<10000x128xf32, #tpu.memory_space<hbm>> -> memref<80x128xf32, #tpu.memory_space<hbm>>
      %dma_wait3A_481 = arith.constant 0 : i32
      %dma_wait3A_482 = arith.constant 0 : i32
      %dma_wait3A_483 = tpu.memref_slice %arg2[%dma_wait3A_481, %dma_wait3A_482] : memref<10000x128xf32, #tpu.memory_space<hbm>> -> memref<80x128xf32, #tpu.memory_space<hbm>>
      tpu.wait_dma2 semaphore(%arg16 : memref<!tpu.dma_semaphore, #tpu.memory_space<semaphore_mem>>) src(%dma_wait3A_483 : memref<80x128xf32, #tpu.memory_space<hbm>>) dst(%arg6 : memref<80x128xf32, #tpu.memory_space<vmem>>)
      %dma_start3A_484 = arith.constant 0 : i32
      %dma_start3A_485 = arith.constant 0 : i32
      %dma_start3A_486 = tpu.memref_slice %arg15[%dma_start3A_484, %dma_start3A_485] : memref<10240x128xf32, #tpu.memory_space<vmem_shared>> -> memref<10240x128xf32, #tpu.memory_space<vmem_shared>>
      tpu.enqueue_indirect_dma source(%arg6 : memref<80x128xf32, #tpu.memory_space<vmem>>) target(%dma_start3A_486 : memref<10240x128xf32, #tpu.memory_space<vmem_shared>>) offsets(%arg12 : memref<80xi32, #tpu.memory_space<vmem>>) semaphore(%arg19 : memref<!tpu.dma_semaphore, #tpu.memory_space<semaphore_mem>>) {add = true}
      %dma_wait3A_487 = arith.constant 0 : i32
      %dma_wait3A_488 = arith.constant 0 : i32
      %dma_wait3A_489 = tpu.memref_slice %arg15[%dma_wait3A_487, %dma_wait3A_488] : memref<10240x128xf32, #tpu.memory_space<vmem_shared>> -> memref<10240x128xf32, #tpu.memory_space<vmem_shared>>
      tpu.wait_indirect_dma semaphore(%arg21 : memref<!tpu.dma_semaphore, #tpu.memory_space<semaphore_mem>>) src(%arg8 : memref<80x128xf32, #tpu.memory_space<vmem>>) dst(%dma_wait3A_489 : memref<10240x128xf32, #tpu.memory_space<vmem_shared>>)
      %add3A_490 = arith.constant 3 : i32
      %add3A_491 = arith.addi %add3A_473, %add3A_490 : i32
      %lt3A_492 = arith.constant 125 : i32
      %lt3A_493 = arith.cmpi slt, %add3A_491, %lt3A_492 : i32
      %convert_element_type3A_494 = arith.extui %lt3A_493 : i1 to i32
      %cond3A_495 = arith.constant 0 : i32
      %cond3A_496 = arith.cmpi ne, %convert_element_type3A_494, %cond3A_495 : i32
      scf.if %cond3A_496 {
        %add3A_504 = arith.constant 3 : i32
        %add3A_505 = arith.addi %add3A_473, %add3A_504 : i32
        %mul3A_506 = arith.constant 10000 : i32
        %mul3A_507 = arith.muli %add3A, %mul3A_506 : i32
        %add3A_508 = arith.constant 0 : i32
        %add3A_509 = arith.addi %add3A_508, %mul3A_507 : i32
        %mul3A_510 = arith.constant 80 : i32
        %mul3A_511 = arith.muli %add3A_505, %mul3A_510 : i32
        %add3A_512 = arith.addi %add3A_509, %mul3A_511 : i32
        %multiple_of3A_513 = tpu.assume_multiple %add3A_512, 8 : i32
        %dma_start3A_514 = tpu.memref_slice %arg3[%multiple_of3A_513] : memref<640000xi32, #tpu.memory_space<hbm>> -> memref<80xi32, #tpu.memory_space<hbm>>
        %dma_start3A_515 = tpu.memref_slice %arg3[%multiple_of3A_513] : memref<640000xi32, #tpu.memory_space<hbm>> -> memref<80xi32, #tpu.memory_space<hbm>>
        tpu.enqueue_dma source(%dma_start3A_515 : memref<80xi32, #tpu.memory_space<hbm>>) target(%arg9 : memref<80xi32, #tpu.memory_space<vmem>>) target_semaphore(%arg22 : memref<!tpu.dma_semaphore, #tpu.memory_space<semaphore_mem>>)
      } else {
      }
      %add3A_497 = arith.constant 2 : i32
      %add3A_498 = arith.addi %add3A_473, %add3A_497 : i32
      %lt3A_499 = arith.constant 125 : i32
      %lt3A_500 = arith.cmpi slt, %add3A_498, %lt3A_499 : i32
      %convert_element_type3A_501 = arith.extui %lt3A_500 : i1 to i32
      %cond3A_502 = arith.constant 0 : i32
      %cond3A_503 = arith.cmpi ne, %convert_element_type3A_501, %cond3A_502 : i32
      scf.if %cond3A_503 {
        %add3A_504 = arith.constant 2 : i32
        %add3A_505 = arith.addi %add3A_473, %add3A_504 : i32
        %mul3A_506 = arith.constant 10000 : i32
        %mul3A_507 = arith.muli %add3A, %mul3A_506 : i32
        %add3A_508 = arith.constant 320000 : i32
        %add3A_509 = arith.addi %add3A_508, %mul3A_507 : i32
        %mul3A_510 = arith.constant 80 : i32
        %mul3A_511 = arith.muli %add3A_505, %mul3A_510 : i32
        %add3A_512 = arith.addi %add3A_509, %mul3A_511 : i32
        %multiple_of3A_513 = tpu.assume_multiple %add3A_512, 8 : i32
        %dma_start3A_514 = tpu.memref_slice %arg3[%multiple_of3A_513] : memref<640000xi32, #tpu.memory_space<hbm>> -> memref<80xi32, #tpu.memory_space<hbm>>
        %dma_start3A_515 = tpu.memref_slice %arg3[%multiple_of3A_513] : memref<640000xi32, #tpu.memory_space<hbm>> -> memref<80xi32, #tpu.memory_space<hbm>>
        tpu.enqueue_dma source(%dma_start3A_515 : memref<80xi32, #tpu.memory_space<hbm>>) target(%arg14 : memref<80xi32, #tpu.memory_space<vmem>>) target_semaphore(%arg18 : memref<!tpu.dma_semaphore, #tpu.memory_space<semaphore_mem>>)
        %dma_wait3A_516 = arith.constant 0 : i32
        %dma_wait3A_517 = tpu.memref_slice %arg3[%dma_wait3A_516] : memref<640000xi32, #tpu.memory_space<hbm>> -> memref<80xi32, #tpu.memory_space<hbm>>
        %dma_wait3A_518 = arith.constant 0 : i32
        %dma_wait3A_519 = tpu.memref_slice %arg3[%dma_wait3A_518] : memref<640000xi32, #tpu.memory_space<hbm>> -> memref<80xi32, #tpu.memory_space<hbm>>
        tpu.wait_dma2 semaphore(%arg24 : memref<!tpu.dma_semaphore, #tpu.memory_space<semaphore_mem>>) src(%dma_wait3A_519 : memref<80xi32, #tpu.memory_space<hbm>>) dst(%arg11 : memref<80xi32, #tpu.memory_space<vmem>>)
        %dma_start3A_520 = arith.constant 0 : i32
        %dma_start3A_521 = arith.constant 0 : i32
        %dma_start3A_522 = tpu.memref_slice %arg2[%dma_start3A_520, %dma_start3A_521] : memref<10000x128xf32, #tpu.memory_space<hbm>> -> memref<10000x128xf32, #tpu.memory_space<hbm>>
        tpu.enqueue_indirect_dma source(%dma_start3A_522 : memref<10000x128xf32, #tpu.memory_space<hbm>>) target(%arg8 : memref<80x128xf32, #tpu.memory_space<vmem>>) offsets(%arg11 : memref<80xi32, #tpu.memory_space<vmem>>) semaphore(%arg18 : memref<!tpu.dma_semaphore, #tpu.memory_space<semaphore_mem>>)
      } else {
      }
    }
    %scan3A_131 = arith.constant 41 : i32
    %dma_wait3A_132 = arith.constant 0 : i32
    %dma_wait3A_133 = tpu.memref_slice %arg3[%dma_wait3A_132] : memref<640000xi32, #tpu.memory_space<hbm>> -> memref<80xi32, #tpu.memory_space<hbm>>
    %dma_wait3A_134 = arith.constant 0 : i32
    %dma_wait3A_135 = tpu.memref_slice %arg3[%dma_wait3A_134] : memref<640000xi32, #tpu.memory_space<hbm>> -> memref<80xi32, #tpu.memory_space<hbm>>
    tpu.wait_dma2 semaphore(%arg17 : memref<!tpu.dma_semaphore, #tpu.memory_space<semaphore_mem>>) src(%dma_wait3A_135 : memref<80xi32, #tpu.memory_space<hbm>>) dst(%arg13 : memref<80xi32, #tpu.memory_space<vmem>>)
    %dma_wait3A_136 = arith.constant 0 : i32
    %dma_wait3A_137 = arith.constant 0 : i32
    %dma_wait3A_138 = tpu.memref_slice %arg2[%dma_wait3A_136, %dma_wait3A_137] : memref<10000x128xf32, #tpu.memory_space<hbm>> -> memref<80x128xf32, #tpu.memory_space<hbm>>
    %dma_wait3A_139 = arith.constant 0 : i32
    %dma_wait3A_140 = arith.constant 0 : i32
    %dma_wait3A_141 = tpu.memref_slice %arg2[%dma_wait3A_139, %dma_wait3A_140] : memref<10000x128xf32, #tpu.memory_space<hbm>> -> memref<80x128xf32, #tpu.memory_space<hbm>>
    tpu.wait_dma2 semaphore(%arg17 : memref<!tpu.dma_semaphore, #tpu.memory_space<semaphore_mem>>) src(%dma_wait3A_141 : memref<80x128xf32, #tpu.memory_space<hbm>>) dst(%arg7 : memref<80x128xf32, #tpu.memory_space<vmem>>)
    %dma_start3A_142 = arith.constant 0 : i32
    %dma_start3A_143 = arith.constant 0 : i32
    %dma_start3A_144 = tpu.memref_slice %arg15[%dma_start3A_142, %dma_start3A_143] : memref<10240x128xf32, #tpu.memory_space<vmem_shared>> -> memref<10240x128xf32, #tpu.memory_space<vmem_shared>>
    tpu.enqueue_indirect_dma source(%arg7 : memref<80x128xf32, #tpu.memory_space<vmem>>) target(%dma_start3A_144 : memref<10240x128xf32, #tpu.memory_space<vmem_shared>>) offsets(%arg13 : memref<80xi32, #tpu.memory_space<vmem>>) semaphore(%arg20 : memref<!tpu.dma_semaphore, #tpu.memory_space<semaphore_mem>>) {add = true}
    %dma_wait3A_145 = arith.constant 0 : i32
    %dma_wait3A_146 = arith.constant 0 : i32
    %dma_wait3A_147 = tpu.memref_slice %arg15[%dma_wait3A_145, %dma_wait3A_146] : memref<10240x128xf32, #tpu.memory_space<vmem_shared>> -> memref<10240x128xf32, #tpu.memory_space<vmem_shared>>
    tpu.wait_indirect_dma semaphore(%arg19 : memref<!tpu.dma_semaphore, #tpu.memory_space<semaphore_mem>>) src(%arg6 : memref<80x128xf32, #tpu.memory_space<vmem>>) dst(%dma_wait3A_147 : memref<10240x128xf32, #tpu.memory_space<vmem_shared>>)
    %dma_wait3A_148 = arith.constant 0 : i32
    %dma_wait3A_149 = arith.constant 0 : i32
    %dma_wait3A_150 = tpu.memref_slice %arg15[%dma_wait3A_148, %dma_wait3A_149] : memref<10240x128xf32, #tpu.memory_space<vmem_shared>> -> memref<10240x128xf32, #tpu.memory_space<vmem_shared>>
    tpu.wait_indirect_dma semaphore(%arg20 : memref<!tpu.dma_semaphore, #tpu.memory_space<semaphore_mem>>) src(%arg7 : memref<80x128xf32, #tpu.memory_space<vmem>>) dst(%dma_wait3A_150 : memref<10240x128xf32, #tpu.memory_space<vmem_shared>>)
    %barrier3A_151 = arith.constant 0 : index
    tpu.barrier barrier_id(%barrier3A_151)
    %mul3A_152 = arith.constant 640 : i32
    %mul3A_153 = arith.muli %arg1, %mul3A_152 : i32
    %add3A_154 = arith.constant 0 : i32
    %add3A_155 = arith.addi %mul3A_153, %add3A_154 : i32
    %dma_start3A_156 = arith.constant 0 : i32
    %dma_start3A_157 = tpu.memref_slice %arg15[%add3A_155, %dma_start3A_156] : memref<10240x128xf32, #tpu.memory_space<vmem_shared>> -> memref<80x128xf32, #tpu.memory_space<vmem_shared>>
    %dma_start3A_158 = arith.constant 0 : i32
    %dma_start3A_159 = tpu.memref_slice %arg15[%add3A_155, %dma_start3A_158] : memref<10240x128xf32, #tpu.memory_space<vmem_shared>> -> memref<80x128xf32, #tpu.memory_space<vmem_shared>>
    tpu.enqueue_dma source(%dma_start3A_159 : memref<80x128xf32, #tpu.memory_space<vmem_shared>>) target(%arg6 : memref<80x128xf32, #tpu.memory_space<vmem>>) target_semaphore(%arg16 : memref<!tpu.dma_semaphore, #tpu.memory_space<semaphore_mem>>)
    %mul3A_160 = arith.constant 640 : i32
    %mul3A_161 = arith.muli %arg1, %mul3A_160 : i32
    %add3A_162 = arith.constant 80 : i32
    %add3A_163 = arith.addi %mul3A_161, %add3A_162 : i32
    %dma_start3A_164 = arith.constant 0 : i32
    %dma_start3A_165 = tpu.memref_slice %arg15[%add3A_163, %dma_start3A_164] : memref<10240x128xf32, #tpu.memory_space<vmem_shared>> -> memref<80x128xf32, #tpu.memory_space<vmem_shared>>
    %dma_start3A_166 = arith.constant 0 : i32
    %dma_start3A_167 = tpu.memref_slice %arg15[%add3A_163, %dma_start3A_166] : memref<10240x128xf32, #tpu.memory_space<vmem_shared>> -> memref<80x128xf32, #tpu.memory_space<vmem_shared>>
    tpu.enqueue_dma source(%dma_start3A_167 : memref<80x128xf32, #tpu.memory_space<vmem_shared>>) target(%arg7 : memref<80x128xf32, #tpu.memory_space<vmem>>) target_semaphore(%arg17 : memref<!tpu.dma_semaphore, #tpu.memory_space<semaphore_mem>>)
    %dma_wait3A_168 = arith.constant 0 : i32
    %dma_wait3A_169 = arith.constant 0 : i32
    %dma_wait3A_170 = tpu.memref_slice %arg15[%dma_wait3A_168, %dma_wait3A_169] : memref<10240x128xf32, #tpu.memory_space<vmem_shared>> -> memref<80x128xf32, #tpu.memory_space<vmem_shared>>
    %dma_wait3A_171 = arith.constant 0 : i32
    %dma_wait3A_172 = arith.constant 0 : i32
    %dma_wait3A_173 = tpu.memref_slice %arg15[%dma_wait3A_171, %dma_wait3A_172] : memref<10240x128xf32, #tpu.memory_space<vmem_shared>> -> memref<80x128xf32, #tpu.memory_space<vmem_shared>>
    tpu.wait_dma2 semaphore(%arg16 : memref<!tpu.dma_semaphore, #tpu.memory_space<semaphore_mem>>) src(%dma_wait3A_173 : memref<80x128xf32, #tpu.memory_space<vmem_shared>>) dst(%arg6 : memref<80x128xf32, #tpu.memory_space<vmem>>)
    %mul3A_174 = arith.constant 640 : i32
    %mul3A_175 = arith.muli %arg1, %mul3A_174 : i32
    %add3A_176 = arith.constant 0 : i32
    %add3A_177 = arith.addi %mul3A_175, %add3A_176 : i32
    %dma_start3A_178 = arith.constant 0 : i32
    %dma_start3A_179 = tpu.memref_slice %arg5[%arg0, %add3A_177, %dma_start3A_178] : memref<2x10240x128xf32, #tpu.memory_space<hbm>> -> memref<1x80x128xf32, #tpu.memory_space<hbm>>
    %dma_start3A_180 = tpu.memref_squeeze %dma_start3A_179 : memref<1x80x128xf32, #tpu.memory_space<hbm>> -> memref<80x128xf32, #tpu.memory_space<hbm>>
    %dma_start3A_181 = arith.constant 0 : i32
    %dma_start3A_182 = tpu.memref_slice %arg5[%arg0, %add3A_177, %dma_start3A_181] : memref<2x10240x128xf32, #tpu.memory_space<hbm>> -> memref<1x80x128xf32, #tpu.memory_space<hbm>>
    %dma_start3A_183 = tpu.memref_squeeze %dma_start3A_182 : memref<1x80x128xf32, #tpu.memory_space<hbm>> -> memref<80x128xf32, #tpu.memory_space<hbm>>
    tpu.enqueue_dma source(%arg6 : memref<80x128xf32, #tpu.memory_space<vmem>>) target(%dma_start3A_183 : memref<80x128xf32, #tpu.memory_space<hbm>>) target_semaphore(%arg19 : memref<!tpu.dma_semaphore, #tpu.memory_space<semaphore_mem>>)
    %dma_wait3A_184 = arith.constant 0 : i32
    %dma_wait3A_185 = arith.constant 0 : i32
    %dma_wait3A_186 = tpu.memref_slice %arg5[%arg0, %dma_wait3A_184, %dma_wait3A_185] : memref<2x10240x128xf32, #tpu.memory_space<hbm>> -> memref<1x80x128xf32, #tpu.memory_space<hbm>>
    %dma_wait3A_187 = tpu.memref_squeeze %dma_wait3A_186 : memref<1x80x128xf32, #tpu.memory_space<hbm>> -> memref<80x128xf32, #tpu.memory_space<hbm>>
    %dma_wait3A_188 = arith.constant 0 : i32
    %dma_wait3A_189 = arith.constant 0 : i32
    %dma_wait3A_190 = tpu.memref_slice %arg5[%arg0, %dma_wait3A_188, %dma_wait3A_189] : memref<2x10240x128xf32, #tpu.memory_space<hbm>> -> memref<1x80x128xf32, #tpu.memory_space<hbm>>
    %dma_wait3A_191 = tpu.memref_squeeze %dma_wait3A_190 : memref<1x80x128xf32, #tpu.memory_space<hbm>> -> memref<80x128xf32, #tpu.memory_space<hbm>>
    tpu.wait_dma2 semaphore(%arg19 : memref<!tpu.dma_semaphore, #tpu.memory_space<semaphore_mem>>) src(%arg6 : memref<80x128xf32, #tpu.memory_space<vmem>>) dst(%dma_wait3A_191 : memref<80x128xf32, #tpu.memory_space<hbm>>)
    %mul3A_192 = arith.constant 640 : i32
    %mul3A_193 = arith.muli %arg1, %mul3A_192 : i32
    %add3A_194 = arith.constant 160 : i32
    %add3A_195 = arith.addi %mul3A_193, %add3A_194 : i32
    %dma_start3A_196 = arith.constant 0 : i32
    %dma_start3A_197 = tpu.memref_slice %arg15[%add3A_195, %dma_start3A_196] : memref<10240x128xf32, #tpu.memory_space<vmem_shared>> -> memref<80x128xf32, #tpu.memory_space<vmem_shared>>
    %dma_start3A_198 = arith.constant 0 : i32
    %dma_start3A_199 = tpu.memref_slice %arg15[%add3A_195, %dma_start3A_198] : memref<10240x128xf32, #tpu.memory_space<vmem_shared>> -> memref<80x128xf32, #tpu.memory_space<vmem_shared>>
    tpu.enqueue_dma source(%dma_start3A_199 : memref<80x128xf32, #tpu.memory_space<vmem_shared>>) target(%arg6 : memref<80x128xf32, #tpu.memory_space<vmem>>) target_semaphore(%arg16 : memref<!tpu.dma_semaphore, #tpu.memory_space<semaphore_mem>>)
    %dma_wait3A_200 = arith.constant 0 : i32
    %dma_wait3A_201 = arith.constant 0 : i32
    %dma_wait3A_202 = tpu.memref_slice %arg15[%dma_wait3A_200, %dma_wait3A_201] : memref<10240x128xf32, #tpu.memory_space<vmem_shared>> -> memref<80x128xf32, #tpu.memory_space<vmem_shared>>
    %dma_wait3A_203 = arith.constant 0 : i32
    %dma_wait3A_204 = arith.constant 0 : i32
    %dma_wait3A_205 = tpu.memref_slice %arg15[%dma_wait3A_203, %dma_wait3A_204] : memref<10240x128xf32, #tpu.memory_space<vmem_shared>> -> memref<80x128xf32, #tpu.memory_space<vmem_shared>>
    tpu.wait_dma2 semaphore(%arg17 : memref<!tpu.dma_semaphore, #tpu.memory_space<semaphore_mem>>) src(%dma_wait3A_205 : memref<80x128xf32, #tpu.memory_space<vmem_shared>>) dst(%arg7 : memref<80x128xf32, #tpu.memory_space<vmem>>)
    %mul3A_206 = arith.constant 640 : i32
    %mul3A_207 = arith.muli %arg1, %mul3A_206 : i32
    %add3A_208 = arith.constant 80 : i32
    %add3A_209 = arith.addi %mul3A_207, %add3A_208 : i32
    %dma_start3A_210 = arith.constant 0 : i32
    %dma_start3A_211 = tpu.memref_slice %arg5[%arg0, %add3A_209, %dma_start3A_210] : memref<2x10240x128xf32, #tpu.memory_space<hbm>> -> memref<1x80x128xf32, #tpu.memory_space<hbm>>
    %dma_start3A_212 = tpu.memref_squeeze %dma_start3A_211 : memref<1x80x128xf32, #tpu.memory_space<hbm>> -> memref<80x128xf32, #tpu.memory_space<hbm>>
    %dma_start3A_213 = arith.constant 0 : i32
    %dma_start3A_214 = tpu.memref_slice %arg5[%arg0, %add3A_209, %dma_start3A_213] : memref<2x10240x128xf32, #tpu.memory_space<hbm>> -> memref<1x80x128xf32, #tpu.memory_space<hbm>>
    %dma_start3A_215 = tpu.memref_squeeze %dma_start3A_214 : memref<1x80x128xf32, #tpu.memory_space<hbm>> -> memref<80x128xf32, #tpu.memory_space<hbm>>
    tpu.enqueue_dma source(%arg7 : memref<80x128xf32, #tpu.memory_space<vmem>>) target(%dma_start3A_215 : memref<80x128xf32, #tpu.memory_space<hbm>>) target_semaphore(%arg20 : memref<!tpu.dma_semaphore, #tpu.memory_space<semaphore_mem>>)
    %dma_wait3A_216 = arith.constant 0 : i32
    %dma_wait3A_217 = arith.constant 0 : i32
    %dma_wait3A_218 = tpu.memref_slice %arg5[%arg0, %dma_wait3A_216, %dma_wait3A_217] : memref<2x10240x128xf32, #tpu.memory_space<hbm>> -> memref<1x80x128xf32, #tpu.memory_space<hbm>>
    %dma_wait3A_219 = tpu.memref_squeeze %dma_wait3A_218 : memref<1x80x128xf32, #tpu.memory_space<hbm>> -> memref<80x128xf32, #tpu.memory_space<hbm>>
    %dma_wait3A_220 = arith.constant 0 : i32
    %dma_wait3A_221 = arith.constant 0 : i32
    %dma_wait3A_222 = tpu.memref_slice %arg5[%arg0, %dma_wait3A_220, %dma_wait3A_221] : memref<2x10240x128xf32, #tpu.memory_space<hbm>> -> memref<1x80x128xf32, #tpu.memory_space<hbm>>
    %dma_wait3A_223 = tpu.memref_squeeze %dma_wait3A_222 : memref<1x80x128xf32, #tpu.memory_space<hbm>> -> memref<80x128xf32, #tpu.memory_space<hbm>>
    tpu.wait_dma2 semaphore(%arg20 : memref<!tpu.dma_semaphore, #tpu.memory_space<semaphore_mem>>) src(%arg7 : memref<80x128xf32, #tpu.memory_space<vmem>>) dst(%dma_wait3A_223 : memref<80x128xf32, #tpu.memory_space<hbm>>)
    %mul3A_224 = arith.constant 640 : i32
    %mul3A_225 = arith.muli %arg1, %mul3A_224 : i32
    %add3A_226 = arith.constant 240 : i32
    %add3A_227 = arith.addi %mul3A_225, %add3A_226 : i32
    %dma_start3A_228 = arith.constant 0 : i32
    %dma_start3A_229 = tpu.memref_slice %arg15[%add3A_227, %dma_start3A_228] : memref<10240x128xf32, #tpu.memory_space<vmem_shared>> -> memref<80x128xf32, #tpu.memory_space<vmem_shared>>
    %dma_start3A_230 = arith.constant 0 : i32
    %dma_start3A_231 = tpu.memref_slice %arg15[%add3A_227, %dma_start3A_230] : memref<10240x128xf32, #tpu.memory_space<vmem_shared>> -> memref<80x128xf32, #tpu.memory_space<vmem_shared>>
    tpu.enqueue_dma source(%dma_start3A_231 : memref<80x128xf32, #tpu.memory_space<vmem_shared>>) target(%arg7 : memref<80x128xf32, #tpu.memory_space<vmem>>) target_semaphore(%arg17 : memref<!tpu.dma_semaphore, #tpu.memory_space<semaphore_mem>>)
    %dma_wait3A_232 = arith.constant 0 : i32
    %dma_wait3A_233 = arith.constant 0 : i32
    %dma_wait3A_234 = tpu.memref_slice %arg15[%dma_wait3A_232, %dma_wait3A_233] : memref<10240x128xf32, #tpu.memory_space<vmem_shared>> -> memref<80x128xf32, #tpu.memory_space<vmem_shared>>
    %dma_wait3A_235 = arith.constant 0 : i32
    %dma_wait3A_236 = arith.constant 0 : i32
    %dma_wait3A_237 = tpu.memref_slice %arg15[%dma_wait3A_235, %dma_wait3A_236] : memref<10240x128xf32, #tpu.memory_space<vmem_shared>> -> memref<80x128xf32, #tpu.memory_space<vmem_shared>>
    tpu.wait_dma2 semaphore(%arg16 : memref<!tpu.dma_semaphore, #tpu.memory_space<semaphore_mem>>) src(%dma_wait3A_237 : memref<80x128xf32, #tpu.memory_space<vmem_shared>>) dst(%arg6 : memref<80x128xf32, #tpu.memory_space<vmem>>)
    %mul3A_238 = arith.constant 640 : i32
    %mul3A_239 = arith.muli %arg1, %mul3A_238 : i32
    %add3A_240 = arith.constant 160 : i32
    %add3A_241 = arith.addi %mul3A_239, %add3A_240 : i32
    %dma_start3A_242 = arith.constant 0 : i32
    %dma_start3A_243 = tpu.memref_slice %arg5[%arg0, %add3A_241, %dma_start3A_242] : memref<2x10240x128xf32, #tpu.memory_space<hbm>> -> memref<1x80x128xf32, #tpu.memory_space<hbm>>
    %dma_start3A_244 = tpu.memref_squeeze %dma_start3A_243 : memref<1x80x128xf32, #tpu.memory_space<hbm>> -> memref<80x128xf32, #tpu.memory_space<hbm>>
    %dma_start3A_245 = arith.constant 0 : i32
    %dma_start3A_246 = tpu.memref_slice %arg5[%arg0, %add3A_241, %dma_start3A_245] : memref<2x10240x128xf32, #tpu.memory_space<hbm>> -> memref<1x80x128xf32, #tpu.memory_space<hbm>>
    %dma_start3A_247 = tpu.memref_squeeze %dma_start3A_246 : memref<1x80x128xf32, #tpu.memory_space<hbm>> -> memref<80x128xf32, #tpu.memory_space<hbm>>
    tpu.enqueue_dma source(%arg6 : memref<80x128xf32, #tpu.memory_space<vmem>>) target(%dma_start3A_247 : memref<80x128xf32, #tpu.memory_space<hbm>>) target_semaphore(%arg19 : memref<!tpu.dma_semaphore, #tpu.memory_space<semaphore_mem>>)
    %dma_wait3A_248 = arith.constant 0 : i32
    %dma_wait3A_249 = arith.constant 0 : i32
    %dma_wait3A_250 = tpu.memref_slice %arg5[%arg0, %dma_wait3A_248, %dma_wait3A_249] : memref<2x10240x128xf32, #tpu.memory_space<hbm>> -> memref<1x80x128xf32, #tpu.memory_space<hbm>>
    %dma_wait3A_251 = tpu.memref_squeeze %dma_wait3A_250 : memref<1x80x128xf32, #tpu.memory_space<hbm>> -> memref<80x128xf32, #tpu.memory_space<hbm>>
    %dma_wait3A_252 = arith.constant 0 : i32
    %dma_wait3A_253 = arith.constant 0 : i32
    %dma_wait3A_254 = tpu.memref_slice %arg5[%arg0, %dma_wait3A_252, %dma_wait3A_253] : memref<2x10240x128xf32, #tpu.memory_space<hbm>> -> memref<1x80x128xf32, #tpu.memory_space<hbm>>
    %dma_wait3A_255 = tpu.memref_squeeze %dma_wait3A_254 : memref<1x80x128xf32, #tpu.memory_space<hbm>> -> memref<80x128xf32, #tpu.memory_space<hbm>>
    tpu.wait_dma2 semaphore(%arg19 : memref<!tpu.dma_semaphore, #tpu.memory_space<semaphore_mem>>) src(%arg6 : memref<80x128xf32, #tpu.memory_space<vmem>>) dst(%dma_wait3A_255 : memref<80x128xf32, #tpu.memory_space<hbm>>)
    %mul3A_256 = arith.constant 640 : i32
    %mul3A_257 = arith.muli %arg1, %mul3A_256 : i32
    %add3A_258 = arith.constant 320 : i32
    %add3A_259 = arith.addi %mul3A_257, %add3A_258 : i32
    %dma_start3A_260 = arith.constant 0 : i32
    %dma_start3A_261 = tpu.memref_slice %arg15[%add3A_259, %dma_start3A_260] : memref<10240x128xf32, #tpu.memory_space<vmem_shared>> -> memref<80x128xf32, #tpu.memory_space<vmem_shared>>
    %dma_start3A_262 = arith.constant 0 : i32
    %dma_start3A_263 = tpu.memref_slice %arg15[%add3A_259, %dma_start3A_262] : memref<10240x128xf32, #tpu.memory_space<vmem_shared>> -> memref<80x128xf32, #tpu.memory_space<vmem_shared>>
    tpu.enqueue_dma source(%dma_start3A_263 : memref<80x128xf32, #tpu.memory_space<vmem_shared>>) target(%arg6 : memref<80x128xf32, #tpu.memory_space<vmem>>) target_semaphore(%arg16 : memref<!tpu.dma_semaphore, #tpu.memory_space<semaphore_mem>>)
    %dma_wait3A_264 = arith.constant 0 : i32
    %dma_wait3A_265 = arith.constant 0 : i32
    %dma_wait3A_266 = tpu.memref_slice %arg15[%dma_wait3A_264, %dma_wait3A_265] : memref<10240x128xf32, #tpu.memory_space<vmem_shared>> -> memref<80x128xf32, #tpu.memory_space<vmem_shared>>
    %dma_wait3A_267 = arith.constant 0 : i32
    %dma_wait3A_268 = arith.constant 0 : i32
    %dma_wait3A_269 = tpu.memref_slice %arg15[%dma_wait3A_267, %dma_wait3A_268] : memref<10240x128xf32, #tpu.memory_space<vmem_shared>> -> memref<80x128xf32, #tpu.memory_space<vmem_shared>>
    tpu.wait_dma2 semaphore(%arg17 : memref<!tpu.dma_semaphore, #tpu.memory_space<semaphore_mem>>) src(%dma_wait3A_269 : memref<80x128xf32, #tpu.memory_space<vmem_shared>>) dst(%arg7 : memref<80x128xf32, #tpu.memory_space<vmem>>)
    %mul3A_270 = arith.constant 640 : i32
    %mul3A_271 = arith.muli %arg1, %mul3A_270 : i32
    %add3A_272 = arith.constant 240 : i32
    %add3A_273 = arith.addi %mul3A_271, %add3A_272 : i32
    %dma_start3A_274 = arith.constant 0 : i32
    %dma_start3A_275 = tpu.memref_slice %arg5[%arg0, %add3A_273, %dma_start3A_274] : memref<2x10240x128xf32, #tpu.memory_space<hbm>> -> memref<1x80x128xf32, #tpu.memory_space<hbm>>
    %dma_start3A_276 = tpu.memref_squeeze %dma_start3A_275 : memref<1x80x128xf32, #tpu.memory_space<hbm>> -> memref<80x128xf32, #tpu.memory_space<hbm>>
    %dma_start3A_277 = arith.constant 0 : i32
    %dma_start3A_278 = tpu.memref_slice %arg5[%arg0, %add3A_273, %dma_start3A_277] : memref<2x10240x128xf32, #tpu.memory_space<hbm>> -> memref<1x80x128xf32, #tpu.memory_space<hbm>>
    %dma_start3A_279 = tpu.memref_squeeze %dma_start3A_278 : memref<1x80x128xf32, #tpu.memory_space<hbm>> -> memref<80x128xf32, #tpu.memory_space<hbm>>
    tpu.enqueue_dma source(%arg7 : memref<80x128xf32, #tpu.memory_space<vmem>>) target(%dma_start3A_279 : memref<80x128xf32, #tpu.memory_space<hbm>>) target_semaphore(%arg20 : memref<!tpu.dma_semaphore, #tpu.memory_space<semaphore_mem>>)
    %dma_wait3A_280 = arith.constant 0 : i32
    %dma_wait3A_281 = arith.constant 0 : i32
    %dma_wait3A_282 = tpu.memref_slice %arg5[%arg0, %dma_wait3A_280, %dma_wait3A_281] : memref<2x10240x128xf32, #tpu.memory_space<hbm>> -> memref<1x80x128xf32, #tpu.memory_space<hbm>>
    %dma_wait3A_283 = tpu.memref_squeeze %dma_wait3A_282 : memref<1x80x128xf32, #tpu.memory_space<hbm>> -> memref<80x128xf32, #tpu.memory_space<hbm>>
    %dma_wait3A_284 = arith.constant 0 : i32
    %dma_wait3A_285 = arith.constant 0 : i32
    %dma_wait3A_286 = tpu.memref_slice %arg5[%arg0, %dma_wait3A_284, %dma_wait3A_285] : memref<2x10240x128xf32, #tpu.memory_space<hbm>> -> memref<1x80x128xf32, #tpu.memory_space<hbm>>
    %dma_wait3A_287 = tpu.memref_squeeze %dma_wait3A_286 : memref<1x80x128xf32, #tpu.memory_space<hbm>> -> memref<80x128xf32, #tpu.memory_space<hbm>>
    tpu.wait_dma2 semaphore(%arg20 : memref<!tpu.dma_semaphore, #tpu.memory_space<semaphore_mem>>) src(%arg7 : memref<80x128xf32, #tpu.memory_space<vmem>>) dst(%dma_wait3A_287 : memref<80x128xf32, #tpu.memory_space<hbm>>)
    %mul3A_288 = arith.constant 640 : i32
    %mul3A_289 = arith.muli %arg1, %mul3A_288 : i32
    %add3A_290 = arith.constant 400 : i32
    %add3A_291 = arith.addi %mul3A_289, %add3A_290 : i32
    %dma_start3A_292 = arith.constant 0 : i32
    %dma_start3A_293 = tpu.memref_slice %arg15[%add3A_291, %dma_start3A_292] : memref<10240x128xf32, #tpu.memory_space<vmem_shared>> -> memref<80x128xf32, #tpu.memory_space<vmem_shared>>
    %dma_start3A_294 = arith.constant 0 : i32
    %dma_start3A_295 = tpu.memref_slice %arg15[%add3A_291, %dma_start3A_294] : memref<10240x128xf32, #tpu.memory_space<vmem_shared>> -> memref<80x128xf32, #tpu.memory_space<vmem_shared>>
    tpu.enqueue_dma source(%dma_start3A_295 : memref<80x128xf32, #tpu.memory_space<vmem_shared>>) target(%arg7 : memref<80x128xf32, #tpu.memory_space<vmem>>) target_semaphore(%arg17 : memref<!tpu.dma_semaphore, #tpu.memory_space<semaphore_mem>>)
    %dma_wait3A_296 = arith.constant 0 : i32
    %dma_wait3A_297 = arith.constant 0 : i32
    %dma_wait3A_298 = tpu.memref_slice %arg15[%dma_wait3A_296, %dma_wait3A_297] : memref<10240x128xf32, #tpu.memory_space<vmem_shared>> -> memref<80x128xf32, #tpu.memory_space<vmem_shared>>
    %dma_wait3A_299 = arith.constant 0 : i32
    %dma_wait3A_300 = arith.constant 0 : i32
    %dma_wait3A_301 = tpu.memref_slice %arg15[%dma_wait3A_299, %dma_wait3A_300] : memref<10240x128xf32, #tpu.memory_space<vmem_shared>> -> memref<80x128xf32, #tpu.memory_space<vmem_shared>>
    tpu.wait_dma2 semaphore(%arg16 : memref<!tpu.dma_semaphore, #tpu.memory_space<semaphore_mem>>) src(%dma_wait3A_301 : memref<80x128xf32, #tpu.memory_space<vmem_shared>>) dst(%arg6 : memref<80x128xf32, #tpu.memory_space<vmem>>)
    %mul3A_302 = arith.constant 640 : i32
    %mul3A_303 = arith.muli %arg1, %mul3A_302 : i32
    %add3A_304 = arith.constant 320 : i32
    %add3A_305 = arith.addi %mul3A_303, %add3A_304 : i32
    %dma_start3A_306 = arith.constant 0 : i32
    %dma_start3A_307 = tpu.memref_slice %arg5[%arg0, %add3A_305, %dma_start3A_306] : memref<2x10240x128xf32, #tpu.memory_space<hbm>> -> memref<1x80x128xf32, #tpu.memory_space<hbm>>
    %dma_start3A_308 = tpu.memref_squeeze %dma_start3A_307 : memref<1x80x128xf32, #tpu.memory_space<hbm>> -> memref<80x128xf32, #tpu.memory_space<hbm>>
    %dma_start3A_309 = arith.constant 0 : i32
    %dma_start3A_310 = tpu.memref_slice %arg5[%arg0, %add3A_305, %dma_start3A_309] : memref<2x10240x128xf32, #tpu.memory_space<hbm>> -> memref<1x80x128xf32, #tpu.memory_space<hbm>>
    %dma_start3A_311 = tpu.memref_squeeze %dma_start3A_310 : memref<1x80x128xf32, #tpu.memory_space<hbm>> -> memref<80x128xf32, #tpu.memory_space<hbm>>
    tpu.enqueue_dma source(%arg6 : memref<80x128xf32, #tpu.memory_space<vmem>>) target(%dma_start3A_311 : memref<80x128xf32, #tpu.memory_space<hbm>>) target_semaphore(%arg19 : memref<!tpu.dma_semaphore, #tpu.memory_space<semaphore_mem>>)
    %dma_wait3A_312 = arith.constant 0 : i32
    %dma_wait3A_313 = arith.constant 0 : i32
    %dma_wait3A_314 = tpu.memref_slice %arg5[%arg0, %dma_wait3A_312, %dma_wait3A_313] : memref<2x10240x128xf32, #tpu.memory_space<hbm>> -> memref<1x80x128xf32, #tpu.memory_space<hbm>>
    %dma_wait3A_315 = tpu.memref_squeeze %dma_wait3A_314 : memref<1x80x128xf32, #tpu.memory_space<hbm>> -> memref<80x128xf32, #tpu.memory_space<hbm>>
    %dma_wait3A_316 = arith.constant 0 : i32
    %dma_wait3A_317 = arith.constant 0 : i32
    %dma_wait3A_318 = tpu.memref_slice %arg5[%arg0, %dma_wait3A_316, %dma_wait3A_317] : memref<2x10240x128xf32, #tpu.memory_space<hbm>> -> memref<1x80x128xf32, #tpu.memory_space<hbm>>
    %dma_wait3A_319 = tpu.memref_squeeze %dma_wait3A_318 : memref<1x80x128xf32, #tpu.memory_space<hbm>> -> memref<80x128xf32, #tpu.memory_space<hbm>>
    tpu.wait_dma2 semaphore(%arg19 : memref<!tpu.dma_semaphore, #tpu.memory_space<semaphore_mem>>) src(%arg6 : memref<80x128xf32, #tpu.memory_space<vmem>>) dst(%dma_wait3A_319 : memref<80x128xf32, #tpu.memory_space<hbm>>)
    %mul3A_320 = arith.constant 640 : i32
    %mul3A_321 = arith.muli %arg1, %mul3A_320 : i32
    %add3A_322 = arith.constant 480 : i32
    %add3A_323 = arith.addi %mul3A_321, %add3A_322 : i32
    %dma_start3A_324 = arith.constant 0 : i32
    %dma_start3A_325 = tpu.memref_slice %arg15[%add3A_323, %dma_start3A_324] : memref<10240x128xf32, #tpu.memory_space<vmem_shared>> -> memref<80x128xf32, #tpu.memory_space<vmem_shared>>
    %dma_start3A_326 = arith.constant 0 : i32
    %dma_start3A_327 = tpu.memref_slice %arg15[%add3A_323, %dma_start3A_326] : memref<10240x128xf32, #tpu.memory_space<vmem_shared>> -> memref<80x128xf32, #tpu.memory_space<vmem_shared>>
    tpu.enqueue_dma source(%dma_start3A_327 : memref<80x128xf32, #tpu.memory_space<vmem_shared>>) target(%arg6 : memref<80x128xf32, #tpu.memory_space<vmem>>) target_semaphore(%arg16 : memref<!tpu.dma_semaphore, #tpu.memory_space<semaphore_mem>>)
    %dma_wait3A_328 = arith.constant 0 : i32
    %dma_wait3A_329 = arith.constant 0 : i32
    %dma_wait3A_330 = tpu.memref_slice %arg15[%dma_wait3A_328, %dma_wait3A_329] : memref<10240x128xf32, #tpu.memory_space<vmem_shared>> -> memref<80x128xf32, #tpu.memory_space<vmem_shared>>
    %dma_wait3A_331 = arith.constant 0 : i32
    %dma_wait3A_332 = arith.constant 0 : i32
    %dma_wait3A_333 = tpu.memref_slice %arg15[%dma_wait3A_331, %dma_wait3A_332] : memref<10240x128xf32, #tpu.memory_space<vmem_shared>> -> memref<80x128xf32, #tpu.memory_space<vmem_shared>>
    tpu.wait_dma2 semaphore(%arg17 : memref<!tpu.dma_semaphore, #tpu.memory_space<semaphore_mem>>) src(%dma_wait3A_333 : memref<80x128xf32, #tpu.memory_space<vmem_shared>>) dst(%arg7 : memref<80x128xf32, #tpu.memory_space<vmem>>)
    %mul3A_334 = arith.constant 640 : i32
    %mul3A_335 = arith.muli %arg1, %mul3A_334 : i32
    %add3A_336 = arith.constant 400 : i32
    %add3A_337 = arith.addi %mul3A_335, %add3A_336 : i32
    %dma_start3A_338 = arith.constant 0 : i32
    %dma_start3A_339 = tpu.memref_slice %arg5[%arg0, %add3A_337, %dma_start3A_338] : memref<2x10240x128xf32, #tpu.memory_space<hbm>> -> memref<1x80x128xf32, #tpu.memory_space<hbm>>
    %dma_start3A_340 = tpu.memref_squeeze %dma_start3A_339 : memref<1x80x128xf32, #tpu.memory_space<hbm>> -> memref<80x128xf32, #tpu.memory_space<hbm>>
    %dma_start3A_341 = arith.constant 0 : i32
    %dma_start3A_342 = tpu.memref_slice %arg5[%arg0, %add3A_337, %dma_start3A_341] : memref<2x10240x128xf32, #tpu.memory_space<hbm>> -> memref<1x80x128xf32, #tpu.memory_space<hbm>>
    %dma_start3A_343 = tpu.memref_squeeze %dma_start3A_342 : memref<1x80x128xf32, #tpu.memory_space<hbm>> -> memref<80x128xf32, #tpu.memory_space<hbm>>
    tpu.enqueue_dma source(%arg7 : memref<80x128xf32, #tpu.memory_space<vmem>>) target(%dma_start3A_343 : memref<80x128xf32, #tpu.memory_space<hbm>>) target_semaphore(%arg20 : memref<!tpu.dma_semaphore, #tpu.memory_space<semaphore_mem>>)
    %dma_wait3A_344 = arith.constant 0 : i32
    %dma_wait3A_345 = arith.constant 0 : i32
    %dma_wait3A_346 = tpu.memref_slice %arg5[%arg0, %dma_wait3A_344, %dma_wait3A_345] : memref<2x10240x128xf32, #tpu.memory_space<hbm>> -> memref<1x80x128xf32, #tpu.memory_space<hbm>>
    %dma_wait3A_347 = tpu.memref_squeeze %dma_wait3A_346 : memref<1x80x128xf32, #tpu.memory_space<hbm>> -> memref<80x128xf32, #tpu.memory_space<hbm>>
    %dma_wait3A_348 = arith.constant 0 : i32
    %dma_wait3A_349 = arith.constant 0 : i32
    %dma_wait3A_350 = tpu.memref_slice %arg5[%arg0, %dma_wait3A_348, %dma_wait3A_349] : memref<2x10240x128xf32, #tpu.memory_space<hbm>> -> memref<1x80x128xf32, #tpu.memory_space<hbm>>
    %dma_wait3A_351 = tpu.memref_squeeze %dma_wait3A_350 : memref<1x80x128xf32, #tpu.memory_space<hbm>> -> memref<80x128xf32, #tpu.memory_space<hbm>>
    tpu.wait_dma2 semaphore(%arg20 : memref<!tpu.dma_semaphore, #tpu.memory_space<semaphore_mem>>) src(%arg7 : memref<80x128xf32, #tpu.memory_space<vmem>>) dst(%dma_wait3A_351 : memref<80x128xf32, #tpu.memory_space<hbm>>)
    %mul3A_352 = arith.constant 640 : i32
    %mul3A_353 = arith.muli %arg1, %mul3A_352 : i32
    %add3A_354 = arith.constant 560 : i32
    %add3A_355 = arith.addi %mul3A_353, %add3A_354 : i32
    %dma_start3A_356 = arith.constant 0 : i32
    %dma_start3A_357 = tpu.memref_slice %arg15[%add3A_355, %dma_start3A_356] : memref<10240x128xf32, #tpu.memory_space<vmem_shared>> -> memref<80x128xf32, #tpu.memory_space<vmem_shared>>
    %dma_start3A_358 = arith.constant 0 : i32
    %dma_start3A_359 = tpu.memref_slice %arg15[%add3A_355, %dma_start3A_358] : memref<10240x128xf32, #tpu.memory_space<vmem_shared>> -> memref<80x128xf32, #tpu.memory_space<vmem_shared>>
    tpu.enqueue_dma source(%dma_start3A_359 : memref<80x128xf32, #tpu.memory_space<vmem_shared>>) target(%arg7 : memref<80x128xf32, #tpu.memory_space<vmem>>) target_semaphore(%arg17 : memref<!tpu.dma_semaphore, #tpu.memory_space<semaphore_mem>>)
    %dma_wait3A_360 = arith.constant 0 : i32
    %dma_wait3A_361 = arith.constant 0 : i32
    %dma_wait3A_362 = tpu.memref_slice %arg15[%dma_wait3A_360, %dma_wait3A_361] : memref<10240x128xf32, #tpu.memory_space<vmem_shared>> -> memref<80x128xf32, #tpu.memory_space<vmem_shared>>
    %dma_wait3A_363 = arith.constant 0 : i32
    %dma_wait3A_364 = arith.constant 0 : i32
    %dma_wait3A_365 = tpu.memref_slice %arg15[%dma_wait3A_363, %dma_wait3A_364] : memref<10240x128xf32, #tpu.memory_space<vmem_shared>> -> memref<80x128xf32, #tpu.memory_space<vmem_shared>>
    tpu.wait_dma2 semaphore(%arg16 : memref<!tpu.dma_semaphore, #tpu.memory_space<semaphore_mem>>) src(%dma_wait3A_365 : memref<80x128xf32, #tpu.memory_space<vmem_shared>>) dst(%arg6 : memref<80x128xf32, #tpu.memory_space<vmem>>)
    %mul3A_366 = arith.constant 640 : i32
    %mul3A_367 = arith.muli %arg1, %mul3A_366 : i32
    %add3A_368 = arith.constant 480 : i32
    %add3A_369 = arith.addi %mul3A_367, %add3A_368 : i32
    %dma_start3A_370 = arith.constant 0 : i32
    %dma_start3A_371 = tpu.memref_slice %arg5[%arg0, %add3A_369, %dma_start3A_370] : memref<2x10240x128xf32, #tpu.memory_space<hbm>> -> memref<1x80x128xf32, #tpu.memory_space<hbm>>
    %dma_start3A_372 = tpu.memref_squeeze %dma_start3A_371 : memref<1x80x128xf32, #tpu.memory_space<hbm>> -> memref<80x128xf32, #tpu.memory_space<hbm>>
    %dma_start3A_373 = arith.constant 0 : i32
    %dma_start3A_374 = tpu.memref_slice %arg5[%arg0, %add3A_369, %dma_start3A_373] : memref<2x10240x128xf32, #tpu.memory_space<hbm>> -> memref<1x80x128xf32, #tpu.memory_space<hbm>>
    %dma_start3A_375 = tpu.memref_squeeze %dma_start3A_374 : memref<1x80x128xf32, #tpu.memory_space<hbm>> -> memref<80x128xf32, #tpu.memory_space<hbm>>
    tpu.enqueue_dma source(%arg6 : memref<80x128xf32, #tpu.memory_space<vmem>>) target(%dma_start3A_375 : memref<80x128xf32, #tpu.memory_space<hbm>>) target_semaphore(%arg19 : memref<!tpu.dma_semaphore, #tpu.memory_space<semaphore_mem>>)
    %dma_wait3A_376 = arith.constant 0 : i32
    %dma_wait3A_377 = arith.constant 0 : i32
    %dma_wait3A_378 = tpu.memref_slice %arg15[%dma_wait3A_376, %dma_wait3A_377] : memref<10240x128xf32, #tpu.memory_space<vmem_shared>> -> memref<80x128xf32, #tpu.memory_space<vmem_shared>>
    %dma_wait3A_379 = arith.constant 0 : i32
    %dma_wait3A_380 = arith.constant 0 : i32
    %dma_wait3A_381 = tpu.memref_slice %arg15[%dma_wait3A_379, %dma_wait3A_380] : memref<10240x128xf32, #tpu.memory_space<vmem_shared>> -> memref<80x128xf32, #tpu.memory_space<vmem_shared>>
    tpu.wait_dma2 semaphore(%arg17 : memref<!tpu.dma_semaphore, #tpu.memory_space<semaphore_mem>>) src(%dma_wait3A_381 : memref<80x128xf32, #tpu.memory_space<vmem_shared>>) dst(%arg7 : memref<80x128xf32, #tpu.memory_space<vmem>>)
    %mul3A_382 = arith.constant 640 : i32
    %mul3A_383 = arith.muli %arg1, %mul3A_382 : i32
    %add3A_384 = arith.constant 560 : i32
    %add3A_385 = arith.addi %mul3A_383, %add3A_384 : i32
    %dma_start3A_386 = arith.constant 0 : i32
    %dma_start3A_387 = tpu.memref_slice %arg5[%arg0, %add3A_385, %dma_start3A_386] : memref<2x10240x128xf32, #tpu.memory_space<hbm>> -> memref<1x80x128xf32, #tpu.memory_space<hbm>>
    %dma_start3A_388 = tpu.memref_squeeze %dma_start3A_387 : memref<1x80x128xf32, #tpu.memory_space<hbm>> -> memref<80x128xf32, #tpu.memory_space<hbm>>
    %dma_start3A_389 = arith.constant 0 : i32
    %dma_start3A_390 = tpu.memref_slice %arg5[%arg0, %add3A_385, %dma_start3A_389] : memref<2x10240x128xf32, #tpu.memory_space<hbm>> -> memref<1x80x128xf32, #tpu.memory_space<hbm>>
    %dma_start3A_391 = tpu.memref_squeeze %dma_start3A_390 : memref<1x80x128xf32, #tpu.memory_space<hbm>> -> memref<80x128xf32, #tpu.memory_space<hbm>>
    tpu.enqueue_dma source(%arg7 : memref<80x128xf32, #tpu.memory_space<vmem>>) target(%dma_start3A_391 : memref<80x128xf32, #tpu.memory_space<hbm>>) target_semaphore(%arg20 : memref<!tpu.dma_semaphore, #tpu.memory_space<semaphore_mem>>)
    %dma_wait3A_392 = arith.constant 0 : i32
    %dma_wait3A_393 = arith.constant 0 : i32
    %dma_wait3A_394 = tpu.memref_slice %arg5[%arg0, %dma_wait3A_392, %dma_wait3A_393] : memref<2x10240x128xf32, #tpu.memory_space<hbm>> -> memref<1x80x128xf32, #tpu.memory_space<hbm>>
    %dma_wait3A_395 = tpu.memref_squeeze %dma_wait3A_394 : memref<1x80x128xf32, #tpu.memory_space<hbm>> -> memref<80x128xf32, #tpu.memory_space<hbm>>
    %dma_wait3A_396 = arith.constant 0 : i32
    %dma_wait3A_397 = arith.constant 0 : i32
    %dma_wait3A_398 = tpu.memref_slice %arg5[%arg0, %dma_wait3A_396, %dma_wait3A_397] : memref<2x10240x128xf32, #tpu.memory_space<hbm>> -> memref<1x80x128xf32, #tpu.memory_space<hbm>>
    %dma_wait3A_399 = tpu.memref_squeeze %dma_wait3A_398 : memref<1x80x128xf32, #tpu.memory_space<hbm>> -> memref<80x128xf32, #tpu.memory_space<hbm>>
    tpu.wait_dma2 semaphore(%arg19 : memref<!tpu.dma_semaphore, #tpu.memory_space<semaphore_mem>>) src(%arg6 : memref<80x128xf32, #tpu.memory_space<vmem>>) dst(%dma_wait3A_399 : memref<80x128xf32, #tpu.memory_space<hbm>>)
    %dma_wait3A_400 = arith.constant 0 : i32
    %dma_wait3A_401 = arith.constant 0 : i32
    %dma_wait3A_402 = tpu.memref_slice %arg5[%arg0, %dma_wait3A_400, %dma_wait3A_401] : memref<2x10240x128xf32, #tpu.memory_space<hbm>> -> memref<1x80x128xf32, #tpu.memory_space<hbm>>
    %dma_wait3A_403 = tpu.memref_squeeze %dma_wait3A_402 : memref<1x80x128xf32, #tpu.memory_space<hbm>> -> memref<80x128xf32, #tpu.memory_space<hbm>>
    %dma_wait3A_404 = arith.constant 0 : i32
    %dma_wait3A_405 = arith.constant 0 : i32
    %dma_wait3A_406 = tpu.memref_slice %arg5[%arg0, %dma_wait3A_404, %dma_wait3A_405] : memref<2x10240x128xf32, #tpu.memory_space<hbm>> -> memref<1x80x128xf32, #tpu.memory_space<hbm>>
    %dma_wait3A_407 = tpu.memref_squeeze %dma_wait3A_406 : memref<1x80x128xf32, #tpu.memory_space<hbm>> -> memref<80x128xf32, #tpu.memory_space<hbm>>
    tpu.wait_dma2 semaphore(%arg20 : memref<!tpu.dma_semaphore, #tpu.memory_space<semaphore_mem>>) src(%arg7 : memref<80x128xf32, #tpu.memory_space<vmem>>) dst(%dma_wait3A_407 : memref<80x128xf32, #tpu.memory_space<hbm>>)
    return
  }
}

module attributes {stable_mosaic.version = 14 : i64} {
  func.func @_prep_kernel(%arg0: memref<96x10000xf32, #tpu.memory_space<vmem>>, %arg1: memref<16x10000xf32, #tpu.memory_space<vmem>>, %arg2: memref<16x10000xf32, #tpu.memory_space<vmem>>, %arg3: memref<10000x128xf32, #tpu.memory_space<vmem>>) attributes {dimension_semantics = [], scalar_prefetch = 0 : i64, scratch_operands = 0 : i64, tpu.core_type = #tpu.core_type<tc>} {
    %get3A = arith.constant 0 : index
    %get3A_0 = arith.constant 0 : index
    %get3A_1 = vector.load %arg0[%get3A, %get3A_0] : memref<96x10000xf32, #tpu.memory_space<vmem>>, vector<96x10000xf32>
    %transpose3A = tpu.transpose %get3A_1, [1, 0] : vector<96x10000xf32> -> vector<10000x96xf32>
    %get3A_2 = arith.constant 0 : index
    %get3A_3 = arith.constant 0 : index
    %get3A_4 = vector.load %arg1[%get3A_2, %get3A_3] : memref<16x10000xf32, #tpu.memory_space<vmem>>, vector<16x10000xf32>
    %transpose3A_5 = tpu.transpose %get3A_4, [1, 0] : vector<16x10000xf32> -> vector<10000x16xf32>
    %get3A_6 = arith.constant 0 : index
    %get3A_7 = arith.constant 0 : index
    %get3A_8 = vector.load %arg2[%get3A_6, %get3A_7] : memref<16x10000xf32, #tpu.memory_space<vmem>>, vector<16x10000xf32>
    %transpose3A_9 = tpu.transpose %get3A_8, [1, 0] : vector<16x10000xf32> -> vector<10000x16xf32>
    %concatenate3A = tpu.concatenate %transpose3A, %transpose3A_5, %transpose3A_9 in 1 : vector<10000x96xf32>, vector<10000x16xf32>, vector<10000x16xf32> -> vector<10000x128xf32>
    %swap3A = arith.constant 0 : index
    %swap3A_10 = arith.constant 0 : index
    %swap3A_11 = vector.load %arg3[%swap3A, %swap3A_10] : memref<10000x128xf32, #tpu.memory_space<vmem>>, vector<10000x128xf32>
    tpu.vector_store %arg3[%swap3A, %swap3A_10], %concatenate3A {strides = array<i32>} : memref<10000x128xf32, #tpu.memory_space<vmem>>, vector<10000x128xf32>,
    return
  }
}

module attributes {stable_mosaic.version = 14 : i64} {
  func.func @_lin2_kernel(%arg0: i32, %arg1: memref<2000x128xf32, #tpu.memory_space<vmem>>, %arg2: memref<1x2000x128xf32, #tpu.memory_space<vmem>>, %arg3: memref<1x2000x128xf32, #tpu.memory_space<vmem>>, %arg4: memref<128x128xf32, #tpu.memory_space<vmem>>, %arg5: memref<1x128xf32, #tpu.memory_space<vmem>>, %arg6: memref<1x128xf32, #tpu.memory_space<vmem>>, %arg7: memref<1x128xf32, #tpu.memory_space<vmem>>, %arg8: memref<1x128xf32, #tpu.memory_space<vmem>>) attributes {dimension_semantics = [#tpu.dimension_semantics<arbitrary>], iteration_bounds = array<i64: 5>, scalar_prefetch = 0 : i64, scratch_operands = 1 : i64, tpu.core_type = #tpu.core_type<tc>, window_params = [{transform_indices = @transform_0, window_bounds = array<i64: 2000, 128>}, {transform_indices = @transform_1, window_bounds = array<i64: 1, 2000, 128>}, {transform_indices = @transform_2, window_bounds = array<i64: 1, 2000, 128>}, {pipeline_mode = #tpu.pipeline_mode<synchronous>, transform_indices = @transform_3, window_bounds = array<i64: 128, 128>}, {pipeline_mode = #tpu.pipeline_mode<synchronous>, transform_indices = @transform_4, window_bounds = array<i64: 1, 128>}, {pipeline_mode = #tpu.pipeline_mode<synchronous>, transform_indices = @transform_5, window_bounds = array<i64: 1, 128>}, {pipeline_mode = #tpu.pipeline_mode<synchronous>, transform_indices = @transform_6, window_bounds = array<i64: 1, 128>}]} {
    %eq3A = arith.constant 0 : i32
    %eq3A_0 = arith.cmpi eq, %arg0, %eq3A : i32
    %convert_element_type3A = arith.extui %eq3A_0 : i1 to i32
    %cond3A = arith.constant 0 : i32
    %cond3A_1 = arith.cmpi ne, %convert_element_type3A, %cond3A : i32
    scf.if %cond3A_1 {
      %broadcast_in_dim3A_42 = arith.constant 0.000000e+00 : f32
      %broadcast_in_dim3A_43 = vector.broadcast %broadcast_in_dim3A_42 : f32 to vector<1x128xf32>
      %swap3A_44 = arith.constant 0 : index
      %swap3A_45 = arith.constant 0 : index
      %swap3A_46 = vector.load %arg8[%swap3A_44, %swap3A_45] : memref<1x128xf32, #tpu.memory_space<vmem>>, vector<1x128xf32>
      tpu.vector_store %arg8[%swap3A_44, %swap3A_45], %broadcast_in_dim3A_43 {strides = array<i32>} : memref<1x128xf32, #tpu.memory_space<vmem>>, vector<1x128xf32>,
    } else {
    }
    %get3A = arith.constant 0 : index
    %get3A_2 = arith.constant 0 : index
    %get3A_3 = vector.load %arg6[%get3A, %get3A_2] : memref<1x128xf32, #tpu.memory_space<vmem>>, vector<1x128xf32>
    %get3A_4 = arith.constant 0 : index
    %get3A_5 = arith.constant 0 : index
    %get3A_6 = vector.load %arg1[%get3A_4, %get3A_5] : memref<2000x128xf32, #tpu.memory_space<vmem>>, vector<2000x128xf32>
    %mul3A = vector.broadcast %get3A_3 : vector<1x128xf32> to vector<2000x128xf32>
    %mul3A_7 = arith.mulf %mul3A, %get3A_6 : vector<2000x128xf32>
    %get3A_8 = arith.constant 0 : index
    %get3A_9 = arith.constant 0 : index
    %get3A_10 = arith.constant 0 : index
    %get3A_11 = vector.load %arg2[%get3A_8, %get3A_9, %get3A_10] : memref<1x2000x128xf32, #tpu.memory_space<vmem>>, vector<1x2000x128xf32>
    %get3A_12 = vector.shape_cast %get3A_11 : vector<1x2000x128xf32> to vector<2000x128xf32>
    %add3A = arith.addf %mul3A_7, %get3A_12 : vector<2000x128xf32>
    %get3A_13 = arith.constant 0 : index
    %get3A_14 = arith.constant 0 : index
    %get3A_15 = arith.constant 0 : index
    %get3A_16 = vector.load %arg3[%get3A_13, %get3A_14, %get3A_15] : memref<1x2000x128xf32, #tpu.memory_space<vmem>>, vector<1x2000x128xf32>
    %get3A_17 = vector.shape_cast %get3A_16 : vector<1x2000x128xf32> to vector<2000x128xf32>
    %add3A_18 = arith.addf %add3A, %get3A_17 : vector<2000x128xf32>
    %get3A_19 = arith.constant 0 : index
    %get3A_20 = arith.constant 0 : index
    %get3A_21 = vector.load %arg4[%get3A_19, %get3A_20] : memref<128x128xf32, #tpu.memory_space<vmem>>, vector<128x128xf32>
    %dot_general3A = arith.constant dense<0.000000e+00> : vector<2000x128xf32>
    %dot_general3A_22 = tpu.matmul %add3A_18, %get3A_21, %dot_general3A {dimension_numbers = #tpu.dot_dimension_numbers<[1], [0], [0], [1], [0, 0, 1, 1], [], []>, transpose_lhs_hint = false} : vector<2000x128xf32>, vector<128x128xf32>, vector<2000x128xf32> -> vector<2000x128xf32>
    %get3A_23 = arith.constant 0 : index
    %get3A_24 = arith.constant 0 : index
    %get3A_25 = vector.load %arg5[%get3A_23, %get3A_24] : memref<1x128xf32, #tpu.memory_space<vmem>>, vector<1x128xf32>
    %add3A_26 = vector.broadcast %get3A_25 : vector<1x128xf32> to vector<2000x128xf32>
    %add3A_27 = arith.addf %dot_general3A_22, %add3A_26 : vector<2000x128xf32>
    %max3A = arith.constant 0.000000e+00 : f32
    %max3A_28 = vector.broadcast %max3A : f32 to vector<2000x128xf32>
    %max3A_29 = arith.maximumf %add3A_27, %max3A_28 : vector<2000x128xf32>
    %get3A_30 = arith.constant 0 : index
    %get3A_31 = arith.constant 0 : index
    %get3A_32 = vector.load %arg8[%get3A_30, %get3A_31] : memref<1x128xf32, #tpu.memory_space<vmem>>, vector<1x128xf32>
    %reduce_sum3A = arith.constant dense<0.000000e+00> : vector<128xf32>
    %reduce_sum3A_33 = vector.multi_reduction <add>, %max3A_29, %reduce_sum3A [0] : vector<2000x128xf32> to vector<128xf32>
    %broadcast_in_dim3A = vector.shape_cast %reduce_sum3A_33 : vector<128xf32> to vector<1x128xf32>
    %add3A_34 = arith.addf %get3A_32, %broadcast_in_dim3A : vector<1x128xf32>
    %swap3A = arith.constant 0 : index
    %swap3A_35 = arith.constant 0 : index
    %swap3A_36 = vector.load %arg8[%swap3A, %swap3A_35] : memref<1x128xf32, #tpu.memory_space<vmem>>, vector<1x128xf32>
    tpu.vector_store %arg8[%swap3A, %swap3A_35], %add3A_34 {strides = array<i32>} : memref<1x128xf32, #tpu.memory_space<vmem>>, vector<1x128xf32>,
    %eq3A_37 = arith.constant 4 : i32
    %eq3A_38 = arith.cmpi eq, %arg0, %eq3A_37 : i32
    %convert_element_type3A_39 = arith.extui %eq3A_38 : i1 to i32
    %cond3A_40 = arith.constant 0 : i32
    %cond3A_41 = arith.cmpi ne, %convert_element_type3A_39, %cond3A_40 : i32
    scf.if %cond3A_41 {
      %get3A_42 = arith.constant 0 : index
      %get3A_43 = arith.constant 0 : index
      %get3A_44 = vector.load %arg8[%get3A_42, %get3A_43] : memref<1x128xf32, #tpu.memory_space<vmem>>, vector<1x128xf32>
      %mul3A_45 = arith.constant 9.99999974E-5 : f32
      %mul3A_46 = vector.broadcast %mul3A_45 : f32 to vector<1x128xf32>
      %mul3A_47 = arith.mulf %get3A_44, %mul3A_46 : vector<1x128xf32>
      %max3A_48 = arith.constant 0.000000e+00 : f32
      %max3A_49 = vector.broadcast %max3A_48 : f32 to vector<1x128xf32>
      %max3A_50 = arith.maximumf %mul3A_47, %max3A_49 : vector<1x128xf32>
      %swap3A_51 = arith.constant 0 : index
      %swap3A_52 = arith.constant 0 : index
      %swap3A_53 = vector.load %arg7[%swap3A_51, %swap3A_52] : memref<1x128xf32, #tpu.memory_space<vmem>>, vector<1x128xf32>
      tpu.vector_store %arg7[%swap3A_51, %swap3A_52], %max3A_50 {strides = array<i32>} : memref<1x128xf32, #tpu.memory_space<vmem>>, vector<1x128xf32>,
    } else {
    }
    return
  }
  func.func @transform_0(%arg0: i32) -> (i32, i32) {
    %c0_i32 = arith.constant 0 : i32
    %c0_i32_0 = arith.constant 0 : i32
    return %arg0, %c0_i32 : i32, i32
  }
  func.func @transform_1(%arg0: i32) -> (i32, i32, i32) {
    %c0_i32 = arith.constant 0 : i32
    %c0_i32_0 = arith.constant 0 : i32
    %c0_i32_1 = arith.constant 0 : i32
    return %c0_i32, %arg0, %c0_i32_0 : i32, i32, i32
  }
  func.func @transform_2(%arg0: i32) -> (i32, i32, i32) {
    %c1_i32 = arith.constant 1 : i32
    %c0_i32 = arith.constant 0 : i32
    %c0_i32_0 = arith.constant 0 : i32
    return %c1_i32, %arg0, %c0_i32 : i32, i32, i32
  }
  func.func @transform_3(%arg0: i32) -> (i32, i32) {
    %c0_i32 = arith.constant 0 : i32
    %c0_i32_0 = arith.constant 0 : i32
    %c0_i32_1 = arith.constant 0 : i32
    return %c0_i32, %c0_i32_0 : i32, i32
  }
  func.func @transform_4(%arg0: i32) -> (i32, i32) {
    %c0_i32 = arith.constant 0 : i32
    %c0_i32_0 = arith.constant 0 : i32
    %c0_i32_1 = arith.constant 0 : i32
    return %c0_i32, %c0_i32_0 : i32, i32
  }
  func.func @transform_5(%arg0: i32) -> (i32, i32) {
    %c0_i32 = arith.constant 0 : i32
    %c0_i32_0 = arith.constant 0 : i32
    %c0_i32_1 = arith.constant 0 : i32
    return %c0_i32, %c0_i32_0 : i32, i32
  }
  func.func @transform_6(%arg0: i32) -> (i32, i32) {
    %c0_i32 = arith.constant 0 : i32
    %c0_i32_0 = arith.constant 0 : i32
    %c0_i32_1 = arith.constant 0 : i32
    return %c0_i32, %c0_i32_0 : i32, i32
  }
}

module attributes {stable_mosaic.version = 14 : i64} {
  func.func @_lin_kernel(%arg0: i32, %arg1: memref<2000x128xf32, #tpu.memory_space<vmem>>, %arg2: memref<1x2000x128xf32, #tpu.memory_space<vmem>>, %arg3: memref<1x2000x128xf32, #tpu.memory_space<vmem>>, %arg4: memref<128x128xf32, #tpu.memory_space<vmem>>, %arg5: memref<1x128xf32, #tpu.memory_space<vmem>>, %arg6: memref<1x128xf32, #tpu.memory_space<vmem>>, %arg7: memref<2000x128xf32, #tpu.memory_space<vmem>>) attributes {dimension_semantics = [#tpu.dimension_semantics<arbitrary>], iteration_bounds = array<i64: 5>, scalar_prefetch = 0 : i64, scratch_operands = 0 : i64, tpu.core_type = #tpu.core_type<tc>, window_params = [{transform_indices = @transform_0, window_bounds = array<i64: 2000, 128>}, {transform_indices = @transform_1, window_bounds = array<i64: 1, 2000, 128>}, {transform_indices = @transform_2, window_bounds = array<i64: 1, 2000, 128>}, {pipeline_mode = #tpu.pipeline_mode<synchronous>, transform_indices = @transform_3, window_bounds = array<i64: 128, 128>}, {pipeline_mode = #tpu.pipeline_mode<synchronous>, transform_indices = @transform_4, window_bounds = array<i64: 1, 128>}, {pipeline_mode = #tpu.pipeline_mode<synchronous>, transform_indices = @transform_5, window_bounds = array<i64: 1, 128>}, {transform_indices = @transform_6, window_bounds = array<i64: 2000, 128>}]} {
    %get3A = arith.constant 0 : index
    %get3A_0 = arith.constant 0 : index
    %get3A_1 = vector.load %arg6[%get3A, %get3A_0] : memref<1x128xf32, #tpu.memory_space<vmem>>, vector<1x128xf32>
    %get3A_2 = arith.constant 0 : index
    %get3A_3 = arith.constant 0 : index
    %get3A_4 = vector.load %arg1[%get3A_2, %get3A_3] : memref<2000x128xf32, #tpu.memory_space<vmem>>, vector<2000x128xf32>
    %mul3A = vector.broadcast %get3A_1 : vector<1x128xf32> to vector<2000x128xf32>
    %mul3A_5 = arith.mulf %mul3A, %get3A_4 : vector<2000x128xf32>
    %get3A_6 = arith.constant 0 : index
    %get3A_7 = arith.constant 0 : index
    %get3A_8 = arith.constant 0 : index
    %get3A_9 = vector.load %arg2[%get3A_6, %get3A_7, %get3A_8] : memref<1x2000x128xf32, #tpu.memory_space<vmem>>, vector<1x2000x128xf32>
    %get3A_10 = vector.shape_cast %get3A_9 : vector<1x2000x128xf32> to vector<2000x128xf32>
    %add3A = arith.addf %mul3A_5, %get3A_10 : vector<2000x128xf32>
    %get3A_11 = arith.constant 0 : index
    %get3A_12 = arith.constant 0 : index
    %get3A_13 = arith.constant 0 : index
    %get3A_14 = vector.load %arg3[%get3A_11, %get3A_12, %get3A_13] : memref<1x2000x128xf32, #tpu.memory_space<vmem>>, vector<1x2000x128xf32>
    %get3A_15 = vector.shape_cast %get3A_14 : vector<1x2000x128xf32> to vector<2000x128xf32>
    %add3A_16 = arith.addf %add3A, %get3A_15 : vector<2000x128xf32>
    %get3A_17 = arith.constant 0 : index
    %get3A_18 = arith.constant 0 : index
    %get3A_19 = vector.load %arg4[%get3A_17, %get3A_18] : memref<128x128xf32, #tpu.memory_space<vmem>>, vector<128x128xf32>
    %dot_general3A = arith.constant dense<0.000000e+00> : vector<2000x128xf32>
    %dot_general3A_20 = tpu.matmul %add3A_16, %get3A_19, %dot_general3A {dimension_numbers = #tpu.dot_dimension_numbers<[1], [0], [0], [1], [0, 0, 1, 1], [], []>, transpose_lhs_hint = false} : vector<2000x128xf32>, vector<128x128xf32>, vector<2000x128xf32> -> vector<2000x128xf32>
    %get3A_21 = arith.constant 0 : index
    %get3A_22 = arith.constant 0 : index
    %get3A_23 = vector.load %arg5[%get3A_21, %get3A_22] : memref<1x128xf32, #tpu.memory_space<vmem>>, vector<1x128xf32>
    %add3A_24 = vector.broadcast %get3A_23 : vector<1x128xf32> to vector<2000x128xf32>
    %add3A_25 = arith.addf %dot_general3A_20, %add3A_24 : vector<2000x128xf32>
    %max3A = arith.constant 0.000000e+00 : f32
    %max3A_26 = vector.broadcast %max3A : f32 to vector<2000x128xf32>
    %max3A_27 = arith.maximumf %add3A_25, %max3A_26 : vector<2000x128xf32>
    %swap3A = arith.constant 0 : index
    %swap3A_28 = arith.constant 0 : index
    %swap3A_29 = vector.load %arg7[%swap3A, %swap3A_28] : memref<2000x128xf32, #tpu.memory_space<vmem>>, vector<2000x128xf32>
    tpu.vector_store %arg7[%swap3A, %swap3A_28], %max3A_27 {strides = array<i32>} : memref<2000x128xf32, #tpu.memory_space<vmem>>, vector<2000x128xf32>,
    return
  }
  func.func @transform_0(%arg0: i32) -> (i32, i32) {
    %c0_i32 = arith.constant 0 : i32
    %c0_i32_0 = arith.constant 0 : i32
    return %arg0, %c0_i32 : i32, i32
  }
  func.func @transform_1(%arg0: i32) -> (i32, i32, i32) {
    %c0_i32 = arith.constant 0 : i32
    %c0_i32_0 = arith.constant 0 : i32
    %c0_i32_1 = arith.constant 0 : i32
    return %c0_i32, %arg0, %c0_i32_0 : i32, i32, i32
  }
  func.func @transform_2(%arg0: i32) -> (i32, i32, i32) {
    %c1_i32 = arith.constant 1 : i32
    %c0_i32 = arith.constant 0 : i32
    %c0_i32_0 = arith.constant 0 : i32
    return %c1_i32, %arg0, %c0_i32 : i32, i32, i32
  }
  func.func @transform_3(%arg0: i32) -> (i32, i32) {
    %c0_i32 = arith.constant 0 : i32
    %c0_i32_0 = arith.constant 0 : i32
    %c0_i32_1 = arith.constant 0 : i32
    return %c0_i32, %c0_i32_0 : i32, i32
  }
  func.func @transform_4(%arg0: i32) -> (i32, i32) {
    %c0_i32 = arith.constant 0 : i32
    %c0_i32_0 = arith.constant 0 : i32
    %c0_i32_1 = arith.constant 0 : i32
    return %c0_i32, %c0_i32_0 : i32, i32
  }
  func.func @transform_5(%arg0: i32) -> (i32, i32) {
    %c0_i32 = arith.constant 0 : i32
    %c0_i32_0 = arith.constant 0 : i32
    %c0_i32_1 = arith.constant 0 : i32
    return %c0_i32, %c0_i32_0 : i32, i32
  }
  func.func @transform_6(%arg0: i32) -> (i32, i32) {
    %c0_i32 = arith.constant 0 : i32
    %c0_i32_0 = arith.constant 0 : i32
    return %arg0, %c0_i32 : i32, i32
  }
}

</mosaic_0001>

<sc_bundles>
// kernel: kernel.10.cloned.1.call-start
scs
__scs_entry_jumppad:
0x0: {  	(pc) =	sbr.rel $0x88, $3  }
0x1: {  	(tag) =	ssettag $0x0;
	lr =	simm.s32 $0x1  }
0x2: {  	[smem:$0x3F97] =	sst lr;
	_ =	strace $0xD0000000  }
0x3: {  	_ = 	snop  }
0x4: {  	_ = 	snop  }
0x5: {  	_ = 	snop  }
0x6: {  	_ = 	snop  }
0x7: {  	_ = 	snop  }
__scs_overlays_trampoline_lowered:
0x8: {  	[smem:$0x3FA6] =	sst s0  }
0x9: {  	[smem:$0x3FA7] =	sst s1  }
0xa: {  	[smem:$0x3FA8] =	sst s2  }
0xb: {  	[smem:$0x3FA9] =	sst s3  }
0xc: {  	[smem:$0x3FAA] =	sst s4  }
0xd: {  	[smem:$0x3FAB] =	sst s5  }
0xe: {  	[smem:$0x3FAC] =	sst s6  }
0xf: {  	[smem:$0x3FAD] =	sst s7  }
0x10: {  	[smem:$0x3FAE] =	sst s8  }
0x11: {  	[smem:$0x3FAF] =	sst s9;
	s0 =	simm.s32 @!p0 $0x0  }
0x12: {  	s1 =	sld [smem:$0x3F95];
	s0 =	simm.s32 @p0 $0x1  }
0x13: {  	[smem:$0x3FB0] =	sst s0;
	s0 =	simm.s32 @!p1 $0x0  }
0x14: {  	s2 =	sld [smem:$0x3F94];
	s0 =	simm.s32 @p1 $0x1  }
0x15: {  	[smem:$0x3FB1] =	sst s0;
	s0 =	simm.s32 @!p2 $0x0  }
0x16: {  	s3 =	sld [smem:$0x3FDB];
	s0 =	simm.s32 @p2 $0x1  }
0x17: {  	s4 =	simm.s32 $0x1BF5;
	[smem:$0x3FB3] =	sst s0  }
0x18: {  	s0 =	sld [smem:$0x3F96];
	_ =	swait.ge [sflag:s4], $0x0  }
0x19: {  	s7 =	sld [smem:$0x3F97]  }
0x1a: {  	s8 =	sadd.s32 $0xFFFFE003, lr  }
0x1b: {  	s9 =	sadd.s32 $0xFFFFFEF7, lr;
	s5 =	simm.s32 $0xFFFFFFFF;
	p2 =	slt.u32 s8, $0xFFFFF086  }
0x1c: {  	p1 =	slt.u32 s9, $0xF7A;
	s5 =	simm.s32 @!p2 $0x0  }
0x1d: {  	s5 =	simm.s32 @p1 $0x1;
	p0 =	seq.s32 s7, s2  }
0x1e: {  	s7 =	smul.u32 @!p0 $0xF7A, s2;
	p2 =	seq.s32 @!p0 s5, $0x0  }
0x1f: {  	s9 =	smul.u32 $0xF7A, s1;
	s8 =	simm.s32 @!p0 $0x1BF5;
	p2 =	por !p2, p0  }
0x20: {  	[sflag:s8] =	ssyncset.s32 @!p0 $0xFFFFF086;
	s6 =	sadd.s32 @!p0 s3, s7;
	s7 =	simm.s32 @!p0 $0x108  }
0x21: {  	s3 =	sadd.s32 s3, s9;
	s6 =	sadd.s32 @!p0 $0x88, s6;
	s7 =	simm.s32 @p2 $0x1082  }
0x22: {  	[simem:s7], [sflag:s8] =	dma.local @!p0 [hbm:s6], $0xF7A  }
0x23: {  	s9 =	sor.u32 $0xD0000000, s2;
	s6 =	simm.s32 $0x108;
	_ =	swait.ge @!p0 [sflag:s8], $0x0  }
0x24: {  	s3 =	sadd.s32 $0x88, s3;
	s6 =	simm.s32 @!p1 $0x1082;
	[sflag:s4] =	ssyncset.s32 $0xFFFFF086  }
0x25: {  	[simem:s6], [sflag:s4] =	dma.local [hbm:s3], $0xF7A  }
0x26: {  	[smem:$0x3F97] =	sst s1;
	(tag) =	ssettag s2;
	_ =	strace s9  }
0x27: {  	s1 =	sld [smem:$0x3FA7]  }
0x28: {  	s2 =	sld [smem:$0x3FA8]  }
0x29: {  	s4 =	sld [smem:$0x3FAA]  }
0x2a: {  	p0 =	seq.s32 s5, $0x0;
	s5 =	sld [smem:$0x3FAB]  }
0x2b: {  	s6 =	sld [smem:$0x3FAC]  }
0x2c: {  	s7 =	sld [smem:$0x3FAD]  }
0x2d: {  	s3 =	simm.s32 $0x108;
	s8 =	sld [smem:$0x3FAE]  }
0x2e: {  	s3 =	simm.s32 @!p0 $0x1082;
	s9 =	sld [smem:$0x3FAF]  }
0x2f: {  	lr =	sadd.s32 s0, s3;
	s0 =	sld [smem:$0x3FA6]  }
0x30: {  	s3 =	sld [smem:$0x3FA9]  }
0x31: {  	[smem:$0x3FB2] =	sst s10  }
0x32: {  	s10 =	sld [smem:$0x3FB0];
	_ =	sdelay $0x3  }
0x33: {  	p0 =	seq.s32 s10, $0x1;
	s10 =	sld [smem:$0x3FB2];
	_ =	sdelay $0x3  }
0x34: {  	[smem:$0x3FB2] =	sst s10  }
0x35: {  	s10 =	sld [smem:$0x3FB1];
	_ =	sdelay $0x3  }
0x36: {  	p1 =	seq.s32 s10, $0x1;
	s10 =	sld [smem:$0x3FB2];
	_ =	sdelay $0x3  }
0x37: {  	[smem:$0x3FB2] =	sst s10  }
0x38: {  	s10 =	sld [smem:$0x3FB3]  }
0x39: {  	_ = 	snop;
	(pc) =	sbr.ind lr, $3  }
0x3a: {  	_ = 	snop  }
0x3b: {  	_ = 	snop  }
0x3c: {  	p2 =	seq.s32 s10, $0x1;
	s10 =	sld [smem:$0x3FB2]  }
0x3d: {  	_ =	shalt  }
0x3e: {  	_ =	shalt  }
0x3f: {  	_ =	shalt  }
0x40: {  	_ =	shalt  }
0x41: {  	_ =	shalt  }
0x42: {  	_ =	shalt  }
0x43: {  	_ =	shalt  }
0x44: {  	_ =	shalt  }
0x45: {  	_ =	shalt  }
0x46: {  	_ =	shalt  }
0x47: {  	_ =	shalt  }
0x48: {  	_ =	shalt  }
0x49: {  	_ =	shalt  }
0x4a: {  	_ =	shalt  }
0x4b: {  	_ =	shalt  }
0x4c: {  	_ =	shalt  }
0x4d: {  	_ =	shalt  }
0x4e: {  	_ =	shalt  }
0x4f: {  	_ =	shalt  }
0x50: {  	_ =	shalt  }
0x51: {  	_ =	shalt  }
0x52: {  	_ =	shalt  }
0x53: {  	_ =	shalt  }
0x54: {  	_ =	shalt  }
0x55: {  	_ =	shalt  }
0x56: {  	_ =	shalt  }
0x57: {  	_ =	shalt  }
0x58: {  	_ =	shalt  }
0x59: {  	_ =	shalt  }
0x5a: {  	_ =	shalt  }
0x5b: {  	_ =	shalt  }
0x5c: {  	_ =	shalt  }
0x5d: {  	_ =	shalt  }
0x5e: {  	_ =	shalt  }
0x5f: {  	_ =	shalt  }
0x60: {  	_ =	shalt  }
0x61: {  	_ =	shalt  }
0x62: {  	_ =	shalt  }
0x63: {  	_ =	shalt  }
0x64: {  	_ =	shalt  }
0x65: {  	_ =	shalt  }
0x66: {  	_ =	shalt  }
0x67: {  	_ =	shalt  }
0x68: {  	_ =	shalt  }
0x69: {  	_ =	shalt  }
0x6a: {  	_ =	shalt  }
0x6b: {  	_ =	shalt  }
0x6c: {  	_ =	shalt  }
0x6d: {  	_ =	shalt  }
0x6e: {  	_ =	shalt  }
0x6f: {  	_ =	shalt  }
0x70: {  	_ =	shalt  }
0x71: {  	_ =	shalt  }
0x72: {  	_ =	shalt  }
0x73: {  	_ =	shalt  }
0x74: {  	_ =	shalt  }
0x75: {  	_ =	shalt  }
0x76: {  	_ =	shalt  }
0x77: {  	_ =	shalt  }
0x78: {  	_ =	shalt  }
0x79: {  	_ =	shalt  }
0x7a: {  	_ =	shalt  }
0x7b: {  	_ =	shalt  }
0x7c: {  	_ =	shalt  }
0x7d: {  	_ =	shalt  }
0x7e: {  	_ =	shalt  }
0x7f: {  	_ =	shalt  }
0x80: {  	_ =	shalt  }
0x81: {  	_ =	shalt  }
0x82: {  	_ =	shalt  }
0x83: {  	_ =	shalt  }
0x84: {  	_ =	shalt  }
0x85: {  	_ =	shalt  }
0x86: {  	_ =	shalt  }
0x87: {  	_ =	shalt  }
.Lfunc_end0:
.L_simem_size_0:
called_computation.1_lowered:
.L_overlay_start_0:
0x88: {  	s2 =	sld [smem:$0x3FD9]  }
0x89: {  	s3 =	sld [smem:$0x3FFE];
	_ =	sdelay $0x1  }
0x8a: {  	s1 =	srdreg.scid  }
0x8b: {  	s0 =	sand.u32 $0x1, s1  }
0x8c: {  	s14 =	sshll.u32 s0, $0xA;
	s2 =	sadd.s32 s3, s2  }
0x8d: {  	s2 =	sadd.s32 s2, s14  }
0x8e: {  	[smem:$0x3FBE] =	sst s2  }
0x8f: {  	_ = 	snop  }
0x90: {  	s2 =	sld [smem:$0x3FD0];
	_ =	sdelay $0x2  }
0x91: {  	s15 =	simm.s32 $0xA;
	s4 =	simm.s32 $0x10  }
0x92: {  	[smem:s4], [sflag:s15] =	dma.local [hbm:s2], $0x1  }
0x93: {  	_ =	swait.eq [sflag:s15], $0x1  }
0x94: {  	[sflag:s15] =	ssyncset.done $0x0  }
0x95: {  	[sflag:s15] =	ssyncadd.s32 $0xFFFFFFFF  }
0x96: {  	s16 =	sld [smem:$0x11];
	(tm) =	ssettm $0x1  }
0x97: {  	s17 =	sld [smem:$0x3FFB];
	_ =	sdelay $0x3  }
0x98: {  	_ =	strace s17  }
0x99: {  	s3 =	sld [smem:$0x3FFC];
	_ =	sdelay $0x3  }
0x9a: {  	_ =	strace s3  }
0x9b: {  	s3 =	sld [smem:$0x3FFD];
	_ =	sdelay $0x3  }
0x9c: {  	_ =	strace s3  }
0x9d: {  	_ =	strace $0x8FFFFFFF  }
0x9e: {  	s18 =	sld [smem:$0x3FDB];
	_ =	sdelay $0x1  }
0x9f: {  	s19 =	simm.s32 $_scs_section_size  }
0xa0: {  	s5 =	simm.s32 $_size__tile_overlayer_lowered;
	s6 =	simm.s32 $_tile_overlayer_lowered  }
0xa1: {  	s22 =	simm.s32 $0x1BFF;
	s21 =	sshll.u32 s6, $0x1;
	s3 =	sadd.s32 s19, s18  }
0xa2: {  	s7 =	simm.s32 $0x0;
	s20 =	sshll.u32 s5, $0x1;
	s5 =	sadd.s32 s21, s3  }
0xa3: {  	[timem:s7], [sflag:s22] =	dma.local [hbm:s5], s20  }
0xa4: {  	_ =	swait.ge [sflag:s22], s20  }
0xa5: {  	s4 =	ssub.s32 $0x0, s20;
	[sflag:s22] =	ssyncset.done $0x0  }
0xa6: {  	[sflag:s22] =	ssyncadd.s32 s4;
	_ =	sdelay $0x1  }
0xa7: {  	s23 =	simm.s32 $0x1B8B  }
0xa8: {  	_ =	swait.ge [sflag:s23], $0x1  }
0xa9: {  	[sflag:s23] =	ssyncset.done $0x0  }
0xaa: {  	s25 =	simm.s32 $0x1B8E;
	s24 =	sld [smem:$0x3FFE];
	[sflag:s23] =	ssyncadd.s32 $0xFFFFFFFF  }
0xab: {  	s26 =	simm.s32 $execute0_lowered;
	[smem:$0x3FD2] =	sst s25  }
0xac: {  	s5 =	sshll.u32 s26, $0x1;
	_ =	strace $0x80000049;
	[dreg:$0x1] =	wrdreg $0xFFFFFFFF  }
0xad: {  	s28 =	simm.s32 $_size_execute0_lowered;
	s3 =	sadd.s32 s3, s5;
	[dreg:$0x0] =	wrdreg $0x0  }
0xae: {  	s5 =	sshll.u32 s28, $0x1;
	[dreg:$0x2] =	wrdreg s3  }
0xaf: {  	[dreg:$0x3] =	wrdreg s5  }
0xb0: {  	[dreg:$0x4] =	wrdreg $0xC0  }
0xb1: {  	_ =	task [dreg:s7], $0x5FFFF  }
0xb2: {  	[dreg:$0x1] =	wrdreg $0xFFFFFFFF  }
0xb3: {  	[dreg:$0x0] =	wrdreg $0x60  }
0xb4: {  	[dreg:$0x2] =	wrdreg s24  }
0xb5: {  	[dreg:$0x3] =	wrdreg s16  }
0xb6: {  	[dreg:$0x4] =	wrdreg $0x7B000  }
0xb7: {  	[dreg:$0x5] =	wrdreg $0x9  }
0xb8: {  	_ =	task.clear_ibuf [dreg:s7], $0x6FFFF;
	_ =	strace $0x90000049  }
0xb9: {  	s29 =	simm.s32 $0x9;
	_ =	strace $0x8000004B  }
0xba: {  	_ =	swait.ge [sflag:s29], $0x1  }
0xbb: {  	[sflag:s29] =	ssyncadd.s32 $0xFFFFFFFF  }
0xbc: {  	_ =	strace $0x9000004B  }
0xbd: {  	_ =	sfence  }
0xbe: {  	s30 =	sld [smem:$0x0];
	_ =	sdelay $0x2  }
0xbf: {  	s31 =	sshll.u32 s1, $0xD;
	s1 =	sshrl.u32 s1, $0x2  }
0xc0: {  	s3 =	sand.u32 $0x4000, s31;
	s1 =	sadd.s32 s1, s30  }
0xc1: {  	s0 =	sor.u32 s3, s0;
	s1 =	sshll.u32 s1, $0x11  }
0xc2: {  	s0 =	sor.u32 s1, s0  }
0xc3: {  	s0 =	sadd.s32 $0x8F2B, s0  }
0xc4: {  	[sflag:s0] =	ssyncadd.remote.s32 $0x1  }
0xc5: {  	_ =	sfence.sel $0xFFFF  }
0xc6: {  	[dreg:$0x0] =	wrdreg $0xFFFFFFFF;
	(pc) =	sbr.abs _section_cstart, $3  }
0xc7: {  	[dreg:$0x1] =	wrdreg $0xFFFFFFFF  }
0xc8: {  	_ =	task.clear_ibuf [dreg:s7], $0x2FFFF;
	_ =	strace $0x9FFFFFFF  }
0xc9: {  	(tm) =	ssettm $0x7FFFFFFF  }
tec
execute0_lowered:
.L_overlay_start_1:
0x0: {  	(tag) =	ssettag $0x1  }
0x1: {  	s0 =	srdreg.scid;
	s18 =	stileid.u32;
	s1 =	simm.s32 $0x0  }
0x2: {  	s30 =	simm.s32 $0x8;
	s4 =	sand.u32 $0x1, s0;
	s0 =	rddreg [dreg:$0x0]  }
0x3: {  	s31 =	simm.s32 $0x2800;
	[smem:$0x7FF] =	sst s1;
	s7 =	smul.u32 $0x14000, s18  }
0x4: {  	s24 =	smul.u32 $0x2710, s18;
	s2 =	sshll.u32 s4, $0x4;
	s3 =	sadd.s32 $0x2200, s0  }
0x5: {  	s5 =	sadd.s32 $0x3CE00, s0;
	s6 =	ssub.s32 $0x2, s4;
	s10 =	smul.u32 $0x140000, s4  }
0x6: {  	s4 =	smul.u32 $0x27100, s4;
	s2 =	sor.u32 s18, s2;
	s8 =	sshrl.u32 s6, $0x1  }
0x7: {  	s15 =	sadd.s32 $0xA000, s7;
	s16 =	sadd.s32 $0xC800, s7;
	s21 =	sadd.s32 $0xF000, s7  }
0x8: {  	s2 =	smul.u32 $0x2710, s2;
	s11 =	sadd.s32 s7, s10;
	s20 =	sadd.s32 s10, s15  }
0x9: {  	s23 =	sadd.s32 s10, s16;
	s26 =	sadd.s32 s10, s21;
	s4 =	sadd.s32 s24, s4  }
0xa: {  	s11 =	sshrl.u32 s11, $0x3;
	s29 =	sadd.s32 $0x4E390, s4;
	s24 =	sadd.s32 $0x140, s4  }
0xb: {  	s9 =	sshrl.u32 s2, $0x3;
	s2 =	ssub.s32 s6, s8;
	s6 =	sor.u32 $0x2800, s7  }
0xc: {  	s8 =	sadd.s32 $0x5000, s7;
	s11 =	sadd.s32 s5, s11;
	s22 =	sadd.s32 s3, s9  }
0xd: {  	s9 =	sadd.s32 $0x7800, s7;
	s7 =	sadd.s32 $0x11800, s7;
	[dreg:$0x5] =	wrdreg s11  }
0xe: {  	s14 =	sadd.s32 s10, s6;
	s12 =	sadd.s32 s10, s8;
	s13 =	sadd.s32 s10, s9  }
0xf: {  	s11 =	sshrl.u32 s14, $0x3;
	s12 =	sshrl.u32 s12, $0x3;
	s10 =	sadd.s32 s10, s7  }
0x10: {  	s13 =	sshrl.u32 s13, $0x3;
	s11 =	sadd.s32 s5, s11;
	s17 =	sadd.s32 s5, s12  }
0x11: {  	s12 =	sshrl.u32 s23, $0x3;
	s10 =	sshrl.u32 s10, $0x3;
	[dreg:$0x6] =	wrdreg s11  }
0x12: {  	[dreg:$0x7] =	wrdreg s17;
	s19 =	sadd.s32 s5, s13;
	s11 =	sshrl.u32 s20, $0x3  }
0x13: {  	s25 =	sadd.s32 s5, s12;
	s12 =	sshrl.u32 s29, $0x3;
	s13 =	sadd.s32 $0x190, s4  }
0x14: {  	s17 =	sadd.s32 $0x4E2F0, s4;
	s20 =	sadd.s32 $0x1E0, s4;
	[dreg:$0x8] =	wrdreg s19  }
0x15: {  	s4 =	sadd.s32 $0x4E340, s4;
	s11 =	sadd.s32 s5, s11;
	[dreg:$0xa] =	wrdreg s25  }
0x16: {  	s14 =	sshrl.u32 s13, $0x3;
	s19 =	sshrl.u32 s17, $0x3;
	s17 =	rddreg [dreg:$0x2]  }
0x17: {  	s23 =	sshrl.u32 s20, $0x3;
	[dreg:$0x9] =	wrdreg s11;
	s11 =	sshrl.u32 s26, $0x3  }
0x18: {  	s4 =	sshrl.u32 s4, $0x3;
	s13 =	sadd.s32 s19, s3;
	s11 =	sadd.s32 s5, s11  }
0x19: {  	s26 =	smul.u32 $0x50000, s18;
	s5 =	sadd.s32 s5, s10;
	[dreg:$0xb] =	wrdreg s11  }
0x1a: {  	s19 =	sadd.s32 s4, s3;
	s4 =	sadd.s32 s6, s17;
	[dreg:$0xc] =	wrdreg s5  }
0x1b: {  	s5 =	sadd.s32 s15, s17;
	_ =	strace $0x8000004A;
	[dreg:$0xe] =	wrdreg s4  }
0x1c: {  	s28 =	sadd.s32 s8, s17;
	s6 =	sadd.s32 s16, s17;
	[dreg:$0x11] =	wrdreg s5  }
0x1d: {  	s8 =	sadd.s32 s21, s17;
	s29 =	sshrl.u32 s26, $0x2;
	[dreg:$0x12] =	wrdreg s6  }
0x1e: {  	s26 =	sadd.s32 s9, s17;
	s9 =	sadd.s32 s7, s17;
	[dreg:$0x13] =	wrdreg s8  }
0x1f: {  	s25 =	sshrl.u32 s24, $0x3;
	s10 =	smax.u32 s2, $0x1;
	[dreg:$0x14] =	wrdreg s9  }
0x20: {  	s20 =	sadd.s32 $0x15C00, s0;
	s15 =	sadd.s32 $0xA, s22;
	[dreg:$0x15] =	wrdreg s10  }
0x21: {  	s16 =	sadd.s32 $0x14, s22;
	s21 =	sadd.s32 $0x9C40, s22;
	[dreg:$0x16] =	wrdreg s15  }
0x22: {  	s11 =	sadd.s32 s12, s3;
	s12 =	sadd.s32 s14, s3;
	[dreg:$0x17] =	wrdreg s16  }
0x23: {  	s14 =	sadd.s32 s23, s3;
	s23 =	sadd.s32 $0x9C4A, s22;
	[dreg:$0x18] =	wrdreg s21  }
0x24: {  	s24 =	sadd.s32 $0x1E, s22;
	s18 =	sadd.s32 s25, s3;
	[dreg:$0x19] =	wrdreg s23  }
0x25: {  	s25 =	sadd.s32 $0x9C54, s22;
	s2 =	simm.s32 $0x7A00;
	[dreg:$0x1a] =	wrdreg s24  }
0x26: {  	s7 =	simm.s32 $0x7900;
	s3 =	sadd.s32 s29, s17;
	[dreg:$0x4] =	wrdreg s22  }
0x27: {  	[dreg:$0x1b] =	wrdreg s25;
	s5 =	simm.s32 $0x7800;
	s6 =	simm.s32 $0x7880  }
0x28: {  	s8 =	simm.s32 $0x7980;
	s9 =	simm.s32 $0x7;
	s10 =	simm.s32 $0x50  }
.Ltmp0:
0x29: {  	s15 =	simm.s32 $0x5000;
	s16 =	simm.s32 $0x1;
	(pc) =	sbr.rel .LBB2_1-.Ltmp0, $4  }
0x2a: {  	s4 =	simm.s32 $0x9;
	s21 =	simm.s32 $0x2;
	[dreg:$0xf] =	wrdreg s28  }
0x2b: {  	s22 =	simm.s32 $0x4;
	s23 =	simm.s32 $0x3;
	[dreg:$0x10] =	wrdreg s26  }
0x2c: {  	s24 =	simm.s32 $0x5;
	s29 =	simm.s32 $0x0;
	[dreg:$0xd] =	wrdreg s3  }
0x2d: {  	s25 =	simm.s32 $0x6;
	s3 =	simm.s32 $0x7A80;
	[dreg:$0x1c] =	wrdreg s29  }
.LBB2_4:
0x2e: {  	_ =	swait.ge [sflag:s21], $0x50  }
0x2f: {  	[sflag:s21] =	ssyncset.done $0x0  }
0x30: {  	[sflag:s21] =	ssyncadd.s32 $0xFFFFFFB0  }
0x31: {  	_ =	swait.ge [sflag:s21], $0x2800  }
0x32: {  	[sflag:s21] =	ssyncset.done $0x0  }
0x33: {  	[sflag:s21] =	ssyncadd.s32 $0xFFFFD800  }
0x34: {  	[spmem:s17] =	stream.indirect.scatter.add.f32 [tilespmem:s31], [sflag:$0x5], $0x80, s2, s10, $0xb8;
	[tilespmem:$0x1BB00] =	vst v63  }
0x35: {  	_ =	swait.ge [sflag:s22], $0x2800  }
0x36: {  	[sflag:s22] =	ssyncset.done $0x0  }
0x37: {  	[sflag:s22] =	ssyncadd.s32 $0xFFFFD800  }
0x38: {  	_ =	swait.ge [sflag:s24], $0x2800  }
0x39: {  	[sflag:s24] =	ssyncset.done $0x0  }
0x3a: {  	[sflag:s24] =	ssyncadd.s32 $0xFFFFD800  }
0x3b: {  	[bflag:$0x0] =	sbarrier.arrive $0xFFFF  }
0x3c: {  	s0 =	rddreg [dreg:$0xd]  }
0x3d: {  	[tilespmem:s1], [sflag:$0x1] =	stream.linear.gather [spmem:s0], $0x2800, $0x38;
	[tilespmem:$0x1BB00] =	vst v63  }
0x3e: {  	s26 =	rddreg [dreg:$0xe]  }
0x3f: {  	[tilespmem:s31], [sflag:$0x2] =	stream.linear.gather [spmem:s26], $0x2800, $0x38;
	[tilespmem:$0x1BB00] =	vst v63  }
0x40: {  	_ =	swait.ge [sflag:s16], $0x2800  }
0x41: {  	[sflag:s16] =	ssyncset.done $0x0  }
0x42: {  	s29 =	rddreg [dreg:$0x5];
	[sflag:s16] =	ssyncadd.s32 $0xFFFFD800  }
0x43: {  	[hbm4b:s29+s1] =	stream.linear.scatter [tilespmem:s1], [sflag:$0x4], $0x2800, $0x38;
	[tilespmem:$0x1BB00] =	vst v63  }
0x44: {  	_ =	swait.ge [sflag:s22], $0x2800  }
0x45: {  	[sflag:s22] =	ssyncset.done $0x0  }
0x46: {  	s28 =	rddreg [dreg:$0xf];
	[sflag:s22] =	ssyncadd.s32 $0xFFFFD800  }
0x47: {  	[tilespmem:s1], [sflag:$0x1] =	stream.linear.gather [spmem:s28], $0x2800, $0x38;
	[tilespmem:$0x1BB00] =	vst v63  }
0x48: {  	_ =	swait.ge [sflag:s21], $0x2800  }
0x49: {  	[sflag:s21] =	ssyncset.done $0x0  }
0x4a: {  	s26 =	rddreg [dreg:$0x6];
	[sflag:s21] =	ssyncadd.s32 $0xFFFFD800  }
0x4b: {  	[hbm4b:s26+s1] =	stream.linear.scatter [tilespmem:s31], [sflag:$0x5], $0x2800, $0x38;
	[tilespmem:$0x1BB00] =	vst v63  }
0x4c: {  	_ =	swait.ge [sflag:s24], $0x2800  }
0x4d: {  	[sflag:s24] =	ssyncset.done $0x0  }
0x4e: {  	s26 =	rddreg [dreg:$0x10];
	[sflag:s24] =	ssyncadd.s32 $0xFFFFD800  }
0x4f: {  	[tilespmem:s31], [sflag:$0x2] =	stream.linear.gather [spmem:s26], $0x2800, $0x38;
	[tilespmem:$0x1BB00] =	vst v63  }
0x50: {  	_ =	swait.ge [sflag:s16], $0x2800  }
0x51: {  	[sflag:s16] =	ssyncset.done $0x0  }
0x52: {  	s29 =	rddreg [dreg:$0x7];
	[sflag:s16] =	ssyncadd.s32 $0xFFFFD800  }
0x53: {  	[hbm4b:s29+s1] =	stream.linear.scatter [tilespmem:s1], [sflag:$0x4], $0x2800, $0x38;
	[tilespmem:$0x1BB00] =	vst v63  }
0x54: {  	_ =	swait.ge [sflag:s22], $0x2800  }
0x55: {  	[sflag:s22] =	ssyncset.done $0x0  }
0x56: {  	s29 =	rddreg [dreg:$0x11];
	[sflag:s22] =	ssyncadd.s32 $0xFFFFD800  }
0x57: {  	[tilespmem:s1], [sflag:$0x1] =	stream.linear.gather [spmem:s29], $0x2800, $0x38;
	[tilespmem:$0x1BB00] =	vst v63  }
0x58: {  	_ =	swait.ge [sflag:s21], $0x2800  }
0x59: {  	[sflag:s21] =	ssyncset.done $0x0  }
0x5a: {  	s29 =	rddreg [dreg:$0x8];
	[sflag:s21] =	ssyncadd.s32 $0xFFFFD800  }
0x5b: {  	[hbm4b:s29+s1] =	stream.linear.scatter [tilespmem:s31], [sflag:$0x5], $0x2800, $0x38;
	[tilespmem:$0x1BB00] =	vst v63  }
0x5c: {  	_ =	swait.ge [sflag:s24], $0x2800  }
0x5d: {  	[sflag:s24] =	ssyncset.done $0x0  }
0x5e: {  	s29 =	rddreg [dreg:$0x12];
	[sflag:s24] =	ssyncadd.s32 $0xFFFFD800  }
0x5f: {  	[tilespmem:s31], [sflag:$0x2] =	stream.linear.gather [spmem:s29], $0x2800, $0x38;
	[tilespmem:$0x1BB00] =	vst v63  }
0x60: {  	_ =	swait.ge [sflag:s16], $0x2800  }
0x61: {  	[sflag:s16] =	ssyncset.done $0x0  }
0x62: {  	s29 =	rddreg [dreg:$0x9];
	[sflag:s16] =	ssyncadd.s32 $0xFFFFD800  }
0x63: {  	[hbm4b:s29+s1] =	stream.linear.scatter [tilespmem:s1], [sflag:$0x4], $0x2800, $0x38;
	[tilespmem:$0x1BB00] =	vst v63  }
0x64: {  	_ =	swait.ge [sflag:s22], $0x2800  }
0x65: {  	[sflag:s22] =	ssyncset.done $0x0  }
0x66: {  	s29 =	rddreg [dreg:$0x13];
	[sflag:s22] =	ssyncadd.s32 $0xFFFFD800  }
0x67: {  	[tilespmem:s1], [sflag:$0x1] =	stream.linear.gather [spmem:s29], $0x2800, $0x38;
	[tilespmem:$0x1BB00] =	vst v63  }
0x68: {  	_ =	swait.ge [sflag:s21], $0x2800  }
0x69: {  	[sflag:s21] =	ssyncset.done $0x0  }
0x6a: {  	s29 =	rddreg [dreg:$0xa];
	[sflag:s21] =	ssyncadd.s32 $0xFFFFD800  }
0x6b: {  	[hbm4b:s29+s1] =	stream.linear.scatter [tilespmem:s31], [sflag:$0x5], $0x2800, $0x38;
	[tilespmem:$0x1BB00] =	vst v63  }
0x6c: {  	_ =	swait.ge [sflag:s24], $0x2800  }
0x6d: {  	[sflag:s24] =	ssyncset.done $0x0  }
0x6e: {  	s29 =	rddreg [dreg:$0x14];
	[sflag:s24] =	ssyncadd.s32 $0xFFFFD800  }
0x6f: {  	[tilespmem:s31], [sflag:$0x2] =	stream.linear.gather [spmem:s29], $0x2800, $0x38;
	[tilespmem:$0x1BB00] =	vst v63  }
0x70: {  	_ =	swait.ge [sflag:s16], $0x2800  }
0x71: {  	[sflag:s16] =	ssyncset.done $0x0  }
0x72: {  	s29 =	rddreg [dreg:$0xb];
	[sflag:s16] =	ssyncadd.s32 $0xFFFFD800  }
0x73: {  	[hbm4b:s29+s1] =	stream.linear.scatter [tilespmem:s1], [sflag:$0x4], $0x2800, $0x38;
	[tilespmem:$0x1BB00] =	vst v63  }
0x74: {  	_ =	swait.ge [sflag:s21], $0x2800  }
0x75: {  	[sflag:s21] =	ssyncset.done $0x0  }
0x76: {  	s29 =	rddreg [dreg:$0xc];
	[sflag:s21] =	ssyncadd.s32 $0xFFFFD800  }
0x77: {  	[hbm4b:s29+s1] =	stream.linear.scatter [tilespmem:s31], [sflag:$0x5], $0x2800, $0x38;
	[tilespmem:$0x1BB00] =	vst v63  }
0x78: {  	_ =	swait.ge [sflag:s22], $0x2800  }
0x79: {  	[sflag:s22] =	ssyncset.done $0x0  }
0x7a: {  	[sflag:s22] =	ssyncadd.s32 $0xFFFFD800  }
0x7b: {  	_ =	swait.ge [sflag:s24], $0x2800  }
0x7c: {  	s29 =	rddreg [dreg:$0x1c]  }
0x7d: {  	s0 =	rddreg [dreg:$0x15];
	s29 =	sadd.s32 $0x1, s29  }
0x7e: {  	p0 =	sne.s32 s29, s0  }
.Ltmp1:
0x7f: {  	_ = 	snop;
	(pc) =	sbr.rel @!p0 .LBB2_5-.Ltmp1, $3  }
0x80: {  	_ =	sdelay $0x1  }
0x81: {  	[sflag:s24] =	ssyncset.done $0x0  }
0x82: {  	[sflag:s24] =	ssyncadd.s32 $0xFFFFD800;
	[dreg:$0x1c] =	wrdreg s29  }
.LBB2_1:
0x83: {  	s0 =	rddreg [dreg:$0x4]  }
0x84: {  	[tilespmem:s5], [sflag:$0x7] =	stream.linear.gather [hbm4b:s0+s1], $0x50, $0x38;
	[tilespmem:$0x1BB00] =	vst v63  }
0x85: {  	s29 =	rddreg [dreg:$0x16]  }
0x86: {  	[tilespmem:s6], [sflag:$0x8] =	stream.linear.gather [hbm4b:s29+s1], $0x50, $0x38;
	[tilespmem:$0x1BB00] =	vst v63  }
0x87: {  	s29 =	rddreg [dreg:$0x17]  }
0x88: {  	[tilespmem:s7], [sflag:$0x9] =	stream.linear.gather [hbm4b:s29+s1], $0x50, $0x38;
	[tilespmem:$0x1BB00] =	vst v63  }
0x89: {  	s29 =	rddreg [dreg:$0x18]  }
0x8a: {  	[tilespmem:s8], [sflag:$0x1] =	stream.linear.gather [hbm4b:s29+s1], $0x50, $0x38;
	[tilespmem:$0x1BB00] =	vst v63  }
0x8b: {  	_ =	swait.ge [sflag:s9], $0x50  }
0x8c: {  	[sflag:s9] =	ssyncset.done $0x0  }
0x8d: {  	[sflag:s9] =	ssyncadd.s32 $0xFFFFFFB0  }
0x8e: {  	[tilespmem:s1], [sflag:$0x1] =	stream.indirect.gather [hbm4b:s20+s10], $0x80, s5, s10, $0xb8;
	[tilespmem:$0x1BB00] =	vst v63  }
0x8f: {  	s29 =	rddreg [dreg:$0x19]  }
0x90: {  	[tilespmem:s2], [sflag:$0x2] =	stream.linear.gather [hbm4b:s29+s1], $0x50, $0x38;
	[tilespmem:$0x1BB00] =	vst v63  }
0x91: {  	_ =	swait.ge [sflag:s30], $0x50  }
0x92: {  	[sflag:s30] =	ssyncset.done $0x0  }
0x93: {  	[sflag:s30] =	ssyncadd.s32 $0xFFFFFFB0  }
0x94: {  	[tilespmem:s31], [sflag:$0x2] =	stream.indirect.gather [hbm4b:s20+s10], $0x80, s6, s10, $0xb8;
	[tilespmem:$0x1BB00] =	vst v63  }
0x95: {  	s0 =	simm.s32 $0xA;
	s29 =	rddreg [dreg:$0x1]  }
0x96: {  	[tilespmem:s15], [sflag:$0xA] =	stream.linear.gather [hbm4b:s29+s1], $0x2800, $0x38;
	[tilespmem:$0x1BB00] =	vst v63  }
0x97: {  	_ =	swait.ge [sflag:s0], $0x2800  }
0x98: {  	s29 =	smov.u32 s26;
	[sflag:s0] =	ssyncset.done $0x0  }
0x99: {  	s26 =	smov.u32 s28;
	s28 =	rddreg [dreg:$0xd];
	[sflag:s0] =	ssyncadd.s32 $0xFFFFD800  }
0x9a: {  	[spmem:s28] =	stream.linear.scatter [tilespmem:s15], [sflag:$0xA], $0x2800, $0x38;
	[tilespmem:$0x1BB00] =	vst v63  }
0x9b: {  	_ =	swait.ge [sflag:s0], $0x2800  }
0x9c: {  	[sflag:s0] =	ssyncset.done $0x0  }
0x9d: {  	s28 =	rddreg [dreg:$0xe];
	[sflag:s0] =	ssyncadd.s32 $0xFFFFD800  }
0x9e: {  	[spmem:s28] =	stream.linear.scatter [tilespmem:s15], [sflag:$0xA], $0x2800, $0x38;
	[tilespmem:$0x1BB00] =	vst v63  }
0x9f: {  	_ =	swait.ge [sflag:s0], $0x2800  }
0xa0: {  	[sflag:s0] =	ssyncset.done $0x0  }
0xa1: {  	[sflag:s0] =	ssyncadd.s32 $0xFFFFD800  }
0xa2: {  	[spmem:s26] =	stream.linear.scatter [tilespmem:s15], [sflag:$0xA], $0x2800, $0x38;
	[tilespmem:$0x1BB00] =	vst v63  }
0xa3: {  	_ =	swait.ge [sflag:s0], $0x2800  }
0xa4: {  	[sflag:s0] =	ssyncset.done $0x0  }
0xa5: {  	[sflag:s0] =	ssyncadd.s32 $0xFFFFD800  }
0xa6: {  	[spmem:s29] =	stream.linear.scatter [tilespmem:s15], [sflag:$0xA], $0x2800, $0x38;
	[tilespmem:$0x1BB00] =	vst v63  }
0xa7: {  	_ =	swait.ge [sflag:s0], $0x2800  }
0xa8: {  	[sflag:s0] =	ssyncset.done $0x0  }
0xa9: {  	s29 =	rddreg [dreg:$0x11];
	[sflag:s0] =	ssyncadd.s32 $0xFFFFD800  }
0xaa: {  	[spmem:s29] =	stream.linear.scatter [tilespmem:s15], [sflag:$0xA], $0x2800, $0x38;
	[tilespmem:$0x1BB00] =	vst v63  }
0xab: {  	_ =	swait.ge [sflag:s0], $0x2800  }
0xac: {  	[sflag:s0] =	ssyncset.done $0x0  }
0xad: {  	s29 =	rddreg [dreg:$0x12];
	[sflag:s0] =	ssyncadd.s32 $0xFFFFD800  }
0xae: {  	[spmem:s29] =	stream.linear.scatter [tilespmem:s15], [sflag:$0xA], $0x2800, $0x38;
	[tilespmem:$0x1BB00] =	vst v63  }
0xaf: {  	_ =	swait.ge [sflag:s0], $0x2800  }
0xb0: {  	[sflag:s0] =	ssyncset.done $0x0  }
0xb1: {  	s29 =	rddreg [dreg:$0x13];
	[sflag:s0] =	ssyncadd.s32 $0xFFFFD800  }
0xb2: {  	[spmem:s29] =	stream.linear.scatter [tilespmem:s15], [sflag:$0xA], $0x2800, $0x38;
	[tilespmem:$0x1BB00] =	vst v63  }
0xb3: {  	_ =	swait.ge [sflag:s0], $0x2800  }
0xb4: {  	[sflag:s0] =	ssyncset.done $0x0  }
0xb5: {  	s29 =	rddreg [dreg:$0x14];
	[sflag:s0] =	ssyncadd.s32 $0xFFFFD800  }
0xb6: {  	[spmem:s29] =	stream.linear.scatter [tilespmem:s15], [sflag:$0xA], $0x2800, $0x38;
	[tilespmem:$0x1BB00] =	vst v63  }
0xb7: {  	_ =	swait.ge [sflag:s0], $0x2800  }
0xb8: {  	[sflag:s0] =	ssyncset.done $0x0  }
0xb9: {  	[sflag:s0] =	ssyncadd.s32 $0xFFFFD800  }
0xba: {  	[bflag:$0x0] =	sbarrier.arrive $0xFFFF  }
0xbb: {  	_ =	swait.ge [sflag:s16], $0x50  }
0xbc: {  	[sflag:s16] =	ssyncset.done $0x0  }
0xbd: {  	[sflag:s16] =	ssyncadd.s32 $0xFFFFFFB0  }
0xbe: {  	_ =	swait.ge [sflag:s16], $0x2800  }
0xbf: {  	[sflag:s16] =	ssyncset.done $0x0  }
0xc0: {  	[sflag:s16] =	ssyncadd.s32 $0xFFFFD800  }
0xc1: {  	[spmem:s17] =	stream.indirect.scatter.add.f32 [tilespmem:s1], [sflag:$0x4], $0x80, s8, s10, $0xb8;
	[tilespmem:$0x1BB00] =	vst v63  }
0xc2: {  	s26 =	rddreg [dreg:$0x1a]  }
0xc3: {  	[tilespmem:s5], [sflag:$0x7] =	stream.linear.gather [hbm4b:s26+s1], $0x50, $0x38;
	[tilespmem:$0x1BB00] =	vst v63  }
0xc4: {  	s29 =	rddreg [dreg:$0x1b]  }
0xc5: {  	[tilespmem:s3], [sflag:$0x3] =	stream.linear.gather [hbm4b:s29+s1], $0x50, $0x38;
	[tilespmem:$0x1BB00] =	vst v63  }
0xc6: {  	_ =	swait.ge [sflag:s4], $0x50  }
0xc7: {  	[sflag:s4] =	ssyncset.done $0x0  }
0xc8: {  	s28 =	simm.s32 $0x0;
	[sflag:s4] =	ssyncadd.s32 $0xFFFFFFB0  }
0xc9: {  	[tilespmem:s15], [sflag:$0x3] =	stream.indirect.gather [hbm4b:s20+s10], $0x80, s7, s10, $0xb8;
	[tilespmem:$0x1BB00] =	vst v63  }
.LBB2_2:
0xca: {  	_ =	swait.ge [sflag:s21], $0x50  }
0xcb: {  	[sflag:s21] =	ssyncset.done $0x0  }
0xcc: {  	[sflag:s21] =	ssyncadd.s32 $0xFFFFFFB0  }
0xcd: {  	_ =	swait.ge [sflag:s21], $0x2800  }
0xce: {  	[sflag:s21] =	ssyncset.done $0x0  }
0xcf: {  	[sflag:s21] =	ssyncadd.s32 $0xFFFFD800  }
0xd0: {  	[spmem:s17] =	stream.indirect.scatter.add.f32 [tilespmem:s31], [sflag:$0x5], $0x80, s2, s10, $0xb8;
	[tilespmem:$0x1BB00] =	vst v63  }
0xd1: {  	_ =	swait.ge [sflag:s22], $0x2800  }
0xd2: {  	[sflag:s22] =	ssyncset.done $0x0  }
0xd3: {  	s29 =	sadd.s32 s28, s18;
	[sflag:s22] =	ssyncadd.s32 $0xFFFFD800  }
0xd4: {  	[tilespmem:s6], [sflag:$0x8] =	stream.linear.gather [hbm4b:s29+s1], $0x50, $0x38;
	[tilespmem:$0x1BB00] =	vst v63  }
0xd5: {  	s26 =	sadd.s32 s28, s13  }
0xd6: {  	[tilespmem:s8], [sflag:$0x1] =	stream.linear.gather [hbm4b:s26+s1], $0x50, $0x38;
	[tilespmem:$0x1BB00] =	vst v63  }
0xd7: {  	_ =	swait.ge [sflag:s9], $0x50  }
0xd8: {  	[sflag:s9] =	ssyncset.done $0x0  }
0xd9: {  	[sflag:s9] =	ssyncadd.s32 $0xFFFFFFB0  }
0xda: {  	[tilespmem:s1], [sflag:$0x1] =	stream.indirect.gather [hbm4b:s20+s10], $0x80, s5, s10, $0xb8;
	[tilespmem:$0x1BB00] =	vst v63  }
0xdb: {  	_ =	swait.ge [sflag:s23], $0x50  }
0xdc: {  	[sflag:s23] =	ssyncset.done $0x0  }
0xdd: {  	[sflag:s23] =	ssyncadd.s32 $0xFFFFFFB0  }
0xde: {  	_ =	swait.ge [sflag:s23], $0x2800  }
0xdf: {  	[sflag:s23] =	ssyncset.done $0x0  }
0xe0: {  	[sflag:s23] =	ssyncadd.s32 $0xFFFFD800  }
0xe1: {  	[spmem:s17] =	stream.indirect.scatter.add.f32 [tilespmem:s15], [sflag:$0x6], $0x80, s3, s10, $0xb8;
	[tilespmem:$0x1BB00] =	vst v63  }
0xe2: {  	p0 =	seq.s32 s28, $0x4B0;
	_ =	swait.ge [sflag:s24], $0x2800  }
0xe3: {  	s0 =	simm.s32 @!p0 $0x7900;
	[sflag:s24] =	ssyncset.done $0x0  }
0xe4: {  	s29 =	sadd.s32 @!p0 s28, s12;
	s26 =	simm.s32 @!p0 $0x0;
	[sflag:s24] =	ssyncadd.s32 $0xFFFFD800  }
0xe5: {  	[tilespmem:s0], [sflag:$0x9] =	stream.linear.gather @!p0 [hbm4b:s29+s26], $0x50, $0x38;
	[tilespmem:$0x1BB00] =	vst v63  }
0xe6: {  	s29 =	sadd.s32 s28, s19  }
0xe7: {  	[tilespmem:s2], [sflag:$0x2] =	stream.linear.gather [hbm4b:s29+s1], $0x50, $0x38;
	[tilespmem:$0x1BB00] =	vst v63  }
0xe8: {  	_ =	swait.ge [sflag:s30], $0x50  }
0xe9: {  	[sflag:s30] =	ssyncset.done $0x0  }
0xea: {  	[sflag:s30] =	ssyncadd.s32 $0xFFFFFFB0  }
0xeb: {  	[tilespmem:s31], [sflag:$0x2] =	stream.indirect.gather [hbm4b:s20+s10], $0x80, s6, s10, $0xb8;
	[tilespmem:$0x1BB00] =	vst v63  }
0xec: {  	_ =	swait.ge [sflag:s16], $0x50  }
0xed: {  	[sflag:s16] =	ssyncset.done $0x0  }
0xee: {  	[sflag:s16] =	ssyncadd.s32 $0xFFFFFFB0  }
0xef: {  	_ =	swait.ge [sflag:s16], $0x2800  }
0xf0: {  	[sflag:s16] =	ssyncset.done $0x0  }
.Ltmp2:
0xf1: {  	[sflag:s16] =	ssyncadd.s32 $0xFFFFD800;
	(pc) =	sbr.rel @p0 .LBB2_4-.Ltmp2, $4  }
0xf2: {  	[spmem:s17] =	stream.indirect.scatter.add.f32 [tilespmem:s1], [sflag:$0x4], $0x80, s8, s10, $0xb8;
	[tilespmem:$0x1BB00] =	vst v63  }
0xf3: {  	_ =	swait.ge [sflag:s25], $0x2800  }
0xf4: {  	[sflag:s25] =	ssyncset.done $0x0  }
0xf5: {  	[sflag:s25] =	ssyncadd.s32 $0xFFFFD800  }
0xf6: {  	s0 =	sadd.s32 s28, s14  }
0xf7: {  	[tilespmem:s5], [sflag:$0x7] =	stream.linear.gather [hbm4b:s0+s1], $0x50, $0x38;
	[tilespmem:$0x1BB00] =	vst v63  }
0xf8: {  	s29 =	sadd.s32 s28, s11  }
0xf9: {  	[tilespmem:s3], [sflag:$0x3] =	stream.linear.gather [hbm4b:s29+s1], $0x50, $0x38;
	[tilespmem:$0x1BB00] =	vst v63  }
.Ltmp3:
0xfa: {  	_ = 	snop;
	(pc) =	sbr.rel .LBB2_2-.Ltmp3, $4  }
0xfb: {  	_ =	swait.ge [sflag:s4], $0x50  }
0xfc: {  	[sflag:s4] =	ssyncset.done $0x0  }
0xfd: {  	s28 =	sadd.s32 $0x1E, s28;
	[sflag:s4] =	ssyncadd.s32 $0xFFFFFFB0  }
0xfe: {  	[tilespmem:s15], [sflag:$0x3] =	stream.indirect.gather [hbm4b:s20+s10], $0x80, s7, s10, $0xb8;
	[tilespmem:$0x1BB00] =	vst v63  }
.LBB2_5:
0xff: {  	_ =	sfence.sel $0x180000  }
0x100: {  	[bflag:$0x0] =	sbarrier.arrive $0xFFFF  }
0x101: {  	_ =	strace $0x9000004A  }
0x102: {  	s0 =	stileid.u32;
	[bflag:$0x2] =	sbarrier.arrive $0xFFFF  }
0x103: {  	p0 =	sne.s32 s0, $0x0;
	s0 =	rddreg [dreg:$0x3]  }
0x104: {  	s0 =	sadd.s32 @!p0 $0x100000, s0  }
0x105: {  	[sflag:s0] =	ssyncadd.tile.s32 @!p0 $0x1;
	_ =	shalt  }
.Lfunc_end2:
_tile_overlayer_lowered:
.L_overlay_start_2:
0x106: {  	(tag) =	ssettag $0x2  }
0x107: {  	s0 =	rddreg [dreg:$0x0];
	s2 =	stileid.u32  }
0x108: {  	s1 =	rddreg [dreg:$0x1];
	p0 =	sne.s32 s2, $0x0  }
0x109: {  	s3 =	rddreg [dreg:$0x2];
	[bflag:$0x3] =	sbarrier.arrive $0xFFFF;
	s2 =	simm.s32 @!p0 $0x1C0A  }
0x10a: {  	[timem:s3], [sflag:s2] =	dma.local @!p0 [hbm:s0], s1  }
0x10b: {  	s0 =	simm.s32 @!p0 $0xA  }
0x10c: {  	_ =	swait.ge @!p0 [sflag:s0], s1  }
0x10d: {  	s1 =	ssub.s32 @!p0 $0x0, s1;
	[sflag:s0] =	ssyncset.done @!p0 $0x0  }
0x10e: {  	[sflag:s0] =	ssyncadd.s32 @!p0 s1  }
0x10f: {  	[bflag:$0x3] =	sbarrier.arrive $0xFFFF  }
0x110: {  	_ =	shalt  }

// kernel: kernel.7.cloned.1.call-start
scs
__scs_entry_jumppad:
0x0: {  	(pc) =	sbr.rel $0x88, $3  }
0x1: {  	(tag) =	ssettag $0x0;
	lr =	simm.s32 $0x1  }
0x2: {  	[smem:$0x3F97] =	sst lr;
	_ =	strace $0xD0000000  }
0x3: {  	_ = 	snop  }
0x4: {  	_ = 	snop  }
0x5: {  	_ = 	snop  }
0x6: {  	_ = 	snop  }
0x7: {  	_ = 	snop  }
__scs_overlays_trampoline_lowered:
0x8: {  	[smem:$0x3FA6] =	sst s0  }
0x9: {  	[smem:$0x3FA7] =	sst s1  }
0xa: {  	[smem:$0x3FA8] =	sst s2  }
0xb: {  	[smem:$0x3FA9] =	sst s3  }
0xc: {  	[smem:$0x3FAA] =	sst s4  }
0xd: {  	[smem:$0x3FAB] =	sst s5  }
0xe: {  	[smem:$0x3FAC] =	sst s6  }
0xf: {  	[smem:$0x3FAD] =	sst s7  }
0x10: {  	[smem:$0x3FAE] =	sst s8  }
0x11: {  	[smem:$0x3FAF] =	sst s9;
	s0 =	simm.s32 @!p0 $0x0  }
0x12: {  	s1 =	sld [smem:$0x3F95];
	s0 =	simm.s32 @p0 $0x1  }
0x13: {  	[smem:$0x3FB0] =	sst s0;
	s0 =	simm.s32 @!p1 $0x0  }
0x14: {  	s2 =	sld [smem:$0x3F94];
	s0 =	simm.s32 @p1 $0x1  }
0x15: {  	[smem:$0x3FB1] =	sst s0;
	s0 =	simm.s32 @!p2 $0x0  }
0x16: {  	s3 =	sld [smem:$0x3FDB];
	s0 =	simm.s32 @p2 $0x1  }
0x17: {  	s4 =	simm.s32 $0x1BF5;
	[smem:$0x3FB3] =	sst s0  }
0x18: {  	s0 =	sld [smem:$0x3F96];
	_ =	swait.ge [sflag:s4], $0x0  }
0x19: {  	s7 =	sld [smem:$0x3F97]  }
0x1a: {  	s8 =	sadd.s32 $0xFFFFE003, lr  }
0x1b: {  	s9 =	sadd.s32 $0xFFFFFEF7, lr;
	s5 =	simm.s32 $0xFFFFFFFF;
	p2 =	slt.u32 s8, $0xFFFFF086  }
0x1c: {  	p1 =	slt.u32 s9, $0xF7A;
	s5 =	simm.s32 @!p2 $0x0  }
0x1d: {  	s5 =	simm.s32 @p1 $0x1;
	p0 =	seq.s32 s7, s2  }
0x1e: {  	s7 =	smul.u32 @!p0 $0xF7A, s2;
	p2 =	seq.s32 @!p0 s5, $0x0  }
0x1f: {  	s9 =	smul.u32 $0xF7A, s1;
	s8 =	simm.s32 @!p0 $0x1BF5;
	p2 =	por !p2, p0  }
0x20: {  	[sflag:s8] =	ssyncset.s32 @!p0 $0xFFFFF086;
	s6 =	sadd.s32 @!p0 s3, s7;
	s7 =	simm.s32 @!p0 $0x108  }
0x21: {  	s3 =	sadd.s32 s3, s9;
	s6 =	sadd.s32 @!p0 $0x88, s6;
	s7 =	simm.s32 @p2 $0x1082  }
0x22: {  	[simem:s7], [sflag:s8] =	dma.local @!p0 [hbm:s6], $0xF7A  }
0x23: {  	s9 =	sor.u32 $0xD0000000, s2;
	s6 =	simm.s32 $0x108;
	_ =	swait.ge @!p0 [sflag:s8], $0x0  }
0x24: {  	s3 =	sadd.s32 $0x88, s3;
	s6 =	simm.s32 @!p1 $0x1082;
	[sflag:s4] =	ssyncset.s32 $0xFFFFF086  }
0x25: {  	[simem:s6], [sflag:s4] =	dma.local [hbm:s3], $0xF7A  }
0x26: {  	[smem:$0x3F97] =	sst s1;
	(tag) =	ssettag s2;
	_ =	strace s9  }
0x27: {  	s1 =	sld [smem:$0x3FA7]  }
0x28: {  	s2 =	sld [smem:$0x3FA8]  }
0x29: {  	s4 =	sld [smem:$0x3FAA]  }
0x2a: {  	p0 =	seq.s32 s5, $0x0;
	s5 =	sld [smem:$0x3FAB]  }
0x2b: {  	s6 =	sld [smem:$0x3FAC]  }
0x2c: {  	s7 =	sld [smem:$0x3FAD]  }
0x2d: {  	s3 =	simm.s32 $0x108;
	s8 =	sld [smem:$0x3FAE]  }
0x2e: {  	s3 =	simm.s32 @!p0 $0x1082;
	s9 =	sld [smem:$0x3FAF]  }
0x2f: {  	lr =	sadd.s32 s0, s3;
	s0 =	sld [smem:$0x3FA6]  }
0x30: {  	s3 =	sld [smem:$0x3FA9]  }
0x31: {  	[smem:$0x3FB2] =	sst s10  }
0x32: {  	s10 =	sld [smem:$0x3FB0];
	_ =	sdelay $0x3  }
0x33: {  	p0 =	seq.s32 s10, $0x1;
	s10 =	sld [smem:$0x3FB2];
	_ =	sdelay $0x3  }
0x34: {  	[smem:$0x3FB2] =	sst s10  }
0x35: {  	s10 =	sld [smem:$0x3FB1];
	_ =	sdelay $0x3  }
0x36: {  	p1 =	seq.s32 s10, $0x1;
	s10 =	sld [smem:$0x3FB2];
	_ =	sdelay $0x3  }
0x37: {  	[smem:$0x3FB2] =	sst s10  }
0x38: {  	s10 =	sld [smem:$0x3FB3]  }
0x39: {  	_ = 	snop;
	(pc) =	sbr.ind lr, $3  }
0x3a: {  	_ = 	snop  }
0x3b: {  	_ = 	snop  }
0x3c: {  	p2 =	seq.s32 s10, $0x1;
	s10 =	sld [smem:$0x3FB2]  }
0x3d: {  	_ =	shalt  }
0x3e: {  	_ =	shalt  }
0x3f: {  	_ =	shalt  }
0x40: {  	_ =	shalt  }
0x41: {  	_ =	shalt  }
0x42: {  	_ =	shalt  }
0x43: {  	_ =	shalt  }
0x44: {  	_ =	shalt  }
0x45: {  	_ =	shalt  }
0x46: {  	_ =	shalt  }
0x47: {  	_ =	shalt  }
0x48: {  	_ =	shalt  }
0x49: {  	_ =	shalt  }
0x4a: {  	_ =	shalt  }
0x4b: {  	_ =	shalt  }
0x4c: {  	_ =	shalt  }
0x4d: {  	_ =	shalt  }
0x4e: {  	_ =	shalt  }
0x4f: {  	_ =	shalt  }
0x50: {  	_ =	shalt  }
0x51: {  	_ =	shalt  }
0x52: {  	_ =	shalt  }
0x53: {  	_ =	shalt  }
0x54: {  	_ =	shalt  }
0x55: {  	_ =	shalt  }
0x56: {  	_ =	shalt  }
0x57: {  	_ =	shalt  }
0x58: {  	_ =	shalt  }
0x59: {  	_ =	shalt  }
0x5a: {  	_ =	shalt  }
0x5b: {  	_ =	shalt  }
0x5c: {  	_ =	shalt  }
0x5d: {  	_ =	shalt  }
0x5e: {  	_ =	shalt  }
0x5f: {  	_ =	shalt  }
0x60: {  	_ =	shalt  }
0x61: {  	_ =	shalt  }
0x62: {  	_ =	shalt  }
0x63: {  	_ =	shalt  }
0x64: {  	_ =	shalt  }
0x65: {  	_ =	shalt  }
0x66: {  	_ =	shalt  }
0x67: {  	_ =	shalt  }
0x68: {  	_ =	shalt  }
0x69: {  	_ =	shalt  }
0x6a: {  	_ =	shalt  }
0x6b: {  	_ =	shalt  }
0x6c: {  	_ =	shalt  }
0x6d: {  	_ =	shalt  }
0x6e: {  	_ =	shalt  }
0x6f: {  	_ =	shalt  }
0x70: {  	_ =	shalt  }
0x71: {  	_ =	shalt  }
0x72: {  	_ =	shalt  }
0x73: {  	_ =	shalt  }
0x74: {  	_ =	shalt  }
0x75: {  	_ =	shalt  }
0x76: {  	_ =	shalt  }
0x77: {  	_ =	shalt  }
0x78: {  	_ =	shalt  }
0x79: {  	_ =	shalt  }
0x7a: {  	_ =	shalt  }
0x7b: {  	_ =	shalt  }
0x7c: {  	_ =	shalt  }
0x7d: {  	_ =	shalt  }
0x7e: {  	_ =	shalt  }
0x7f: {  	_ =	shalt  }
0x80: {  	_ =	shalt  }
0x81: {  	_ =	shalt  }
0x82: {  	_ =	shalt  }
0x83: {  	_ =	shalt  }
0x84: {  	_ =	shalt  }
0x85: {  	_ =	shalt  }
0x86: {  	_ =	shalt  }
0x87: {  	_ =	shalt  }
.Lfunc_end0:
.L_simem_size_0:
called_computation_lowered:
.L_overlay_start_0:
0x88: {  	s2 =	sld [smem:$0x3FD9]  }
0x89: {  	s3 =	sld [smem:$0x3FFE];
	_ =	sdelay $0x1  }
0x8a: {  	s1 =	srdreg.scid  }
0x8b: {  	s0 =	sand.u32 $0x1, s1  }
0x8c: {  	s14 =	sshll.u32 s0, $0xA;
	s2 =	sadd.s32 s3, s2  }
0x8d: {  	s2 =	sadd.s32 s2, s14  }
0x8e: {  	[smem:$0x3FBE] =	sst s2  }
0x8f: {  	_ = 	snop  }
0x90: {  	s2 =	sld [smem:$0x3FD0];
	_ =	sdelay $0x2  }
0x91: {  	s15 =	simm.s32 $0xA;
	s4 =	simm.s32 $0x10  }
0x92: {  	[smem:s4], [sflag:s15] =	dma.local [hbm:s2], $0x1  }
0x93: {  	_ =	swait.eq [sflag:s15], $0x1  }
0x94: {  	[sflag:s15] =	ssyncset.done $0x0  }
0x95: {  	[sflag:s15] =	ssyncadd.s32 $0xFFFFFFFF  }
0x96: {  	s16 =	sld [smem:$0x11];
	(tm) =	ssettm $0x1  }
0x97: {  	s17 =	sld [smem:$0x3FFB];
	_ =	sdelay $0x3  }
0x98: {  	_ =	strace s17  }
0x99: {  	s3 =	sld [smem:$0x3FFC];
	_ =	sdelay $0x3  }
0x9a: {  	_ =	strace s3  }
0x9b: {  	s3 =	sld [smem:$0x3FFD];
	_ =	sdelay $0x3  }
0x9c: {  	_ =	strace s3  }
0x9d: {  	_ =	strace $0x8FFFFFFF  }
0x9e: {  	s18 =	sld [smem:$0x3FDB];
	_ =	sdelay $0x1  }
0x9f: {  	s19 =	simm.s32 $_scs_section_size  }
0xa0: {  	s5 =	simm.s32 $_size__tile_overlayer_lowered;
	s6 =	simm.s32 $_tile_overlayer_lowered  }
0xa1: {  	s22 =	simm.s32 $0x1BFF;
	s21 =	sshll.u32 s6, $0x1;
	s3 =	sadd.s32 s19, s18  }
0xa2: {  	s7 =	simm.s32 $0x0;
	s20 =	sshll.u32 s5, $0x1;
	s5 =	sadd.s32 s21, s3  }
0xa3: {  	[timem:s7], [sflag:s22] =	dma.local [hbm:s5], s20  }
0xa4: {  	_ =	swait.ge [sflag:s22], s20  }
0xa5: {  	s4 =	ssub.s32 $0x0, s20;
	[sflag:s22] =	ssyncset.done $0x0  }
0xa6: {  	[sflag:s22] =	ssyncadd.s32 s4;
	_ =	sdelay $0x1  }
0xa7: {  	s23 =	simm.s32 $0x1B8B  }
0xa8: {  	_ =	swait.ge [sflag:s23], $0x1  }
0xa9: {  	[sflag:s23] =	ssyncset.done $0x0  }
0xaa: {  	s25 =	simm.s32 $0x1B8E;
	s24 =	sld [smem:$0x3FFE];
	[sflag:s23] =	ssyncadd.s32 $0xFFFFFFFF  }
0xab: {  	s26 =	simm.s32 $execute0_lowered;
	[smem:$0x3FD2] =	sst s25  }
0xac: {  	s5 =	sshll.u32 s26, $0x1;
	_ =	strace $0x80000046;
	[dreg:$0x1] =	wrdreg $0xFFFFFFFF  }
0xad: {  	s28 =	simm.s32 $_size_execute0_lowered;
	s3 =	sadd.s32 s3, s5;
	[dreg:$0x0] =	wrdreg $0x0  }
0xae: {  	s5 =	sshll.u32 s28, $0x1;
	[dreg:$0x2] =	wrdreg s3  }
0xaf: {  	[dreg:$0x3] =	wrdreg s5  }
0xb0: {  	[dreg:$0x4] =	wrdreg $0xC0  }
0xb1: {  	_ =	task [dreg:s7], $0x5FFFF  }
0xb2: {  	[dreg:$0x1] =	wrdreg $0xFFFFFFFF  }
0xb3: {  	[dreg:$0x0] =	wrdreg $0x60  }
0xb4: {  	[dreg:$0x2] =	wrdreg s24  }
0xb5: {  	[dreg:$0x3] =	wrdreg s16  }
0xb6: {  	[dreg:$0x4] =	wrdreg $0x7B000  }
0xb7: {  	[dreg:$0x5] =	wrdreg $0x9  }
0xb8: {  	_ =	task.clear_ibuf [dreg:s7], $0x6FFFF;
	_ =	strace $0x90000046  }
0xb9: {  	s29 =	simm.s32 $0x9;
	_ =	strace $0x80000048  }
0xba: {  	_ =	swait.ge [sflag:s29], $0x1  }
0xbb: {  	[sflag:s29] =	ssyncadd.s32 $0xFFFFFFFF  }
0xbc: {  	_ =	strace $0x90000048  }
0xbd: {  	_ =	sfence  }
0xbe: {  	s30 =	sld [smem:$0x0];
	_ =	sdelay $0x2  }
0xbf: {  	s31 =	sshll.u32 s1, $0xD;
	s1 =	sshrl.u32 s1, $0x2  }
0xc0: {  	s3 =	sand.u32 $0x4000, s31;
	s1 =	sadd.s32 s1, s30  }
0xc1: {  	s0 =	sor.u32 s3, s0;
	s1 =	sshll.u32 s1, $0x11  }
0xc2: {  	s0 =	sor.u32 s1, s0  }
0xc3: {  	s0 =	sadd.s32 $0x8F2B, s0  }
0xc4: {  	[sflag:s0] =	ssyncadd.remote.s32 $0x1  }
0xc5: {  	_ =	sfence.sel $0xFFFF  }
0xc6: {  	[dreg:$0x0] =	wrdreg $0xFFFFFFFF;
	(pc) =	sbr.abs _section_cstart, $3  }
0xc7: {  	[dreg:$0x1] =	wrdreg $0xFFFFFFFF  }
0xc8: {  	_ =	task.clear_ibuf [dreg:s7], $0x2FFFF;
	_ =	strace $0x9FFFFFFF  }
0xc9: {  	(tm) =	ssettm $0x7FFFFFFF  }
tec
execute0_lowered:
.L_overlay_start_1:
0x0: {  	(tag) =	ssettag $0x1  }
0x1: {  	s0 =	srdreg.scid;
	s18 =	stileid.u32;
	s1 =	simm.s32 $0x0  }
0x2: {  	s30 =	simm.s32 $0x8;
	s4 =	sand.u32 $0x1, s0;
	s0 =	rddreg [dreg:$0x0]  }
0x3: {  	s31 =	simm.s32 $0x2800;
	[smem:$0x7FF] =	sst s1;
	s7 =	smul.u32 $0x14000, s18  }
0x4: {  	s24 =	smul.u32 $0x2710, s18;
	s2 =	sshll.u32 s4, $0x4;
	s3 =	sadd.s32 $0x2200, s0  }
0x5: {  	s5 =	sadd.s32 $0x3CE00, s0;
	s6 =	ssub.s32 $0x2, s4;
	s10 =	smul.u32 $0x140000, s4  }
0x6: {  	s4 =	smul.u32 $0x27100, s4;
	s2 =	sor.u32 s18, s2;
	s8 =	sshrl.u32 s6, $0x1  }
0x7: {  	s15 =	sadd.s32 $0xA000, s7;
	s16 =	sadd.s32 $0xC800, s7;
	s21 =	sadd.s32 $0xF000, s7  }
0x8: {  	s2 =	smul.u32 $0x2710, s2;
	s11 =	sadd.s32 s7, s10;
	s20 =	sadd.s32 s10, s15  }
0x9: {  	s23 =	sadd.s32 s10, s16;
	s26 =	sadd.s32 s10, s21;
	s4 =	sadd.s32 s24, s4  }
0xa: {  	s11 =	sshrl.u32 s11, $0x3;
	s29 =	sadd.s32 $0x4E390, s4;
	s24 =	sadd.s32 $0x140, s4  }
0xb: {  	s9 =	sshrl.u32 s2, $0x3;
	s2 =	ssub.s32 s6, s8;
	s6 =	sor.u32 $0x2800, s7  }
0xc: {  	s8 =	sadd.s32 $0x5000, s7;
	s11 =	sadd.s32 s5, s11;
	s22 =	sadd.s32 s3, s9  }
0xd: {  	s9 =	sadd.s32 $0x7800, s7;
	s7 =	sadd.s32 $0x11800, s7;
	[dreg:$0x5] =	wrdreg s11  }
0xe: {  	s14 =	sadd.s32 s10, s6;
	s12 =	sadd.s32 s10, s8;
	s13 =	sadd.s32 s10, s9  }
0xf: {  	s11 =	sshrl.u32 s14, $0x3;
	s12 =	sshrl.u32 s12, $0x3;
	s10 =	sadd.s32 s10, s7  }
0x10: {  	s13 =	sshrl.u32 s13, $0x3;
	s11 =	sadd.s32 s5, s11;
	s17 =	sadd.s32 s5, s12  }
0x11: {  	s12 =	sshrl.u32 s23, $0x3;
	s10 =	sshrl.u32 s10, $0x3;
	[dreg:$0x6] =	wrdreg s11  }
0x12: {  	[dreg:$0x7] =	wrdreg s17;
	s19 =	sadd.s32 s5, s13;
	s11 =	sshrl.u32 s20, $0x3  }
0x13: {  	s25 =	sadd.s32 s5, s12;
	s12 =	sshrl.u32 s29, $0x3;
	s13 =	sadd.s32 $0x190, s4  }
0x14: {  	s17 =	sadd.s32 $0x4E2F0, s4;
	s20 =	sadd.s32 $0x1E0, s4;
	[dreg:$0x8] =	wrdreg s19  }
0x15: {  	s4 =	sadd.s32 $0x4E340, s4;
	s11 =	sadd.s32 s5, s11;
	[dreg:$0xa] =	wrdreg s25  }
0x16: {  	s14 =	sshrl.u32 s13, $0x3;
	s19 =	sshrl.u32 s17, $0x3;
	s17 =	rddreg [dreg:$0x2]  }
0x17: {  	s23 =	sshrl.u32 s20, $0x3;
	[dreg:$0x9] =	wrdreg s11;
	s11 =	sshrl.u32 s26, $0x3  }
0x18: {  	s4 =	sshrl.u32 s4, $0x3;
	s13 =	sadd.s32 s19, s3;
	s11 =	sadd.s32 s5, s11  }
0x19: {  	s26 =	smul.u32 $0x50000, s18;
	s5 =	sadd.s32 s5, s10;
	[dreg:$0xb] =	wrdreg s11  }
0x1a: {  	s19 =	sadd.s32 s4, s3;
	s4 =	sadd.s32 s6, s17;
	[dreg:$0xc] =	wrdreg s5  }
0x1b: {  	s5 =	sadd.s32 s15, s17;
	_ =	strace $0x80000047;
	[dreg:$0xe] =	wrdreg s4  }
0x1c: {  	s28 =	sadd.s32 s8, s17;
	s6 =	sadd.s32 s16, s17;
	[dreg:$0x11] =	wrdreg s5  }
0x1d: {  	s8 =	sadd.s32 s21, s17;
	s29 =	sshrl.u32 s26, $0x2;
	[dreg:$0x12] =	wrdreg s6  }
0x1e: {  	s26 =	sadd.s32 s9, s17;
	s9 =	sadd.s32 s7, s17;
	[dreg:$0x13] =	wrdreg s8  }
0x1f: {  	s25 =	sshrl.u32 s24, $0x3;
	s10 =	smax.u32 s2, $0x1;
	[dreg:$0x14] =	wrdreg s9  }
0x20: {  	s20 =	sadd.s32 $0x15C00, s0;
	s15 =	sadd.s32 $0xA, s22;
	[dreg:$0x15] =	wrdreg s10  }
0x21: {  	s16 =	sadd.s32 $0x14, s22;
	s21 =	sadd.s32 $0x9C40, s22;
	[dreg:$0x16] =	wrdreg s15  }
0x22: {  	s11 =	sadd.s32 s12, s3;
	s12 =	sadd.s32 s14, s3;
	[dreg:$0x17] =	wrdreg s16  }
0x23: {  	s14 =	sadd.s32 s23, s3;
	s23 =	sadd.s32 $0x9C4A, s22;
	[dreg:$0x18] =	wrdreg s21  }
0x24: {  	s24 =	sadd.s32 $0x1E, s22;
	s18 =	sadd.s32 s25, s3;
	[dreg:$0x19] =	wrdreg s23  }
0x25: {  	s25 =	sadd.s32 $0x9C54, s22;
	s2 =	simm.s32 $0x7A00;
	[dreg:$0x1a] =	wrdreg s24  }
0x26: {  	s7 =	simm.s32 $0x7900;
	s3 =	sadd.s32 s29, s17;
	[dreg:$0x4] =	wrdreg s22  }
0x27: {  	[dreg:$0x1b] =	wrdreg s25;
	s5 =	simm.s32 $0x7800;
	s6 =	simm.s32 $0x7880  }
0x28: {  	s8 =	simm.s32 $0x7980;
	s9 =	simm.s32 $0x7;
	s10 =	simm.s32 $0x50  }
.Ltmp0:
0x29: {  	s15 =	simm.s32 $0x5000;
	s16 =	simm.s32 $0x1;
	(pc) =	sbr.rel .LBB2_1-.Ltmp0, $4  }
0x2a: {  	s4 =	simm.s32 $0x9;
	s21 =	simm.s32 $0x2;
	[dreg:$0xf] =	wrdreg s28  }
0x2b: {  	s22 =	simm.s32 $0x4;
	s23 =	simm.s32 $0x3;
	[dreg:$0x10] =	wrdreg s26  }
0x2c: {  	s24 =	simm.s32 $0x5;
	s29 =	simm.s32 $0x0;
	[dreg:$0xd] =	wrdreg s3  }
0x2d: {  	s25 =	simm.s32 $0x6;
	s3 =	simm.s32 $0x7A80;
	[dreg:$0x1c] =	wrdreg s29  }
.LBB2_4:
0x2e: {  	_ =	swait.ge [sflag:s21], $0x50  }
0x2f: {  	[sflag:s21] =	ssyncset.done $0x0  }
0x30: {  	[sflag:s21] =	ssyncadd.s32 $0xFFFFFFB0  }
0x31: {  	_ =	swait.ge [sflag:s21], $0x2800  }
0x32: {  	[sflag:s21] =	ssyncset.done $0x0  }
0x33: {  	[sflag:s21] =	ssyncadd.s32 $0xFFFFD800  }
0x34: {  	[spmem:s17] =	stream.indirect.scatter.add.f32 [tilespmem:s31], [sflag:$0x5], $0x80, s2, s10, $0xb8;
	[tilespmem:$0x1BB00] =	vst v63  }
0x35: {  	_ =	swait.ge [sflag:s22], $0x2800  }
0x36: {  	[sflag:s22] =	ssyncset.done $0x0  }
0x37: {  	[sflag:s22] =	ssyncadd.s32 $0xFFFFD800  }
0x38: {  	_ =	swait.ge [sflag:s24], $0x2800  }
0x39: {  	[sflag:s24] =	ssyncset.done $0x0  }
0x3a: {  	[sflag:s24] =	ssyncadd.s32 $0xFFFFD800  }
0x3b: {  	[bflag:$0x0] =	sbarrier.arrive $0xFFFF  }
0x3c: {  	s0 =	rddreg [dreg:$0xd]  }
0x3d: {  	[tilespmem:s1], [sflag:$0x1] =	stream.linear.gather [spmem:s0], $0x2800, $0x38;
	[tilespmem:$0x1BB00] =	vst v63  }
0x3e: {  	s26 =	rddreg [dreg:$0xe]  }
0x3f: {  	[tilespmem:s31], [sflag:$0x2] =	stream.linear.gather [spmem:s26], $0x2800, $0x38;
	[tilespmem:$0x1BB00] =	vst v63  }
0x40: {  	_ =	swait.ge [sflag:s16], $0x2800  }
0x41: {  	[sflag:s16] =	ssyncset.done $0x0  }
0x42: {  	s29 =	rddreg [dreg:$0x5];
	[sflag:s16] =	ssyncadd.s32 $0xFFFFD800  }
0x43: {  	[hbm4b:s29+s1] =	stream.linear.scatter [tilespmem:s1], [sflag:$0x4], $0x2800, $0x38;
	[tilespmem:$0x1BB00] =	vst v63  }
0x44: {  	_ =	swait.ge [sflag:s22], $0x2800  }
0x45: {  	[sflag:s22] =	ssyncset.done $0x0  }
0x46: {  	s28 =	rddreg [dreg:$0xf];
	[sflag:s22] =	ssyncadd.s32 $0xFFFFD800  }
0x47: {  	[tilespmem:s1], [sflag:$0x1] =	stream.linear.gather [spmem:s28], $0x2800, $0x38;
	[tilespmem:$0x1BB00] =	vst v63  }
0x48: {  	_ =	swait.ge [sflag:s21], $0x2800  }
0x49: {  	[sflag:s21] =	ssyncset.done $0x0  }
0x4a: {  	s26 =	rddreg [dreg:$0x6];
	[sflag:s21] =	ssyncadd.s32 $0xFFFFD800  }
0x4b: {  	[hbm4b:s26+s1] =	stream.linear.scatter [tilespmem:s31], [sflag:$0x5], $0x2800, $0x38;
	[tilespmem:$0x1BB00] =	vst v63  }
0x4c: {  	_ =	swait.ge [sflag:s24], $0x2800  }
0x4d: {  	[sflag:s24] =	ssyncset.done $0x0  }
0x4e: {  	s26 =	rddreg [dreg:$0x10];
	[sflag:s24] =	ssyncadd.s32 $0xFFFFD800  }
0x4f: {  	[tilespmem:s31], [sflag:$0x2] =	stream.linear.gather [spmem:s26], $0x2800, $0x38;
	[tilespmem:$0x1BB00] =	vst v63  }
0x50: {  	_ =	swait.ge [sflag:s16], $0x2800  }
0x51: {  	[sflag:s16] =	ssyncset.done $0x0  }
0x52: {  	s29 =	rddreg [dreg:$0x7];
	[sflag:s16] =	ssyncadd.s32 $0xFFFFD800  }
0x53: {  	[hbm4b:s29+s1] =	stream.linear.scatter [tilespmem:s1], [sflag:$0x4], $0x2800, $0x38;
	[tilespmem:$0x1BB00] =	vst v63  }
0x54: {  	_ =	swait.ge [sflag:s22], $0x2800  }
0x55: {  	[sflag:s22] =	ssyncset.done $0x0  }
0x56: {  	s29 =	rddreg [dreg:$0x11];
	[sflag:s22] =	ssyncadd.s32 $0xFFFFD800  }
0x57: {  	[tilespmem:s1], [sflag:$0x1] =	stream.linear.gather [spmem:s29], $0x2800, $0x38;
	[tilespmem:$0x1BB00] =	vst v63  }
0x58: {  	_ =	swait.ge [sflag:s21], $0x2800  }
0x59: {  	[sflag:s21] =	ssyncset.done $0x0  }
0x5a: {  	s29 =	rddreg [dreg:$0x8];
	[sflag:s21] =	ssyncadd.s32 $0xFFFFD800  }
0x5b: {  	[hbm4b:s29+s1] =	stream.linear.scatter [tilespmem:s31], [sflag:$0x5], $0x2800, $0x38;
	[tilespmem:$0x1BB00] =	vst v63  }
0x5c: {  	_ =	swait.ge [sflag:s24], $0x2800  }
0x5d: {  	[sflag:s24] =	ssyncset.done $0x0  }
0x5e: {  	s29 =	rddreg [dreg:$0x12];
	[sflag:s24] =	ssyncadd.s32 $0xFFFFD800  }
0x5f: {  	[tilespmem:s31], [sflag:$0x2] =	stream.linear.gather [spmem:s29], $0x2800, $0x38;
	[tilespmem:$0x1BB00] =	vst v63  }
0x60: {  	_ =	swait.ge [sflag:s16], $0x2800  }
0x61: {  	[sflag:s16] =	ssyncset.done $0x0  }
0x62: {  	s29 =	rddreg [dreg:$0x9];
	[sflag:s16] =	ssyncadd.s32 $0xFFFFD800  }
0x63: {  	[hbm4b:s29+s1] =	stream.linear.scatter [tilespmem:s1], [sflag:$0x4], $0x2800, $0x38;
	[tilespmem:$0x1BB00] =	vst v63  }
0x64: {  	_ =	swait.ge [sflag:s22], $0x2800  }
0x65: {  	[sflag:s22] =	ssyncset.done $0x0  }
0x66: {  	s29 =	rddreg [dreg:$0x13];
	[sflag:s22] =	ssyncadd.s32 $0xFFFFD800  }
0x67: {  	[tilespmem:s1], [sflag:$0x1] =	stream.linear.gather [spmem:s29], $0x2800, $0x38;
	[tilespmem:$0x1BB00] =	vst v63  }
0x68: {  	_ =	swait.ge [sflag:s21], $0x2800  }
0x69: {  	[sflag:s21] =	ssyncset.done $0x0  }
0x6a: {  	s29 =	rddreg [dreg:$0xa];
	[sflag:s21] =	ssyncadd.s32 $0xFFFFD800  }
0x6b: {  	[hbm4b:s29+s1] =	stream.linear.scatter [tilespmem:s31], [sflag:$0x5], $0x2800, $0x38;
	[tilespmem:$0x1BB00] =	vst v63  }
0x6c: {  	_ =	swait.ge [sflag:s24], $0x2800  }
0x6d: {  	[sflag:s24] =	ssyncset.done $0x0  }
0x6e: {  	s29 =	rddreg [dreg:$0x14];
	[sflag:s24] =	ssyncadd.s32 $0xFFFFD800  }
0x6f: {  	[tilespmem:s31], [sflag:$0x2] =	stream.linear.gather [spmem:s29], $0x2800, $0x38;
	[tilespmem:$0x1BB00] =	vst v63  }
0x70: {  	_ =	swait.ge [sflag:s16], $0x2800  }
0x71: {  	[sflag:s16] =	ssyncset.done $0x0  }
0x72: {  	s29 =	rddreg [dreg:$0xb];
	[sflag:s16] =	ssyncadd.s32 $0xFFFFD800  }
0x73: {  	[hbm4b:s29+s1] =	stream.linear.scatter [tilespmem:s1], [sflag:$0x4], $0x2800, $0x38;
	[tilespmem:$0x1BB00] =	vst v63  }
0x74: {  	_ =	swait.ge [sflag:s21], $0x2800  }
0x75: {  	[sflag:s21] =	ssyncset.done $0x0  }
0x76: {  	s29 =	rddreg [dreg:$0xc];
	[sflag:s21] =	ssyncadd.s32 $0xFFFFD800  }
0x77: {  	[hbm4b:s29+s1] =	stream.linear.scatter [tilespmem:s31], [sflag:$0x5], $0x2800, $0x38;
	[tilespmem:$0x1BB00] =	vst v63  }
0x78: {  	_ =	swait.ge [sflag:s22], $0x2800  }
0x79: {  	[sflag:s22] =	ssyncset.done $0x0  }
0x7a: {  	[sflag:s22] =	ssyncadd.s32 $0xFFFFD800  }
0x7b: {  	_ =	swait.ge [sflag:s24], $0x2800  }
0x7c: {  	s29 =	rddreg [dreg:$0x1c]  }
0x7d: {  	s0 =	rddreg [dreg:$0x15];
	s29 =	sadd.s32 $0x1, s29  }
0x7e: {  	p0 =	sne.s32 s29, s0  }
.Ltmp1:
0x7f: {  	_ = 	snop;
	(pc) =	sbr.rel @!p0 .LBB2_5-.Ltmp1, $3  }
0x80: {  	_ =	sdelay $0x1  }
0x81: {  	[sflag:s24] =	ssyncset.done $0x0  }
0x82: {  	[sflag:s24] =	ssyncadd.s32 $0xFFFFD800;
	[dreg:$0x1c] =	wrdreg s29  }
.LBB2_1:
0x83: {  	s0 =	rddreg [dreg:$0x4]  }
0x84: {  	[tilespmem:s5], [sflag:$0x7] =	stream.linear.gather [hbm4b:s0+s1], $0x50, $0x38;
	[tilespmem:$0x1BB00] =	vst v63  }
0x85: {  	s29 =	rddreg [dreg:$0x16]  }
0x86: {  	[tilespmem:s6], [sflag:$0x8] =	stream.linear.gather [hbm4b:s29+s1], $0x50, $0x38;
	[tilespmem:$0x1BB00] =	vst v63  }
0x87: {  	s29 =	rddreg [dreg:$0x17]  }
0x88: {  	[tilespmem:s7], [sflag:$0x9] =	stream.linear.gather [hbm4b:s29+s1], $0x50, $0x38;
	[tilespmem:$0x1BB00] =	vst v63  }
0x89: {  	s29 =	rddreg [dreg:$0x18]  }
0x8a: {  	[tilespmem:s8], [sflag:$0x1] =	stream.linear.gather [hbm4b:s29+s1], $0x50, $0x38;
	[tilespmem:$0x1BB00] =	vst v63  }
0x8b: {  	_ =	swait.ge [sflag:s9], $0x50  }
0x8c: {  	[sflag:s9] =	ssyncset.done $0x0  }
0x8d: {  	[sflag:s9] =	ssyncadd.s32 $0xFFFFFFB0  }
0x8e: {  	[tilespmem:s1], [sflag:$0x1] =	stream.indirect.gather [hbm4b:s20+s10], $0x80, s5, s10, $0xb8;
	[tilespmem:$0x1BB00] =	vst v63  }
0x8f: {  	s29 =	rddreg [dreg:$0x19]  }
0x90: {  	[tilespmem:s2], [sflag:$0x2] =	stream.linear.gather [hbm4b:s29+s1], $0x50, $0x38;
	[tilespmem:$0x1BB00] =	vst v63  }
0x91: {  	_ =	swait.ge [sflag:s30], $0x50  }
0x92: {  	[sflag:s30] =	ssyncset.done $0x0  }
0x93: {  	[sflag:s30] =	ssyncadd.s32 $0xFFFFFFB0  }
0x94: {  	[tilespmem:s31], [sflag:$0x2] =	stream.indirect.gather [hbm4b:s20+s10], $0x80, s6, s10, $0xb8;
	[tilespmem:$0x1BB00] =	vst v63  }
0x95: {  	s0 =	simm.s32 $0xA;
	s29 =	rddreg [dreg:$0x1]  }
0x96: {  	[tilespmem:s15], [sflag:$0xA] =	stream.linear.gather [hbm4b:s29+s1], $0x2800, $0x38;
	[tilespmem:$0x1BB00] =	vst v63  }
0x97: {  	_ =	swait.ge [sflag:s0], $0x2800  }
0x98: {  	s29 =	smov.u32 s26;
	[sflag:s0] =	ssyncset.done $0x0  }
0x99: {  	s26 =	smov.u32 s28;
	s28 =	rddreg [dreg:$0xd];
	[sflag:s0] =	ssyncadd.s32 $0xFFFFD800  }
0x9a: {  	[spmem:s28] =	stream.linear.scatter [tilespmem:s15], [sflag:$0xA], $0x2800, $0x38;
	[tilespmem:$0x1BB00] =	vst v63  }
0x9b: {  	_ =	swait.ge [sflag:s0], $0x2800  }
0x9c: {  	[sflag:s0] =	ssyncset.done $0x0  }
0x9d: {  	s28 =	rddreg [dreg:$0xe];
	[sflag:s0] =	ssyncadd.s32 $0xFFFFD800  }
0x9e: {  	[spmem:s28] =	stream.linear.scatter [tilespmem:s15], [sflag:$0xA], $0x2800, $0x38;
	[tilespmem:$0x1BB00] =	vst v63  }
0x9f: {  	_ =	swait.ge [sflag:s0], $0x2800  }
0xa0: {  	[sflag:s0] =	ssyncset.done $0x0  }
0xa1: {  	[sflag:s0] =	ssyncadd.s32 $0xFFFFD800  }
0xa2: {  	[spmem:s26] =	stream.linear.scatter [tilespmem:s15], [sflag:$0xA], $0x2800, $0x38;
	[tilespmem:$0x1BB00] =	vst v63  }
0xa3: {  	_ =	swait.ge [sflag:s0], $0x2800  }
0xa4: {  	[sflag:s0] =	ssyncset.done $0x0  }
0xa5: {  	[sflag:s0] =	ssyncadd.s32 $0xFFFFD800  }
0xa6: {  	[spmem:s29] =	stream.linear.scatter [tilespmem:s15], [sflag:$0xA], $0x2800, $0x38;
	[tilespmem:$0x1BB00] =	vst v63  }
0xa7: {  	_ =	swait.ge [sflag:s0], $0x2800  }
0xa8: {  	[sflag:s0] =	ssyncset.done $0x0  }
0xa9: {  	s29 =	rddreg [dreg:$0x11];
	[sflag:s0] =	ssyncadd.s32 $0xFFFFD800  }
0xaa: {  	[spmem:s29] =	stream.linear.scatter [tilespmem:s15], [sflag:$0xA], $0x2800, $0x38;
	[tilespmem:$0x1BB00] =	vst v63  }
0xab: {  	_ =	swait.ge [sflag:s0], $0x2800  }
0xac: {  	[sflag:s0] =	ssyncset.done $0x0  }
0xad: {  	s29 =	rddreg [dreg:$0x12];
	[sflag:s0] =	ssyncadd.s32 $0xFFFFD800  }
0xae: {  	[spmem:s29] =	stream.linear.scatter [tilespmem:s15], [sflag:$0xA], $0x2800, $0x38;
	[tilespmem:$0x1BB00] =	vst v63  }
0xaf: {  	_ =	swait.ge [sflag:s0], $0x2800  }
0xb0: {  	[sflag:s0] =	ssyncset.done $0x0  }
0xb1: {  	s29 =	rddreg [dreg:$0x13];
	[sflag:s0] =	ssyncadd.s32 $0xFFFFD800  }
0xb2: {  	[spmem:s29] =	stream.linear.scatter [tilespmem:s15], [sflag:$0xA], $0x2800, $0x38;
	[tilespmem:$0x1BB00] =	vst v63  }
0xb3: {  	_ =	swait.ge [sflag:s0], $0x2800  }
0xb4: {  	[sflag:s0] =	ssyncset.done $0x0  }
0xb5: {  	s29 =	rddreg [dreg:$0x14];
	[sflag:s0] =	ssyncadd.s32 $0xFFFFD800  }
0xb6: {  	[spmem:s29] =	stream.linear.scatter [tilespmem:s15], [sflag:$0xA], $0x2800, $0x38;
	[tilespmem:$0x1BB00] =	vst v63  }
0xb7: {  	_ =	swait.ge [sflag:s0], $0x2800  }
0xb8: {  	[sflag:s0] =	ssyncset.done $0x0  }
0xb9: {  	[sflag:s0] =	ssyncadd.s32 $0xFFFFD800  }
0xba: {  	[bflag:$0x0] =	sbarrier.arrive $0xFFFF  }
0xbb: {  	_ =	swait.ge [sflag:s16], $0x50  }
0xbc: {  	[sflag:s16] =	ssyncset.done $0x0  }
0xbd: {  	[sflag:s16] =	ssyncadd.s32 $0xFFFFFFB0  }
0xbe: {  	_ =	swait.ge [sflag:s16], $0x2800  }
0xbf: {  	[sflag:s16] =	ssyncset.done $0x0  }
0xc0: {  	[sflag:s16] =	ssyncadd.s32 $0xFFFFD800  }
0xc1: {  	[spmem:s17] =	stream.indirect.scatter.add.f32 [tilespmem:s1], [sflag:$0x4], $0x80, s8, s10, $0xb8;
	[tilespmem:$0x1BB00] =	vst v63  }
0xc2: {  	s26 =	rddreg [dreg:$0x1a]  }
0xc3: {  	[tilespmem:s5], [sflag:$0x7] =	stream.linear.gather [hbm4b:s26+s1], $0x50, $0x38;
	[tilespmem:$0x1BB00] =	vst v63  }
0xc4: {  	s29 =	rddreg [dreg:$0x1b]  }
0xc5: {  	[tilespmem:s3], [sflag:$0x3] =	stream.linear.gather [hbm4b:s29+s1], $0x50, $0x38;
	[tilespmem:$0x1BB00] =	vst v63  }
0xc6: {  	_ =	swait.ge [sflag:s4], $0x50  }
0xc7: {  	[sflag:s4] =	ssyncset.done $0x0  }
0xc8: {  	s28 =	simm.s32 $0x0;
	[sflag:s4] =	ssyncadd.s32 $0xFFFFFFB0  }
0xc9: {  	[tilespmem:s15], [sflag:$0x3] =	stream.indirect.gather [hbm4b:s20+s10], $0x80, s7, s10, $0xb8;
	[tilespmem:$0x1BB00] =	vst v63  }
.LBB2_2:
0xca: {  	_ =	swait.ge [sflag:s21], $0x50  }
0xcb: {  	[sflag:s21] =	ssyncset.done $0x0  }
0xcc: {  	[sflag:s21] =	ssyncadd.s32 $0xFFFFFFB0  }
0xcd: {  	_ =	swait.ge [sflag:s21], $0x2800  }
0xce: {  	[sflag:s21] =	ssyncset.done $0x0  }
0xcf: {  	[sflag:s21] =	ssyncadd.s32 $0xFFFFD800  }
0xd0: {  	[spmem:s17] =	stream.indirect.scatter.add.f32 [tilespmem:s31], [sflag:$0x5], $0x80, s2, s10, $0xb8;
	[tilespmem:$0x1BB00] =	vst v63  }
0xd1: {  	_ =	swait.ge [sflag:s22], $0x2800  }
0xd2: {  	[sflag:s22] =	ssyncset.done $0x0  }
0xd3: {  	s29 =	sadd.s32 s28, s18;
	[sflag:s22] =	ssyncadd.s32 $0xFFFFD800  }
0xd4: {  	[tilespmem:s6], [sflag:$0x8] =	stream.linear.gather [hbm4b:s29+s1], $0x50, $0x38;
	[tilespmem:$0x1BB00] =	vst v63  }
0xd5: {  	s26 =	sadd.s32 s28, s13  }
0xd6: {  	[tilespmem:s8], [sflag:$0x1] =	stream.linear.gather [hbm4b:s26+s1], $0x50, $0x38;
	[tilespmem:$0x1BB00] =	vst v63  }
0xd7: {  	_ =	swait.ge [sflag:s9], $0x50  }
0xd8: {  	[sflag:s9] =	ssyncset.done $0x0  }
0xd9: {  	[sflag:s9] =	ssyncadd.s32 $0xFFFFFFB0  }
0xda: {  	[tilespmem:s1], [sflag:$0x1] =	stream.indirect.gather [hbm4b:s20+s10], $0x80, s5, s10, $0xb8;
	[tilespmem:$0x1BB00] =	vst v63  }
0xdb: {  	_ =	swait.ge [sflag:s23], $0x50  }
0xdc: {  	[sflag:s23] =	ssyncset.done $0x0  }
0xdd: {  	[sflag:s23] =	ssyncadd.s32 $0xFFFFFFB0  }
0xde: {  	_ =	swait.ge [sflag:s23], $0x2800  }
0xdf: {  	[sflag:s23] =	ssyncset.done $0x0  }
0xe0: {  	[sflag:s23] =	ssyncadd.s32 $0xFFFFD800  }
0xe1: {  	[spmem:s17] =	stream.indirect.scatter.add.f32 [tilespmem:s15], [sflag:$0x6], $0x80, s3, s10, $0xb8;
	[tilespmem:$0x1BB00] =	vst v63  }
0xe2: {  	p0 =	seq.s32 s28, $0x4B0;
	_ =	swait.ge [sflag:s24], $0x2800  }
0xe3: {  	s0 =	simm.s32 @!p0 $0x7900;
	[sflag:s24] =	ssyncset.done $0x0  }
0xe4: {  	s29 =	sadd.s32 @!p0 s28, s12;
	s26 =	simm.s32 @!p0 $0x0;
	[sflag:s24] =	ssyncadd.s32 $0xFFFFD800  }
0xe5: {  	[tilespmem:s0], [sflag:$0x9] =	stream.linear.gather @!p0 [hbm4b:s29+s26], $0x50, $0x38;
	[tilespmem:$0x1BB00] =	vst v63  }
0xe6: {  	s29 =	sadd.s32 s28, s19  }
0xe7: {  	[tilespmem:s2], [sflag:$0x2] =	stream.linear.gather [hbm4b:s29+s1], $0x50, $0x38;
	[tilespmem:$0x1BB00] =	vst v63  }
0xe8: {  	_ =	swait.ge [sflag:s30], $0x50  }
0xe9: {  	[sflag:s30] =	ssyncset.done $0x0  }
0xea: {  	[sflag:s30] =	ssyncadd.s32 $0xFFFFFFB0  }
0xeb: {  	[tilespmem:s31], [sflag:$0x2] =	stream.indirect.gather [hbm4b:s20+s10], $0x80, s6, s10, $0xb8;
	[tilespmem:$0x1BB00] =	vst v63  }
0xec: {  	_ =	swait.ge [sflag:s16], $0x50  }
0xed: {  	[sflag:s16] =	ssyncset.done $0x0  }
0xee: {  	[sflag:s16] =	ssyncadd.s32 $0xFFFFFFB0  }
0xef: {  	_ =	swait.ge [sflag:s16], $0x2800  }
0xf0: {  	[sflag:s16] =	ssyncset.done $0x0  }
.Ltmp2:
0xf1: {  	[sflag:s16] =	ssyncadd.s32 $0xFFFFD800;
	(pc) =	sbr.rel @p0 .LBB2_4-.Ltmp2, $4  }
0xf2: {  	[spmem:s17] =	stream.indirect.scatter.add.f32 [tilespmem:s1], [sflag:$0x4], $0x80, s8, s10, $0xb8;
	[tilespmem:$0x1BB00] =	vst v63  }
0xf3: {  	_ =	swait.ge [sflag:s25], $0x2800  }
0xf4: {  	[sflag:s25] =	ssyncset.done $0x0  }
0xf5: {  	[sflag:s25] =	ssyncadd.s32 $0xFFFFD800  }
0xf6: {  	s0 =	sadd.s32 s28, s14  }
0xf7: {  	[tilespmem:s5], [sflag:$0x7] =	stream.linear.gather [hbm4b:s0+s1], $0x50, $0x38;
	[tilespmem:$0x1BB00] =	vst v63  }
0xf8: {  	s29 =	sadd.s32 s28, s11  }
0xf9: {  	[tilespmem:s3], [sflag:$0x3] =	stream.linear.gather [hbm4b:s29+s1], $0x50, $0x38;
	[tilespmem:$0x1BB00] =	vst v63  }
.Ltmp3:
0xfa: {  	_ = 	snop;
	(pc) =	sbr.rel .LBB2_2-.Ltmp3, $4  }
0xfb: {  	_ =	swait.ge [sflag:s4], $0x50  }
0xfc: {  	[sflag:s4] =	ssyncset.done $0x0  }
0xfd: {  	s28 =	sadd.s32 $0x1E, s28;
	[sflag:s4] =	ssyncadd.s32 $0xFFFFFFB0  }
0xfe: {  	[tilespmem:s15], [sflag:$0x3] =	stream.indirect.gather [hbm4b:s20+s10], $0x80, s7, s10, $0xb8;
	[tilespmem:$0x1BB00] =	vst v63  }
.LBB2_5:
0xff: {  	_ =	sfence.sel $0x180000  }
0x100: {  	[bflag:$0x0] =	sbarrier.arrive $0xFFFF  }
0x101: {  	_ =	strace $0x90000047  }
0x102: {  	s0 =	stileid.u32;
	[bflag:$0x2] =	sbarrier.arrive $0xFFFF  }
0x103: {  	p0 =	sne.s32 s0, $0x0;
	s0 =	rddreg [dreg:$0x3]  }
0x104: {  	s0 =	sadd.s32 @!p0 $0x100000, s0  }
0x105: {  	[sflag:s0] =	ssyncadd.tile.s32 @!p0 $0x1;
	_ =	shalt  }
.Lfunc_end2:
_tile_overlayer_lowered:
.L_overlay_start_2:
0x106: {  	(tag) =	ssettag $0x2  }
0x107: {  	s0 =	rddreg [dreg:$0x0];
	s2 =	stileid.u32  }
0x108: {  	s1 =	rddreg [dreg:$0x1];
	p0 =	sne.s32 s2, $0x0  }
0x109: {  	s3 =	rddreg [dreg:$0x2];
	[bflag:$0x3] =	sbarrier.arrive $0xFFFF;
	s2 =	simm.s32 @!p0 $0x1C0A  }
0x10a: {  	[timem:s3], [sflag:s2] =	dma.local @!p0 [hbm:s0], s1  }
0x10b: {  	s0 =	simm.s32 @!p0 $0xA  }
0x10c: {  	_ =	swait.ge @!p0 [sflag:s0], s1  }
0x10d: {  	s1 =	ssub.s32 @!p0 $0x0, s1;
	[sflag:s0] =	ssyncset.done @!p0 $0x0  }
0x10e: {  	[sflag:s0] =	ssyncadd.s32 @!p0 s1  }
0x10f: {  	[bflag:$0x3] =	sbarrier.arrive $0xFFFF  }
0x110: {  	_ =	shalt  }

</sc_bundles>
